<compile_context>
chip_gen: v7x
topology: tpu7x:2x2x1
jax: 0.10.2.dev20260603
libtpu: 0.0.44.dev20260713+nightly
codegen_flags: <defaults>
</compile_context>

<pallas_src>
import functools

import jax
import jax.numpy as jnp
import numpy as np
from jax import lax
from jax.experimental import pallas as pl
from jax.experimental.pallas import tpu as pltpu
from jax.experimental.pallas import tpu_sc as plsc

N_SRC = 100000
N_DST = 10000
E = 320000
D = 128
H = 128

NC = 2
NS = 16
NW = NC * NS
RW = E // NW
CH = 80
NCH = RW // CH

f32 = jnp.float32

_sc_mesh = plsc.VectorSubcoreMesh(core_axis_name="c", subcore_axis_name="s")


def _ln(y, g, bt):
    mu = jnp.mean(y, axis=-1, keepdims=True)
    var = jnp.mean((y - mu) * (y - mu), axis=-1, keepdims=True)
    return (y - mu) * lax.rsqrt(var + 1e-5) * g + bt


def _silu(x):
    return x * lax.logistic(x)





def _grid_body(x_ref, wp_ref, w1_ref, b1_ref, w2_ref, b2_ref, g_ref, bt_ref,
               out_ref, proj_ref):
    x = x_ref[...]
    proj_ref[...] = jnp.dot(x, wp_ref[...], preferred_element_type=f32)
    h = _silu(jnp.dot(x, w1_ref[...], preferred_element_type=f32) + b1_ref[...])
    y = jnp.dot(h, w2_ref[...], preferred_element_type=f32) + b2_ref[...]
    out_ref[...] = x + _ln(y, g_ref[...], bt_ref[...])


def _meshproj_body(x_ref, wp_ref, proj_ref):
    proj_ref[...] = jnp.dot(x_ref[...], wp_ref[...], preferred_element_type=f32)


def _edge_body(ef_ref, gsum_ref, w1_ref, b1_ref, w2_ref, b2_ref, g_ref,
               bt_ref, out_ref):
    pre = (jnp.dot(ef_ref[...], w1_ref[...], preferred_element_type=f32)
           + gsum_ref[...] + b1_ref[...])
    h = _silu(pre)
    y = jnp.dot(h, w2_ref[...], preferred_element_type=f32) + b2_ref[...]
    out_ref[...] = _ln(y, g_ref[...], bt_ref[...])


def _dst_body(p0_ref, p1_ref, m_ref, w1a_ref, w1b_ref, b1_ref, w2_ref, b2_ref,
              g_ref, bt_ref, out_ref):
    agg = p0_ref[...] + p1_ref[...]
    m = m_ref[...]
    pre = (jnp.dot(agg, w1a_ref[...], preferred_element_type=f32)
           + jnp.dot(m, w1b_ref[...], preferred_element_type=f32)
           + b1_ref[...])
    h = _silu(pre)
    y = jnp.dot(h, w2_ref[...], preferred_element_type=f32) + b2_ref[...]
    out_ref[...] = m + _ln(y, g_ref[...], bt_ref[...])


def _row_spec(br):
    return pl.BlockSpec((br, D), lambda i: (i, 0))


def _full_spec(shape):
    return pl.BlockSpec(shape, lambda i: tuple(0 for _ in shape))



def _sc_gather(grid_proj, mesh_proj, si3, di3):
    @functools.partial(
        pl.kernel,
        out_type=jax.ShapeDtypeStruct((E, D), f32),
        mesh=_sc_mesh,
        scratch_types=[
            pltpu.VMEM((NCH, CH), jnp.int32),
            pltpu.VMEM((NCH, CH), jnp.int32),
            pltpu.VMEM((CH, D), f32), pltpu.VMEM((CH, D), f32),
            pltpu.VMEM((CH, D), f32), pltpu.VMEM((CH, D), f32),
            pltpu.VMEM((CH, D), f32), pltpu.VMEM((CH, D), f32),
            pltpu.VMEM((CH, D), f32), pltpu.VMEM((CH, D), f32),
            pltpu.SemaphoreType.DMA, pltpu.SemaphoreType.DMA,
            pltpu.SemaphoreType.DMA, pltpu.SemaphoreType.DMA,
            pltpu.SemaphoreType.DMA, pltpu.SemaphoreType.DMA,
            pltpu.SemaphoreType.DMA, pltpu.SemaphoreType.DMA,
        ])
    def k(gp_hbm, mp_hbm, si_hbm, di_hbm, os_hbm,
          si_v, di_v, rs0, rd0, rs1, rd1, rs2, rd2, rs3, rd3,
          g0, g1, g2, g3, w0, w1, w2, w3):
        rs = (rs0, rs1, rs2, rs3)
        rd = (rd0, rd1, rd2, rd3)
        gsem = (g0, g1, g2, g3)
        wsem = (w0, w1, w2, w3)
        wid = lax.axis_index("s") * NC + lax.axis_index("c")
        base = wid * RW
        pltpu.sync_copy(si_hbm.at[wid], si_v)
        pltpu.sync_copy(di_hbm.at[wid], di_v)

        def gstart(b, c):
            pltpu.async_copy(gp_hbm.at[si_v.at[c]], rs[b], gsem[b])
            pltpu.async_copy(mp_hbm.at[di_v.at[c]], rd[b], gsem[b])

        def gwait(b):
            pltpu.make_async_copy(gp_hbm.at[pl.ds(0, CH)], rs[b], gsem[b]).wait()
            pltpu.make_async_copy(gp_hbm.at[pl.ds(0, CH)], rd[b], gsem[b]).wait()

        def tadd(b):
            @pl.loop(0, CH)
            def _(r):
                for j in range(D // 16):
                    sl = pl.ds(16 * j, 16)
                    rs[b][r, sl] = rs[b][r, sl] + rd[b][r, sl]

        def wstart(b, c):
            pltpu.async_copy(rs[b], os_hbm.at[pl.ds(base + c * CH, CH)],
                             wsem[b])

        def wwait(b):
            pltpu.make_async_copy(rs[b], os_hbm.at[pl.ds(0, CH)],
                                  wsem[b]).wait()

        gstart(0, 0)
        gstart(1, 1)

        @pl.loop(0, (NCH - 1) // 4)
        def _(p):
            c = 4 * p
            for h in range(4):
                bh, bn = h, (h + 2) % 4
                gwait(bh)
                if h < 2:
                    @pl.when(p > 0)
                    def _():
                        wwait(bn)
                        gstart(bn, c + h + 2)

                    @pl.when(p == 0)
                    def _():
                        gstart(bn, c + h + 2)
                elif h == 2:
                    wwait(bn)
                    gstart(bn, c + h + 2)
                else:
                    @pl.when(p < (NCH - 1) // 4 - 1)
                    def _():
                        wwait(bn)
                        gstart(bn, c + h + 2)
                tadd(bh)
                wstart(bh, c + h)

        gwait(0)
        tadd(0)
        wstart(0, NCH - 1)
        wwait(1)
        wwait(2)
        wwait(3)
        wwait(0)

    return k(grid_proj, mesh_proj, si3, di3)


def _sc_scatter(e_out, di3, zeros_nd):
    @functools.partial(
        pl.kernel,
        out_type=jax.ShapeDtypeStruct((NC, N_DST, D), f32),
        mesh=_sc_mesh,
        scratch_types=[
            pltpu.VMEM((NCH, CH), jnp.int32),
            pltpu.VMEM((CH, D), f32), pltpu.VMEM((CH, D), f32),
            pltpu.VMEM((CH, D), f32),
            pltpu.VMEM_SHARED((N_DST, D), f32),
            pltpu.SemaphoreType.DMA, pltpu.SemaphoreType.DMA,
            pltpu.SemaphoreType.DMA,
        ])
    def k(eo_hbm, di_hbm, z_hbm, out_hbm, di_v, ra, rb, rc, agg_sh,
          sa, sb, sc):
        rows = (ra, rb, rc)
        sem = (sa, sb, sc)
        cid = lax.axis_index("c")
        sid = lax.axis_index("s")
        wid = sid * NC + cid
        base = wid * RW
        pltpu.sync_copy(di_hbm.at[wid], di_v)

        @pl.when(sid == 0)
        def _():
            pltpu.sync_copy(z_hbm, agg_sh)
        plsc.subcore_barrier()

        def rstart(b, c):
            pltpu.async_copy(eo_hbm.at[pl.ds(base + c * CH, CH)], rows[b],
                             sem[b])

        def rwait(b):
            pltpu.make_async_copy(eo_hbm.at[pl.ds(0, CH)], rows[b],
                                  sem[b]).wait()

        def scat(b, c):
            pltpu.sync_copy(rows[b], agg_sh.at[di_v.at[c]], add=True)

        rstart(0, 0)
        rstart(1, 1)

        @pl.loop(0, (NCH - 2) // 3)
        def _(p):
            c = 3 * p
            for h in range(3):
                bh, bn = h, (h + 2) % 3
                rwait(bh)
                rstart(bn, c + h + 2)
                scat(bh, c + h)

        rwait(0)
        scat(0, NCH - 2)
        rwait(1)
        scat(1, NCH - 1)

        plsc.subcore_barrier()

        @pl.when(sid == 0)
        def _():
            pltpu.sync_copy(agg_sh, out_hbm.at[cid])

    return k(e_out, di3, zeros_nd)



@jax.jit
def kernel(g2m_efeat, grid_nfeat, mesh_nfeat, edge_index,
           edge_W1, edge_b1, edge_W2, edge_b2, edge_g, edge_bt,
           src_W1, src_b1, src_W2, src_b2, src_g, src_bt,
           dst_W1, dst_b1, dst_W2, dst_b2, dst_g, dst_bt):
    si3 = edge_index[0].astype(jnp.int32).reshape(NW, NCH, CH)
    di3 = edge_index[1].astype(jnp.int32).reshape(NW, NCH, CH)

    w1e = edge_W1[:D]
    w1s = edge_W1[D:2 * D]
    w1d = edge_W1[2 * D:]
    dw1a = dst_W1[:D]
    dw1b = dst_W1[D:]

    def r2(b):
        return b.reshape(1, -1)

    BRG = 2000
    grid_out, grid_proj = pl.pallas_call(
        _grid_body,
        grid=(N_SRC // BRG,),
        in_specs=[_row_spec(BRG), _full_spec((D, H)), _full_spec((D, H)),
                  _full_spec((1, H)), _full_spec((H, D)), _full_spec((1, D)),
                  _full_spec((1, D)), _full_spec((1, D))],
        out_specs=[_row_spec(BRG), _row_spec(BRG)],
        out_shape=[jax.ShapeDtypeStruct((N_SRC, D), f32),
                   jax.ShapeDtypeStruct((N_SRC, H), f32)],
    )(grid_nfeat, w1s, src_W1, r2(src_b1), src_W2, r2(src_b2), r2(src_g),
      r2(src_bt))

    BRM = 2000
    mesh_proj = pl.pallas_call(
        _meshproj_body,
        grid=(N_DST // BRM,),
        in_specs=[_row_spec(BRM), _full_spec((D, H))],
        out_specs=_row_spec(BRM),
        out_shape=jax.ShapeDtypeStruct((N_DST, H), f32),
    )(mesh_nfeat, w1d)

    gsum = _sc_gather(grid_proj, mesh_proj, si3, di3)

    BRE = 8000
    e_out = pl.pallas_call(
        _edge_body,
        grid=(E // BRE,),
        in_specs=[_row_spec(BRE), _row_spec(BRE),
                  _full_spec((D, H)), _full_spec((1, H)), _full_spec((H, D)),
                  _full_spec((1, D)), _full_spec((1, D)), _full_spec((1, D))],
        out_specs=_row_spec(BRE),
        out_shape=jax.ShapeDtypeStruct((E, D), f32),
    )(g2m_efeat, gsum, w1e, r2(edge_b1), edge_W2, r2(edge_b2),
      r2(edge_g), r2(edge_bt))

    parts = _sc_scatter(e_out, di3, jnp.zeros((N_DST, D), f32))

    BRD = 2000
    mesh_out = pl.pallas_call(
        _dst_body,
        grid=(N_DST // BRD,),
        in_specs=[_row_spec(BRD), _row_spec(BRD), _row_spec(BRD),
                  _full_spec((D, H)), _full_spec((D, H)), _full_spec((1, H)),
                  _full_spec((H, D)), _full_spec((1, D)), _full_spec((1, D)),
                  _full_spec((1, D))],
        out_specs=_row_spec(BRD),
        out_shape=jax.ShapeDtypeStruct((N_DST, D), f32),
    )(parts[0], parts[1], mesh_nfeat, dw1a, dw1b, r2(dst_b1), dst_W2,
      r2(dst_b2), r2(dst_g), r2(dst_bt))

    return (grid_out, mesh_out)

# --- scband reference (transcript-rebuilt; emitter-appended) ---
"""Pipeline reference for scband-mesh-graph-encoder-4698694221866 (READ-ONLY COPY).

The authoritative reference and input builder live on the scoring server;
editing this copy changes nothing except your own understanding.
"""

import jax, jax.numpy as jnp
import numpy as np

N_SRC = 100000
N_DST = 10000
E = 320000
D = 128
H = 128

def _ln(y, g, b, eps=1e-5):
    mu = jnp.mean(y, axis=-1, keepdims=True)
    var = jnp.var(y, axis=-1, keepdims=True)
    return (y - mu) / jnp.sqrt(var + eps) * g + b

def _mlp(x, W1, b1, W2, b2, g, bt):
    h = jax.nn.silu(x @ W1 + b1)
    y = h @ W2 + b2
    return _ln(y, g, bt)

def setup_inputs(seed: int = 0) -> dict:
    key = jax.random.key(seed)
    ks = [jax.random.fold_in(key, i) for i in range(32)]
    inp = {}
    inp['g2m_efeat'] = jax.random.normal(ks[0], (E, D), dtype=jnp.float32)
    inp['grid_nfeat'] = jax.random.normal(ks[1], (N_SRC, D), dtype=jnp.float32)
    inp['mesh_nfeat'] = jax.random.normal(ks[2], (N_DST, D), dtype=jnp.float32)
    src = jax.random.randint(ks[3], (E,), 0, N_SRC)
    dst = jax.random.randint(ks[4], (E,), 0, N_DST)
    inp['edge_index'] = jnp.stack([src, dst], axis=0).astype(jnp.int64)
    def w(k, fi, fo):
        return jax.random.normal(k, (fi, fo), dtype=jnp.float32) / np.sqrt(fi)
    # edge MLP: concat(efeat, src, dst) = 3*D -> H -> D, LayerNorm
    inp['edge_W1'] = w(ks[5], 3 * D, H); inp['edge_b1'] = jnp.zeros((H,), jnp.float32)
    inp['edge_W2'] = w(ks[6], H, D);     inp['edge_b2'] = jnp.zeros((D,), jnp.float32)
    inp['edge_g'] = jnp.ones((D,), jnp.float32); inp['edge_bt'] = jnp.zeros((D,), jnp.float32)
    # src node MLP: D -> H -> D, LayerNorm
    inp['src_W1'] = w(ks[7], D, H); inp['src_b1'] = jnp.zeros((H,), jnp.float32)
    inp['src_W2'] = w(ks[8], H, D); inp['src_b2'] = jnp.zeros((D,), jnp.float32)
    inp['src_g'] = jnp.ones((D,), jnp.float32); inp['src_bt'] = jnp.zeros((D,), jnp.float32)
    # dst node MLP: concat(agg_edge, mesh) = 2*D -> H -> D, LayerNorm
    inp['dst_W1'] = w(ks[9], 2 * D, H); inp['dst_b1'] = jnp.zeros((H,), jnp.float32)
    inp['dst_W2'] = w(ks[10], H, D);    inp['dst_b2'] = jnp.zeros((D,), jnp.float32)
    inp['dst_g'] = jnp.ones((D,), jnp.float32); inp['dst_bt'] = jnp.zeros((D,), jnp.float32)
    return inp

def reference(g2m_efeat, grid_nfeat, mesh_nfeat, edge_index,
              edge_W1, edge_b1, edge_W2, edge_b2, edge_g, edge_bt,
              src_W1, src_b1, src_W2, src_b2, src_g, src_bt,
              dst_W1, dst_b1, dst_W2, dst_b2, dst_g, dst_bt):
    src_idx = edge_index[0]
    dst_idx = edge_index[1]
    # MeshGraphEdgeMLPConcat: MLP over concat(efeat, src_feat[src], dst_feat[dst])
    cat_e = jnp.concatenate([g2m_efeat,
                             jnp.take(grid_nfeat, src_idx, axis=0),
                             jnp.take(mesh_nfeat, dst_idx, axis=0)], axis=-1)
    efeat = _mlp(cat_e, edge_W1, edge_b1, edge_W2, edge_b2, edge_g, edge_bt)
    # aggregate_and_concat: scatter-sum edges onto dst mesh nodes, concat with mesh feats
    agg = jax.ops.segment_sum(efeat, dst_idx, num_segments=N_DST)
    cat_feat = jnp.concatenate([agg, mesh_nfeat], axis=-1)
    mesh_out = mesh_nfeat + _mlp(cat_feat, dst_W1, dst_b1, dst_W2, dst_b2, dst_g, dst_bt)
    grid_out = grid_nfeat + _mlp(grid_nfeat, src_W1, src_b1, src_W2, src_b2, src_g, src_bt)
    return (grid_out, mesh_out)

if __name__ == "__main__":
    import jax
    _d = setup_inputs()
    print(jax.jit(kernel)(*tuple(_d.values())))

</pallas_src>

<mosaic_0001>
#map = affine_map<(d0, d1) -> (0, 0)>
#map1 = affine_map<(d0, d1) -> (0, 0, 0)>
module attributes {stable_mosaic.version = 14 : i64} {
  func.func @k(%arg0: i32, %arg1: i32, %arg2: memref<320000x128xf32, #tpu.memory_space<hbm>>, %arg3: memref<32x125x80xi32, #tpu.memory_space<hbm>>, %arg4: memref<10000x128xf32, #tpu.memory_space<hbm>>, %arg5: memref<2x10000x128xf32, #tpu.memory_space<hbm>>, %arg6: memref<125x80xi32, #tpu.memory_space<vmem>>, %arg7: memref<80x128xf32, #tpu.memory_space<vmem>>, %arg8: memref<80x128xf32, #tpu.memory_space<vmem>>, %arg9: memref<80x128xf32, #tpu.memory_space<vmem>>, %arg10: memref<10000x128xf32, #tpu.memory_space<vmem_shared>>, %arg11: memref<!tpu.dma_semaphore, #tpu.memory_space<semaphore_mem>>, %arg12: memref<!tpu.dma_semaphore, #tpu.memory_space<semaphore_mem>>, %arg13: memref<!tpu.dma_semaphore, #tpu.memory_space<semaphore_mem>>) attributes {dimension_semantics = [#tpu.dimension_semantics<core_parallel>, #tpu.dimension_semantics<subcore_parallel>], iteration_bounds = array<i64: 2, 16>, scalar_prefetch = 0 : i64, scratch_operands = 8 : i64, tpu.core_type = #tpu.core_type<sc_vector_subcore>, window_params = [{transform_indices = #map}, {transform_indices = #map1}, {transform_indices = #map}, {transform_indices = #map1}]} {
    %mul3A = arith.constant 2 : i32
    %mul3A_0 = arith.muli %arg1, %mul3A : i32
    %add3A = arith.addi %mul3A_0, %arg0 : i32
    %mul3A_1 = arith.constant 10000 : i32
    %mul3A_2 = arith.muli %add3A, %mul3A_1 : i32
    "tpu.region"() ({
      %run_scoped3A_38 = tpu.sem_alloc : memref<!tpu.dma_semaphore, #tpu.memory_space<semaphore_mem>>
      %dma_start3A_39 = arith.constant 0 : i32
      %dma_start3A_40 = arith.constant 0 : i32
      %dma_start3A_41 = tpu.memref_slice %arg3[%add3A, %dma_start3A_39, %dma_start3A_40] : memref<32x125x80xi32, #tpu.memory_space<hbm>> -> memref<1x125x80xi32, #tpu.memory_space<hbm>>
      %dma_start3A_42 = tpu.memref_squeeze %dma_start3A_41 : memref<1x125x80xi32, #tpu.memory_space<hbm>> -> memref<125x80xi32, #tpu.memory_space<hbm>>
      %dma_start3A_43 = arith.constant 0 : i32
      %dma_start3A_44 = arith.constant 0 : i32
      %dma_start3A_45 = tpu.memref_slice %arg3[%add3A, %dma_start3A_43, %dma_start3A_44] : memref<32x125x80xi32, #tpu.memory_space<hbm>> -> memref<1x125x80xi32, #tpu.memory_space<hbm>>
      %dma_start3A_46 = tpu.memref_squeeze %dma_start3A_45 : memref<1x125x80xi32, #tpu.memory_space<hbm>> -> memref<125x80xi32, #tpu.memory_space<hbm>>
      tpu.enqueue_dma source(%dma_start3A_46 : memref<125x80xi32, #tpu.memory_space<hbm>>) target(%arg6 : memref<125x80xi32, #tpu.memory_space<vmem>>) target_semaphore(%run_scoped3A_38 : memref<!tpu.dma_semaphore, #tpu.memory_space<semaphore_mem>>)
      %dma_wait3A_47 = arith.constant 0 : i32
      %dma_wait3A_48 = arith.constant 0 : i32
      %dma_wait3A_49 = tpu.memref_slice %arg3[%add3A, %dma_wait3A_47, %dma_wait3A_48] : memref<32x125x80xi32, #tpu.memory_space<hbm>> -> memref<1x125x80xi32, #tpu.memory_space<hbm>>
      %dma_wait3A_50 = tpu.memref_squeeze %dma_wait3A_49 : memref<1x125x80xi32, #tpu.memory_space<hbm>> -> memref<125x80xi32, #tpu.memory_space<hbm>>
      %dma_wait3A_51 = arith.constant 0 : i32
      %dma_wait3A_52 = arith.constant 0 : i32
      %dma_wait3A_53 = tpu.memref_slice %arg3[%add3A, %dma_wait3A_51, %dma_wait3A_52] : memref<32x125x80xi32, #tpu.memory_space<hbm>> -> memref<1x125x80xi32, #tpu.memory_space<hbm>>
      %dma_wait3A_54 = tpu.memref_squeeze %dma_wait3A_53 : memref<1x125x80xi32, #tpu.memory_space<hbm>> -> memref<125x80xi32, #tpu.memory_space<hbm>>
      tpu.wait_dma2 semaphore(%run_scoped3A_38 : memref<!tpu.dma_semaphore, #tpu.memory_space<semaphore_mem>>) src(%dma_wait3A_54 : memref<125x80xi32, #tpu.memory_space<hbm>>) dst(%arg6 : memref<125x80xi32, #tpu.memory_space<vmem>>)
      tpu.yield
    }) : () -> ()
    %eq3A = arith.constant 0 : i32
    %eq3A_3 = arith.cmpi eq, %arg1, %eq3A : i32
    %convert_element_type3A = arith.extui %eq3A_3 : i1 to i32
    %cond3A = arith.constant 0 : i32
    %cond3A_4 = arith.cmpi ne, %convert_element_type3A, %cond3A : i32
    scf.if %cond3A_4 {
      "tpu.region"() ({
        %run_scoped3A_38 = tpu.sem_alloc : memref<!tpu.dma_semaphore, #tpu.memory_space<semaphore_mem>>
        tpu.enqueue_dma source(%arg4 : memref<10000x128xf32, #tpu.memory_space<hbm>>) target(%arg10 : memref<10000x128xf32, #tpu.memory_space<vmem_shared>>) target_semaphore(%run_scoped3A_38 : memref<!tpu.dma_semaphore, #tpu.memory_space<semaphore_mem>>)
        tpu.wait_dma2 semaphore(%run_scoped3A_38 : memref<!tpu.dma_semaphore, #tpu.memory_space<semaphore_mem>>) src(%arg4 : memref<10000x128xf32, #tpu.memory_space<hbm>>) dst(%arg10 : memref<10000x128xf32, #tpu.memory_space<vmem_shared>>)
        tpu.yield
      }) : () -> ()
    } else {
    }
    %barrier3A = arith.constant 0 : index
    tpu.barrier barrier_id(%barrier3A)
    %add3A_5 = arith.constant 0 : i32
    %add3A_6 = arith.addi %mul3A_2, %add3A_5 : i32
    %dma_start3A = arith.constant 0 : i32
    %dma_start3A_7 = tpu.memref_slice %arg2[%add3A_6, %dma_start3A] : memref<320000x128xf32, #tpu.memory_space<hbm>> -> memref<80x128xf32, #tpu.memory_space<hbm>>
    %dma_start3A_8 = arith.constant 0 : i32
    %dma_start3A_9 = tpu.memref_slice %arg2[%add3A_6, %dma_start3A_8] : memref<320000x128xf32, #tpu.memory_space<hbm>> -> memref<80x128xf32, #tpu.memory_space<hbm>>
    tpu.enqueue_dma source(%dma_start3A_9 : memref<80x128xf32, #tpu.memory_space<hbm>>) target(%arg7 : memref<80x128xf32, #tpu.memory_space<vmem>>) target_semaphore(%arg11 : memref<!tpu.dma_semaphore, #tpu.memory_space<semaphore_mem>>)
    %add3A_10 = arith.constant 80 : i32
    %add3A_11 = arith.addi %mul3A_2, %add3A_10 : i32
    %dma_start3A_12 = arith.constant 0 : i32
    %dma_start3A_13 = tpu.memref_slice %arg2[%add3A_11, %dma_start3A_12] : memref<320000x128xf32, #tpu.memory_space<hbm>> -> memref<80x128xf32, #tpu.memory_space<hbm>>
    %dma_start3A_14 = arith.constant 0 : i32
    %dma_start3A_15 = tpu.memref_slice %arg2[%add3A_11, %dma_start3A_14] : memref<320000x128xf32, #tpu.memory_space<hbm>> -> memref<80x128xf32, #tpu.memory_space<hbm>>
    tpu.enqueue_dma source(%dma_start3A_15 : memref<80x128xf32, #tpu.memory_space<hbm>>) target(%arg8 : memref<80x128xf32, #tpu.memory_space<vmem>>) target_semaphore(%arg12 : memref<!tpu.dma_semaphore, #tpu.memory_space<semaphore_mem>>)
    %scan3A = arith.constant 0 : i32
    %scan3A_16 = arith.constant 41 : i32
    %scan3A_17 = arith.addi %scan3A, %scan3A_16 : i32
    %scan3A_18 = arith.constant 1 : i32
    scf.for %scan3A_38 = %scan3A to %scan3A_17 step %scan3A_18  : i32 {
      %mul3A_39 = arith.constant 1 : i32
      %mul3A_40 = arith.muli %scan3A_38, %mul3A_39 : i32
      %add3A_41 = arith.constant 0 : i32
      %add3A_42 = arith.addi %add3A_41, %mul3A_40 : i32
      %mul3A_43 = arith.constant 3 : i32
      %mul3A_44 = arith.muli %mul3A_43, %add3A_42 : i32
      %dma_wait3A_45 = arith.constant 0 : i32
      %dma_wait3A_46 = arith.constant 0 : i32
      %dma_wait3A_47 = tpu.memref_slice %arg2[%dma_wait3A_45, %dma_wait3A_46] : memref<320000x128xf32, #tpu.memory_space<hbm>> -> memref<80x128xf32, #tpu.memory_space<hbm>>
      %dma_wait3A_48 = arith.constant 0 : i32
      %dma_wait3A_49 = arith.constant 0 : i32
      %dma_wait3A_50 = tpu.memref_slice %arg2[%dma_wait3A_48, %dma_wait3A_49] : memref<320000x128xf32, #tpu.memory_space<hbm>> -> memref<80x128xf32, #tpu.memory_space<hbm>>
      tpu.wait_dma2 semaphore(%arg11 : memref<!tpu.dma_semaphore, #tpu.memory_space<semaphore_mem>>) src(%dma_wait3A_50 : memref<80x128xf32, #tpu.memory_space<hbm>>) dst(%arg7 : memref<80x128xf32, #tpu.memory_space<vmem>>)
      %add3A_51 = arith.constant 0 : i32
      %add3A_52 = arith.addi %mul3A_44, %add3A_51 : i32
      %add3A_53 = arith.constant 2 : i32
      %add3A_54 = arith.addi %add3A_52, %add3A_53 : i32
      %mul3A_55 = arith.constant 80 : i32
      %mul3A_56 = arith.muli %add3A_54, %mul3A_55 : i32
      %add3A_57 = arith.addi %mul3A_2, %mul3A_56 : i32
      %dma_start3A_58 = arith.constant 0 : i32
      %dma_start3A_59 = tpu.memref_slice %arg2[%add3A_57, %dma_start3A_58] : memref<320000x128xf32, #tpu.memory_space<hbm>> -> memref<80x128xf32, #tpu.memory_space<hbm>>
      %dma_start3A_60 = arith.constant 0 : i32
      %dma_start3A_61 = tpu.memref_slice %arg2[%add3A_57, %dma_start3A_60] : memref<320000x128xf32, #tpu.memory_space<hbm>> -> memref<80x128xf32, #tpu.memory_space<hbm>>
      tpu.enqueue_dma source(%dma_start3A_61 : memref<80x128xf32, #tpu.memory_space<hbm>>) target(%arg9 : memref<80x128xf32, #tpu.memory_space<vmem>>) target_semaphore(%arg13 : memref<!tpu.dma_semaphore, #tpu.memory_space<semaphore_mem>>)
      %add3A_62 = arith.constant 0 : i32
      %add3A_63 = arith.addi %mul3A_44, %add3A_62 : i32
      "tpu.region"() ({
        %run_scoped3A_102 = tpu.sem_alloc : memref<!tpu.dma_semaphore, #tpu.memory_space<semaphore_mem>>
        %dma_start3A_103 = arith.constant 0 : i32
        %dma_start3A_104 = tpu.memref_slice %arg6[%add3A_63, %dma_start3A_103] : memref<125x80xi32, #tpu.memory_space<vmem>> -> memref<1x80xi32, #tpu.memory_space<vmem>>
        %dma_start3A_105 = tpu.memref_squeeze %dma_start3A_104 : memref<1x80xi32, #tpu.memory_space<vmem>> -> memref<80xi32, #tpu.memory_space<vmem>>
        %dma_start3A_106 = arith.constant 0 : i32
        %dma_start3A_107 = arith.constant 0 : i32
        %dma_start3A_108 = tpu.memref_slice %arg10[%dma_start3A_106, %dma_start3A_107] : memref<10000x128xf32, #tpu.memory_space<vmem_shared>> -> memref<10000x128xf32, #tpu.memory_space<vmem_shared>>
        tpu.enqueue_indirect_dma source(%arg7 : memref<80x128xf32, #tpu.memory_space<vmem>>) target(%dma_start3A_108 : memref<10000x128xf32, #tpu.memory_space<vmem_shared>>) offsets(%dma_start3A_105 : memref<80xi32, #tpu.memory_space<vmem>>) semaphore(%run_scoped3A_102 : memref<!tpu.dma_semaphore, #tpu.memory_space<semaphore_mem>>) {add = true}
        %dma_wait3A_109 = arith.constant 0 : i32
        %dma_wait3A_110 = tpu.memref_slice %arg6[%add3A_63, %dma_wait3A_109] : memref<125x80xi32, #tpu.memory_space<vmem>> -> memref<1x80xi32, #tpu.memory_space<vmem>>
        %dma_wait3A_111 = tpu.memref_squeeze %dma_wait3A_110 : memref<1x80xi32, #tpu.memory_space<vmem>> -> memref<80xi32, #tpu.memory_space<vmem>>
        %dma_wait3A_112 = arith.constant 0 : i32
        %dma_wait3A_113 = arith.constant 0 : i32
        %dma_wait3A_114 = tpu.memref_slice %arg10[%dma_wait3A_112, %dma_wait3A_113] : memref<10000x128xf32, #tpu.memory_space<vmem_shared>> -> memref<10000x128xf32, #tpu.memory_space<vmem_shared>>
        tpu.wait_indirect_dma semaphore(%run_scoped3A_102 : memref<!tpu.dma_semaphore, #tpu.memory_space<semaphore_mem>>) src(%arg7 : memref<80x128xf32, #tpu.memory_space<vmem>>) dst(%dma_wait3A_114 : memref<10000x128xf32, #tpu.memory_space<vmem_shared>>)
        tpu.yield
      }) : () -> ()
      %dma_wait3A_64 = arith.constant 0 : i32
      %dma_wait3A_65 = arith.constant 0 : i32
      %dma_wait3A_66 = tpu.memref_slice %arg2[%dma_wait3A_64, %dma_wait3A_65] : memref<320000x128xf32, #tpu.memory_space<hbm>> -> memref<80x128xf32, #tpu.memory_space<hbm>>
      %dma_wait3A_67 = arith.constant 0 : i32
      %dma_wait3A_68 = arith.constant 0 : i32
      %dma_wait3A_69 = tpu.memref_slice %arg2[%dma_wait3A_67, %dma_wait3A_68] : memref<320000x128xf32, #tpu.memory_space<hbm>> -> memref<80x128xf32, #tpu.memory_space<hbm>>
      tpu.wait_dma2 semaphore(%arg12 : memref<!tpu.dma_semaphore, #tpu.memory_space<semaphore_mem>>) src(%dma_wait3A_69 : memref<80x128xf32, #tpu.memory_space<hbm>>) dst(%arg8 : memref<80x128xf32, #tpu.memory_space<vmem>>)
      %add3A_70 = arith.constant 1 : i32
      %add3A_71 = arith.addi %mul3A_44, %add3A_70 : i32
      %add3A_72 = arith.constant 2 : i32
      %add3A_73 = arith.addi %add3A_71, %add3A_72 : i32
      %mul3A_74 = arith.constant 80 : i32
      %mul3A_75 = arith.muli %add3A_73, %mul3A_74 : i32
      %add3A_76 = arith.addi %mul3A_2, %mul3A_75 : i32
      %dma_start3A_77 = arith.constant 0 : i32
      %dma_start3A_78 = tpu.memref_slice %arg2[%add3A_76, %dma_start3A_77] : memref<320000x128xf32, #tpu.memory_space<hbm>> -> memref<80x128xf32, #tpu.memory_space<hbm>>
      %dma_start3A_79 = arith.constant 0 : i32
      %dma_start3A_80 = tpu.memref_slice %arg2[%add3A_76, %dma_start3A_79] : memref<320000x128xf32, #tpu.memory_space<hbm>> -> memref<80x128xf32, #tpu.memory_space<hbm>>
      tpu.enqueue_dma source(%dma_start3A_80 : memref<80x128xf32, #tpu.memory_space<hbm>>) target(%arg7 : memref<80x128xf32, #tpu.memory_space<vmem>>) target_semaphore(%arg11 : memref<!tpu.dma_semaphore, #tpu.memory_space<semaphore_mem>>)
      %add3A_81 = arith.constant 1 : i32
      %add3A_82 = arith.addi %mul3A_44, %add3A_81 : i32
      "tpu.region"() ({
        %run_scoped3A_102 = tpu.sem_alloc : memref<!tpu.dma_semaphore, #tpu.memory_space<semaphore_mem>>
        %dma_start3A_103 = arith.constant 0 : i32
        %dma_start3A_104 = tpu.memref_slice %arg6[%add3A_82, %dma_start3A_103] : memref<125x80xi32, #tpu.memory_space<vmem>> -> memref<1x80xi32, #tpu.memory_space<vmem>>
        %dma_start3A_105 = tpu.memref_squeeze %dma_start3A_104 : memref<1x80xi32, #tpu.memory_space<vmem>> -> memref<80xi32, #tpu.memory_space<vmem>>
        %dma_start3A_106 = arith.constant 0 : i32
        %dma_start3A_107 = arith.constant 0 : i32
        %dma_start3A_108 = tpu.memref_slice %arg10[%dma_start3A_106, %dma_start3A_107] : memref<10000x128xf32, #tpu.memory_space<vmem_shared>> -> memref<10000x128xf32, #tpu.memory_space<vmem_shared>>
        tpu.enqueue_indirect_dma source(%arg8 : memref<80x128xf32, #tpu.memory_space<vmem>>) target(%dma_start3A_108 : memref<10000x128xf32, #tpu.memory_space<vmem_shared>>) offsets(%dma_start3A_105 : memref<80xi32, #tpu.memory_space<vmem>>) semaphore(%run_scoped3A_102 : memref<!tpu.dma_semaphore, #tpu.memory_space<semaphore_mem>>) {add = true}
        %dma_wait3A_109 = arith.constant 0 : i32
        %dma_wait3A_110 = tpu.memref_slice %arg6[%add3A_82, %dma_wait3A_109] : memref<125x80xi32, #tpu.memory_space<vmem>> -> memref<1x80xi32, #tpu.memory_space<vmem>>
        %dma_wait3A_111 = tpu.memref_squeeze %dma_wait3A_110 : memref<1x80xi32, #tpu.memory_space<vmem>> -> memref<80xi32, #tpu.memory_space<vmem>>
        %dma_wait3A_112 = arith.constant 0 : i32
        %dma_wait3A_113 = arith.constant 0 : i32
        %dma_wait3A_114 = tpu.memref_slice %arg10[%dma_wait3A_112, %dma_wait3A_113] : memref<10000x128xf32, #tpu.memory_space<vmem_shared>> -> memref<10000x128xf32, #tpu.memory_space<vmem_shared>>
        tpu.wait_indirect_dma semaphore(%run_scoped3A_102 : memref<!tpu.dma_semaphore, #tpu.memory_space<semaphore_mem>>) src(%arg8 : memref<80x128xf32, #tpu.memory_space<vmem>>) dst(%dma_wait3A_114 : memref<10000x128xf32, #tpu.memory_space<vmem_shared>>)
        tpu.yield
      }) : () -> ()
      %dma_wait3A_83 = arith.constant 0 : i32
      %dma_wait3A_84 = arith.constant 0 : i32
      %dma_wait3A_85 = tpu.memref_slice %arg2[%dma_wait3A_83, %dma_wait3A_84] : memref<320000x128xf32, #tpu.memory_space<hbm>> -> memref<80x128xf32, #tpu.memory_space<hbm>>
      %dma_wait3A_86 = arith.constant 0 : i32
      %dma_wait3A_87 = arith.constant 0 : i32
      %dma_wait3A_88 = tpu.memref_slice %arg2[%dma_wait3A_86, %dma_wait3A_87] : memref<320000x128xf32, #tpu.memory_space<hbm>> -> memref<80x128xf32, #tpu.memory_space<hbm>>
      tpu.wait_dma2 semaphore(%arg13 : memref<!tpu.dma_semaphore, #tpu.memory_space<semaphore_mem>>) src(%dma_wait3A_88 : memref<80x128xf32, #tpu.memory_space<hbm>>) dst(%arg9 : memref<80x128xf32, #tpu.memory_space<vmem>>)
      %add3A_89 = arith.constant 2 : i32
      %add3A_90 = arith.addi %mul3A_44, %add3A_89 : i32
      %add3A_91 = arith.constant 2 : i32
      %add3A_92 = arith.addi %add3A_90, %add3A_91 : i32
      %mul3A_93 = arith.constant 80 : i32
      %mul3A_94 = arith.muli %add3A_92, %mul3A_93 : i32
      %add3A_95 = arith.addi %mul3A_2, %mul3A_94 : i32
      %dma_start3A_96 = arith.constant 0 : i32
      %dma_start3A_97 = tpu.memref_slice %arg2[%add3A_95, %dma_start3A_96] : memref<320000x128xf32, #tpu.memory_space<hbm>> -> memref<80x128xf32, #tpu.memory_space<hbm>>
      %dma_start3A_98 = arith.constant 0 : i32
      %dma_start3A_99 = tpu.memref_slice %arg2[%add3A_95, %dma_start3A_98] : memref<320000x128xf32, #tpu.memory_space<hbm>> -> memref<80x128xf32, #tpu.memory_space<hbm>>
      tpu.enqueue_dma source(%dma_start3A_99 : memref<80x128xf32, #tpu.memory_space<hbm>>) target(%arg8 : memref<80x128xf32, #tpu.memory_space<vmem>>) target_semaphore(%arg12 : memref<!tpu.dma_semaphore, #tpu.memory_space<semaphore_mem>>)
      %add3A_100 = arith.constant 2 : i32
      %add3A_101 = arith.addi %mul3A_44, %add3A_100 : i32
      "tpu.region"() ({
        %run_scoped3A_102 = tpu.sem_alloc : memref<!tpu.dma_semaphore, #tpu.memory_space<semaphore_mem>>
        %dma_start3A_103 = arith.constant 0 : i32
        %dma_start3A_104 = tpu.memref_slice %arg6[%add3A_101, %dma_start3A_103] : memref<125x80xi32, #tpu.memory_space<vmem>> -> memref<1x80xi32, #tpu.memory_space<vmem>>
        %dma_start3A_105 = tpu.memref_squeeze %dma_start3A_104 : memref<1x80xi32, #tpu.memory_space<vmem>> -> memref<80xi32, #tpu.memory_space<vmem>>
        %dma_start3A_106 = arith.constant 0 : i32
        %dma_start3A_107 = arith.constant 0 : i32
        %dma_start3A_108 = tpu.memref_slice %arg10[%dma_start3A_106, %dma_start3A_107] : memref<10000x128xf32, #tpu.memory_space<vmem_shared>> -> memref<10000x128xf32, #tpu.memory_space<vmem_shared>>
        tpu.enqueue_indirect_dma source(%arg9 : memref<80x128xf32, #tpu.memory_space<vmem>>) target(%dma_start3A_108 : memref<10000x128xf32, #tpu.memory_space<vmem_shared>>) offsets(%dma_start3A_105 : memref<80xi32, #tpu.memory_space<vmem>>) semaphore(%run_scoped3A_102 : memref<!tpu.dma_semaphore, #tpu.memory_space<semaphore_mem>>) {add = true}
        %dma_wait3A_109 = arith.constant 0 : i32
        %dma_wait3A_110 = tpu.memref_slice %arg6[%add3A_101, %dma_wait3A_109] : memref<125x80xi32, #tpu.memory_space<vmem>> -> memref<1x80xi32, #tpu.memory_space<vmem>>
        %dma_wait3A_111 = tpu.memref_squeeze %dma_wait3A_110 : memref<1x80xi32, #tpu.memory_space<vmem>> -> memref<80xi32, #tpu.memory_space<vmem>>
        %dma_wait3A_112 = arith.constant 0 : i32
        %dma_wait3A_113 = arith.constant 0 : i32
        %dma_wait3A_114 = tpu.memref_slice %arg10[%dma_wait3A_112, %dma_wait3A_113] : memref<10000x128xf32, #tpu.memory_space<vmem_shared>> -> memref<10000x128xf32, #tpu.memory_space<vmem_shared>>
        tpu.wait_indirect_dma semaphore(%run_scoped3A_102 : memref<!tpu.dma_semaphore, #tpu.memory_space<semaphore_mem>>) src(%arg9 : memref<80x128xf32, #tpu.memory_space<vmem>>) dst(%dma_wait3A_114 : memref<10000x128xf32, #tpu.memory_space<vmem_shared>>)
        tpu.yield
      }) : () -> ()
    }
    %scan3A_19 = arith.constant 41 : i32
    %dma_wait3A = arith.constant 0 : i32
    %dma_wait3A_20 = arith.constant 0 : i32
    %dma_wait3A_21 = tpu.memref_slice %arg2[%dma_wait3A, %dma_wait3A_20] : memref<320000x128xf32, #tpu.memory_space<hbm>> -> memref<80x128xf32, #tpu.memory_space<hbm>>
    %dma_wait3A_22 = arith.constant 0 : i32
    %dma_wait3A_23 = arith.constant 0 : i32
    %dma_wait3A_24 = tpu.memref_slice %arg2[%dma_wait3A_22, %dma_wait3A_23] : memref<320000x128xf32, #tpu.memory_space<hbm>> -> memref<80x128xf32, #tpu.memory_space<hbm>>
    tpu.wait_dma2 semaphore(%arg11 : memref<!tpu.dma_semaphore, #tpu.memory_space<semaphore_mem>>) src(%dma_wait3A_24 : memref<80x128xf32, #tpu.memory_space<hbm>>) dst(%arg7 : memref<80x128xf32, #tpu.memory_space<vmem>>)
    %run_scoped3A = arith.constant 123 : i32
    "tpu.region"() ({
      %run_scoped3A_38 = tpu.sem_alloc : memref<!tpu.dma_semaphore, #tpu.memory_space<semaphore_mem>>
      %dma_start3A_39 = arith.constant 0 : i32
      %dma_start3A_40 = tpu.memref_slice %arg6[%run_scoped3A, %dma_start3A_39] : memref<125x80xi32, #tpu.memory_space<vmem>> -> memref<1x80xi32, #tpu.memory_space<vmem>>
      %dma_start3A_41 = tpu.memref_squeeze %dma_start3A_40 : memref<1x80xi32, #tpu.memory_space<vmem>> -> memref<80xi32, #tpu.memory_space<vmem>>
      %dma_start3A_42 = arith.constant 0 : i32
      %dma_start3A_43 = arith.constant 0 : i32
      %dma_start3A_44 = tpu.memref_slice %arg10[%dma_start3A_42, %dma_start3A_43] : memref<10000x128xf32, #tpu.memory_space<vmem_shared>> -> memref<10000x128xf32, #tpu.memory_space<vmem_shared>>
      tpu.enqueue_indirect_dma source(%arg7 : memref<80x128xf32, #tpu.memory_space<vmem>>) target(%dma_start3A_44 : memref<10000x128xf32, #tpu.memory_space<vmem_shared>>) offsets(%dma_start3A_41 : memref<80xi32, #tpu.memory_space<vmem>>) semaphore(%run_scoped3A_38 : memref<!tpu.dma_semaphore, #tpu.memory_space<semaphore_mem>>) {add = true}
      %dma_wait3A_45 = arith.constant 0 : i32
      %dma_wait3A_46 = tpu.memref_slice %arg6[%run_scoped3A, %dma_wait3A_45] : memref<125x80xi32, #tpu.memory_space<vmem>> -> memref<1x80xi32, #tpu.memory_space<vmem>>
      %dma_wait3A_47 = tpu.memref_squeeze %dma_wait3A_46 : memref<1x80xi32, #tpu.memory_space<vmem>> -> memref<80xi32, #tpu.memory_space<vmem>>
      %dma_wait3A_48 = arith.constant 0 : i32
      %dma_wait3A_49 = arith.constant 0 : i32
      %dma_wait3A_50 = tpu.memref_slice %arg10[%dma_wait3A_48, %dma_wait3A_49] : memref<10000x128xf32, #tpu.memory_space<vmem_shared>> -> memref<10000x128xf32, #tpu.memory_space<vmem_shared>>
      tpu.wait_indirect_dma semaphore(%run_scoped3A_38 : memref<!tpu.dma_semaphore, #tpu.memory_space<semaphore_mem>>) src(%arg7 : memref<80x128xf32, #tpu.memory_space<vmem>>) dst(%dma_wait3A_50 : memref<10000x128xf32, #tpu.memory_space<vmem_shared>>)
      tpu.yield
    }) : () -> ()
    %dma_wait3A_25 = arith.constant 0 : i32
    %dma_wait3A_26 = arith.constant 0 : i32
    %dma_wait3A_27 = tpu.memref_slice %arg2[%dma_wait3A_25, %dma_wait3A_26] : memref<320000x128xf32, #tpu.memory_space<hbm>> -> memref<80x128xf32, #tpu.memory_space<hbm>>
    %dma_wait3A_28 = arith.constant 0 : i32
    %dma_wait3A_29 = arith.constant 0 : i32
    %dma_wait3A_30 = tpu.memref_slice %arg2[%dma_wait3A_28, %dma_wait3A_29] : memref<320000x128xf32, #tpu.memory_space<hbm>> -> memref<80x128xf32, #tpu.memory_space<hbm>>
    tpu.wait_dma2 semaphore(%arg12 : memref<!tpu.dma_semaphore, #tpu.memory_space<semaphore_mem>>) src(%dma_wait3A_30 : memref<80x128xf32, #tpu.memory_space<hbm>>) dst(%arg8 : memref<80x128xf32, #tpu.memory_space<vmem>>)
    %run_scoped3A_31 = arith.constant 124 : i32
    "tpu.region"() ({
      %run_scoped3A_38 = tpu.sem_alloc : memref<!tpu.dma_semaphore, #tpu.memory_space<semaphore_mem>>
      %dma_start3A_39 = arith.constant 0 : i32
      %dma_start3A_40 = tpu.memref_slice %arg6[%run_scoped3A_31, %dma_start3A_39] : memref<125x80xi32, #tpu.memory_space<vmem>> -> memref<1x80xi32, #tpu.memory_space<vmem>>
      %dma_start3A_41 = tpu.memref_squeeze %dma_start3A_40 : memref<1x80xi32, #tpu.memory_space<vmem>> -> memref<80xi32, #tpu.memory_space<vmem>>
      %dma_start3A_42 = arith.constant 0 : i32
      %dma_start3A_43 = arith.constant 0 : i32
      %dma_start3A_44 = tpu.memref_slice %arg10[%dma_start3A_42, %dma_start3A_43] : memref<10000x128xf32, #tpu.memory_space<vmem_shared>> -> memref<10000x128xf32, #tpu.memory_space<vmem_shared>>
      tpu.enqueue_indirect_dma source(%arg8 : memref<80x128xf32, #tpu.memory_space<vmem>>) target(%dma_start3A_44 : memref<10000x128xf32, #tpu.memory_space<vmem_shared>>) offsets(%dma_start3A_41 : memref<80xi32, #tpu.memory_space<vmem>>) semaphore(%run_scoped3A_38 : memref<!tpu.dma_semaphore, #tpu.memory_space<semaphore_mem>>) {add = true}
      %dma_wait3A_45 = arith.constant 0 : i32
      %dma_wait3A_46 = tpu.memref_slice %arg6[%run_scoped3A_31, %dma_wait3A_45] : memref<125x80xi32, #tpu.memory_space<vmem>> -> memref<1x80xi32, #tpu.memory_space<vmem>>
      %dma_wait3A_47 = tpu.memref_squeeze %dma_wait3A_46 : memref<1x80xi32, #tpu.memory_space<vmem>> -> memref<80xi32, #tpu.memory_space<vmem>>
      %dma_wait3A_48 = arith.constant 0 : i32
      %dma_wait3A_49 = arith.constant 0 : i32
      %dma_wait3A_50 = tpu.memref_slice %arg10[%dma_wait3A_48, %dma_wait3A_49] : memref<10000x128xf32, #tpu.memory_space<vmem_shared>> -> memref<10000x128xf32, #tpu.memory_space<vmem_shared>>
      tpu.wait_indirect_dma semaphore(%run_scoped3A_38 : memref<!tpu.dma_semaphore, #tpu.memory_space<semaphore_mem>>) src(%arg8 : memref<80x128xf32, #tpu.memory_space<vmem>>) dst(%dma_wait3A_50 : memref<10000x128xf32, #tpu.memory_space<vmem_shared>>)
      tpu.yield
    }) : () -> ()
    %barrier3A_32 = arith.constant 0 : index
    tpu.barrier barrier_id(%barrier3A_32)
    %eq3A_33 = arith.constant 0 : i32
    %eq3A_34 = arith.cmpi eq, %arg1, %eq3A_33 : i32
    %convert_element_type3A_35 = arith.extui %eq3A_34 : i1 to i32
    %cond3A_36 = arith.constant 0 : i32
    %cond3A_37 = arith.cmpi ne, %convert_element_type3A_35, %cond3A_36 : i32
    scf.if %cond3A_37 {
      "tpu.region"() ({
        %run_scoped3A_38 = tpu.sem_alloc : memref<!tpu.dma_semaphore, #tpu.memory_space<semaphore_mem>>
        %dma_start3A_39 = arith.constant 0 : i32
        %dma_start3A_40 = arith.constant 0 : i32
        %dma_start3A_41 = tpu.memref_slice %arg5[%arg0, %dma_start3A_39, %dma_start3A_40] : memref<2x10000x128xf32, #tpu.memory_space<hbm>> -> memref<1x10000x128xf32, #tpu.memory_space<hbm>>
        %dma_start3A_42 = tpu.memref_squeeze %dma_start3A_41 : memref<1x10000x128xf32, #tpu.memory_space<hbm>> -> memref<10000x128xf32, #tpu.memory_space<hbm>>
        tpu.enqueue_dma source(%arg10 : memref<10000x128xf32, #tpu.memory_space<vmem_shared>>) target(%dma_start3A_42 : memref<10000x128xf32, #tpu.memory_space<hbm>>) target_semaphore(%run_scoped3A_38 : memref<!tpu.dma_semaphore, #tpu.memory_space<semaphore_mem>>)
        %dma_wait3A_43 = arith.constant 0 : i32
        %dma_wait3A_44 = arith.constant 0 : i32
        %dma_wait3A_45 = tpu.memref_slice %arg5[%arg0, %dma_wait3A_43, %dma_wait3A_44] : memref<2x10000x128xf32, #tpu.memory_space<hbm>> -> memref<1x10000x128xf32, #tpu.memory_space<hbm>>
        %dma_wait3A_46 = tpu.memref_squeeze %dma_wait3A_45 : memref<1x10000x128xf32, #tpu.memory_space<hbm>> -> memref<10000x128xf32, #tpu.memory_space<hbm>>
        tpu.wait_dma2 semaphore(%run_scoped3A_38 : memref<!tpu.dma_semaphore, #tpu.memory_space<semaphore_mem>>) src(%arg10 : memref<10000x128xf32, #tpu.memory_space<vmem_shared>>) dst(%dma_wait3A_46 : memref<10000x128xf32, #tpu.memory_space<hbm>>)
        tpu.yield
      }) : () -> ()
    } else {
    }
    return
  }
}

#map = affine_map<(d0, d1) -> (0, 0)>
#map1 = affine_map<(d0, d1) -> (0, 0, 0)>
module attributes {stable_mosaic.version = 14 : i64} {
  func.func @k(%arg0: i32, %arg1: i32, %arg2: memref<100000x128xf32, #tpu.memory_space<hbm>>, %arg3: memref<10000x128xf32, #tpu.memory_space<hbm>>, %arg4: memref<32x125x80xi32, #tpu.memory_space<hbm>>, %arg5: memref<32x125x80xi32, #tpu.memory_space<hbm>>, %arg6: memref<320000x128xf32, #tpu.memory_space<hbm>>, %arg7: memref<125x80xi32, #tpu.memory_space<vmem>>, %arg8: memref<125x80xi32, #tpu.memory_space<vmem>>, %arg9: memref<80x128xf32, #tpu.memory_space<vmem>>, %arg10: memref<80x128xf32, #tpu.memory_space<vmem>>, %arg11: memref<80x128xf32, #tpu.memory_space<vmem>>, %arg12: memref<80x128xf32, #tpu.memory_space<vmem>>, %arg13: memref<80x128xf32, #tpu.memory_space<vmem>>, %arg14: memref<80x128xf32, #tpu.memory_space<vmem>>, %arg15: memref<80x128xf32, #tpu.memory_space<vmem>>, %arg16: memref<80x128xf32, #tpu.memory_space<vmem>>, %arg17: memref<!tpu.dma_semaphore, #tpu.memory_space<semaphore_mem>>, %arg18: memref<!tpu.dma_semaphore, #tpu.memory_space<semaphore_mem>>, %arg19: memref<!tpu.dma_semaphore, #tpu.memory_space<semaphore_mem>>, %arg20: memref<!tpu.dma_semaphore, #tpu.memory_space<semaphore_mem>>, %arg21: memref<!tpu.dma_semaphore, #tpu.memory_space<semaphore_mem>>, %arg22: memref<!tpu.dma_semaphore, #tpu.memory_space<semaphore_mem>>, %arg23: memref<!tpu.dma_semaphore, #tpu.memory_space<semaphore_mem>>, %arg24: memref<!tpu.dma_semaphore, #tpu.memory_space<semaphore_mem>>) attributes {dimension_semantics = [#tpu.dimension_semantics<core_parallel>, #tpu.dimension_semantics<subcore_parallel>], iteration_bounds = array<i64: 2, 16>, scalar_prefetch = 0 : i64, scratch_operands = 18 : i64, tpu.core_type = #tpu.core_type<sc_vector_subcore>, window_params = [{transform_indices = #map}, {transform_indices = #map}, {transform_indices = #map1}, {transform_indices = #map1}, {transform_indices = #map}]} {
    %mul3A = arith.constant 2 : i32
    %mul3A_0 = arith.muli %arg1, %mul3A : i32
    %add3A = arith.addi %mul3A_0, %arg0 : i32
    %mul3A_1 = arith.constant 10000 : i32
    %mul3A_2 = arith.muli %add3A, %mul3A_1 : i32
    "tpu.region"() ({
      %run_scoped3A = tpu.sem_alloc : memref<!tpu.dma_semaphore, #tpu.memory_space<semaphore_mem>>
      %dma_start3A_80 = arith.constant 0 : i32
      %dma_start3A_81 = arith.constant 0 : i32
      %dma_start3A_82 = tpu.memref_slice %arg4[%add3A, %dma_start3A_80, %dma_start3A_81] : memref<32x125x80xi32, #tpu.memory_space<hbm>> -> memref<1x125x80xi32, #tpu.memory_space<hbm>>
      %dma_start3A_83 = tpu.memref_squeeze %dma_start3A_82 : memref<1x125x80xi32, #tpu.memory_space<hbm>> -> memref<125x80xi32, #tpu.memory_space<hbm>>
      %dma_start3A_84 = arith.constant 0 : i32
      %dma_start3A_85 = arith.constant 0 : i32
      %dma_start3A_86 = tpu.memref_slice %arg4[%add3A, %dma_start3A_84, %dma_start3A_85] : memref<32x125x80xi32, #tpu.memory_space<hbm>> -> memref<1x125x80xi32, #tpu.memory_space<hbm>>
      %dma_start3A_87 = tpu.memref_squeeze %dma_start3A_86 : memref<1x125x80xi32, #tpu.memory_space<hbm>> -> memref<125x80xi32, #tpu.memory_space<hbm>>
      tpu.enqueue_dma source(%dma_start3A_87 : memref<125x80xi32, #tpu.memory_space<hbm>>) target(%arg7 : memref<125x80xi32, #tpu.memory_space<vmem>>) target_semaphore(%run_scoped3A : memref<!tpu.dma_semaphore, #tpu.memory_space<semaphore_mem>>)
      %dma_wait3A_88 = arith.constant 0 : i32
      %dma_wait3A_89 = arith.constant 0 : i32
      %dma_wait3A_90 = tpu.memref_slice %arg4[%add3A, %dma_wait3A_88, %dma_wait3A_89] : memref<32x125x80xi32, #tpu.memory_space<hbm>> -> memref<1x125x80xi32, #tpu.memory_space<hbm>>
      %dma_wait3A_91 = tpu.memref_squeeze %dma_wait3A_90 : memref<1x125x80xi32, #tpu.memory_space<hbm>> -> memref<125x80xi32, #tpu.memory_space<hbm>>
      %dma_wait3A_92 = arith.constant 0 : i32
      %dma_wait3A_93 = arith.constant 0 : i32
      %dma_wait3A_94 = tpu.memref_slice %arg4[%add3A, %dma_wait3A_92, %dma_wait3A_93] : memref<32x125x80xi32, #tpu.memory_space<hbm>> -> memref<1x125x80xi32, #tpu.memory_space<hbm>>
      %dma_wait3A_95 = tpu.memref_squeeze %dma_wait3A_94 : memref<1x125x80xi32, #tpu.memory_space<hbm>> -> memref<125x80xi32, #tpu.memory_space<hbm>>
      tpu.wait_dma2 semaphore(%run_scoped3A : memref<!tpu.dma_semaphore, #tpu.memory_space<semaphore_mem>>) src(%dma_wait3A_95 : memref<125x80xi32, #tpu.memory_space<hbm>>) dst(%arg7 : memref<125x80xi32, #tpu.memory_space<vmem>>)
      tpu.yield
    }) : () -> ()
    "tpu.region"() ({
      %run_scoped3A = tpu.sem_alloc : memref<!tpu.dma_semaphore, #tpu.memory_space<semaphore_mem>>
      %dma_start3A_80 = arith.constant 0 : i32
      %dma_start3A_81 = arith.constant 0 : i32
      %dma_start3A_82 = tpu.memref_slice %arg5[%add3A, %dma_start3A_80, %dma_start3A_81] : memref<32x125x80xi32, #tpu.memory_space<hbm>> -> memref<1x125x80xi32, #tpu.memory_space<hbm>>
      %dma_start3A_83 = tpu.memref_squeeze %dma_start3A_82 : memref<1x125x80xi32, #tpu.memory_space<hbm>> -> memref<125x80xi32, #tpu.memory_space<hbm>>
      %dma_start3A_84 = arith.constant 0 : i32
      %dma_start3A_85 = arith.constant 0 : i32
      %dma_start3A_86 = tpu.memref_slice %arg5[%add3A, %dma_start3A_84, %dma_start3A_85] : memref<32x125x80xi32, #tpu.memory_space<hbm>> -> memref<1x125x80xi32, #tpu.memory_space<hbm>>
      %dma_start3A_87 = tpu.memref_squeeze %dma_start3A_86 : memref<1x125x80xi32, #tpu.memory_space<hbm>> -> memref<125x80xi32, #tpu.memory_space<hbm>>
      tpu.enqueue_dma source(%dma_start3A_87 : memref<125x80xi32, #tpu.memory_space<hbm>>) target(%arg8 : memref<125x80xi32, #tpu.memory_space<vmem>>) target_semaphore(%run_scoped3A : memref<!tpu.dma_semaphore, #tpu.memory_space<semaphore_mem>>)
      %dma_wait3A_88 = arith.constant 0 : i32
      %dma_wait3A_89 = arith.constant 0 : i32
      %dma_wait3A_90 = tpu.memref_slice %arg5[%add3A, %dma_wait3A_88, %dma_wait3A_89] : memref<32x125x80xi32, #tpu.memory_space<hbm>> -> memref<1x125x80xi32, #tpu.memory_space<hbm>>
      %dma_wait3A_91 = tpu.memref_squeeze %dma_wait3A_90 : memref<1x125x80xi32, #tpu.memory_space<hbm>> -> memref<125x80xi32, #tpu.memory_space<hbm>>
      %dma_wait3A_92 = arith.constant 0 : i32
      %dma_wait3A_93 = arith.constant 0 : i32
      %dma_wait3A_94 = tpu.memref_slice %arg5[%add3A, %dma_wait3A_92, %dma_wait3A_93] : memref<32x125x80xi32, #tpu.memory_space<hbm>> -> memref<1x125x80xi32, #tpu.memory_space<hbm>>
      %dma_wait3A_95 = tpu.memref_squeeze %dma_wait3A_94 : memref<1x125x80xi32, #tpu.memory_space<hbm>> -> memref<125x80xi32, #tpu.memory_space<hbm>>
      tpu.wait_dma2 semaphore(%run_scoped3A : memref<!tpu.dma_semaphore, #tpu.memory_space<semaphore_mem>>) src(%dma_wait3A_95 : memref<125x80xi32, #tpu.memory_space<hbm>>) dst(%arg8 : memref<125x80xi32, #tpu.memory_space<vmem>>)
      tpu.yield
    }) : () -> ()
    %dma_start3A = arith.constant 0 : i32
    %dma_start3A_3 = arith.constant 0 : i32
    %dma_start3A_4 = tpu.memref_slice %arg7[%dma_start3A, %dma_start3A_3] : memref<125x80xi32, #tpu.memory_space<vmem>> -> memref<1x80xi32, #tpu.memory_space<vmem>>
    %dma_start3A_5 = tpu.memref_squeeze %dma_start3A_4 : memref<1x80xi32, #tpu.memory_space<vmem>> -> memref<80xi32, #tpu.memory_space<vmem>>
    %dma_start3A_6 = arith.constant 0 : i32
    %dma_start3A_7 = arith.constant 0 : i32
    %dma_start3A_8 = tpu.memref_slice %arg2[%dma_start3A_6, %dma_start3A_7] : memref<100000x128xf32, #tpu.memory_space<hbm>> -> memref<100000x128xf32, #tpu.memory_space<hbm>>
    tpu.enqueue_indirect_dma source(%dma_start3A_8 : memref<100000x128xf32, #tpu.memory_space<hbm>>) target(%arg9 : memref<80x128xf32, #tpu.memory_space<vmem>>) offsets(%dma_start3A_5 : memref<80xi32, #tpu.memory_space<vmem>>) semaphore(%arg17 : memref<!tpu.dma_semaphore, #tpu.memory_space<semaphore_mem>>)
    %dma_start3A_9 = arith.constant 0 : i32
    %dma_start3A_10 = arith.constant 0 : i32
    %dma_start3A_11 = tpu.memref_slice %arg8[%dma_start3A_9, %dma_start3A_10] : memref<125x80xi32, #tpu.memory_space<vmem>> -> memref<1x80xi32, #tpu.memory_space<vmem>>
    %dma_start3A_12 = tpu.memref_squeeze %dma_start3A_11 : memref<1x80xi32, #tpu.memory_space<vmem>> -> memref<80xi32, #tpu.memory_space<vmem>>
    %dma_start3A_13 = arith.constant 0 : i32
    %dma_start3A_14 = arith.constant 0 : i32
    %dma_start3A_15 = tpu.memref_slice %arg3[%dma_start3A_13, %dma_start3A_14] : memref<10000x128xf32, #tpu.memory_space<hbm>> -> memref<10000x128xf32, #tpu.memory_space<hbm>>
    tpu.enqueue_indirect_dma source(%dma_start3A_15 : memref<10000x128xf32, #tpu.memory_space<hbm>>) target(%arg10 : memref<80x128xf32, #tpu.memory_space<vmem>>) offsets(%dma_start3A_12 : memref<80xi32, #tpu.memory_space<vmem>>) semaphore(%arg17 : memref<!tpu.dma_semaphore, #tpu.memory_space<semaphore_mem>>)
    %dma_start3A_16 = arith.constant 1 : i32
    %dma_start3A_17 = arith.constant 0 : i32
    %dma_start3A_18 = tpu.memref_slice %arg7[%dma_start3A_16, %dma_start3A_17] : memref<125x80xi32, #tpu.memory_space<vmem>> -> memref<1x80xi32, #tpu.memory_space<vmem>>
    %dma_start3A_19 = tpu.memref_squeeze %dma_start3A_18 : memref<1x80xi32, #tpu.memory_space<vmem>> -> memref<80xi32, #tpu.memory_space<vmem>>
    %dma_start3A_20 = arith.constant 0 : i32
    %dma_start3A_21 = arith.constant 0 : i32
    %dma_start3A_22 = tpu.memref_slice %arg2[%dma_start3A_20, %dma_start3A_21] : memref<100000x128xf32, #tpu.memory_space<hbm>> -> memref<100000x128xf32, #tpu.memory_space<hbm>>
    tpu.enqueue_indirect_dma source(%dma_start3A_22 : memref<100000x128xf32, #tpu.memory_space<hbm>>) target(%arg11 : memref<80x128xf32, #tpu.memory_space<vmem>>) offsets(%dma_start3A_19 : memref<80xi32, #tpu.memory_space<vmem>>) semaphore(%arg18 : memref<!tpu.dma_semaphore, #tpu.memory_space<semaphore_mem>>)
    %dma_start3A_23 = arith.constant 1 : i32
    %dma_start3A_24 = arith.constant 0 : i32
    %dma_start3A_25 = tpu.memref_slice %arg8[%dma_start3A_23, %dma_start3A_24] : memref<125x80xi32, #tpu.memory_space<vmem>> -> memref<1x80xi32, #tpu.memory_space<vmem>>
    %dma_start3A_26 = tpu.memref_squeeze %dma_start3A_25 : memref<1x80xi32, #tpu.memory_space<vmem>> -> memref<80xi32, #tpu.memory_space<vmem>>
    %dma_start3A_27 = arith.constant 0 : i32
    %dma_start3A_28 = arith.constant 0 : i32
    %dma_start3A_29 = tpu.memref_slice %arg3[%dma_start3A_27, %dma_start3A_28] : memref<10000x128xf32, #tpu.memory_space<hbm>> -> memref<10000x128xf32, #tpu.memory_space<hbm>>
    tpu.enqueue_indirect_dma source(%dma_start3A_29 : memref<10000x128xf32, #tpu.memory_space<hbm>>) target(%arg12 : memref<80x128xf32, #tpu.memory_space<vmem>>) offsets(%dma_start3A_26 : memref<80xi32, #tpu.memory_space<vmem>>) semaphore(%arg18 : memref<!tpu.dma_semaphore, #tpu.memory_space<semaphore_mem>>)
    %scan3A = arith.constant 0 : i32
    %scan3A_30 = arith.constant 31 : i32
    %scan3A_31 = arith.addi %scan3A, %scan3A_30 : i32
    %scan3A_32 = arith.constant 1 : i32
    scf.for %scan3A_80 = %scan3A to %scan3A_31 step %scan3A_32  : i32 {
      %mul3A_81 = arith.constant 1 : i32
      %mul3A_82 = arith.muli %scan3A_80, %mul3A_81 : i32
      %add3A_83 = arith.constant 0 : i32
      %add3A_84 = arith.addi %add3A_83, %mul3A_82 : i32
      %mul3A_85 = arith.constant 4 : i32
      %mul3A_86 = arith.muli %mul3A_85, %add3A_84 : i32
      %dma_wait3A_87 = arith.constant 0 : i32
      %dma_wait3A_88 = arith.constant 0 : i32
      %dma_wait3A_89 = tpu.memref_slice %arg2[%dma_wait3A_87, %dma_wait3A_88] : memref<100000x128xf32, #tpu.memory_space<hbm>> -> memref<80x128xf32, #tpu.memory_space<hbm>>
      %dma_wait3A_90 = arith.constant 0 : i32
      %dma_wait3A_91 = arith.constant 0 : i32
      %dma_wait3A_92 = tpu.memref_slice %arg2[%dma_wait3A_90, %dma_wait3A_91] : memref<100000x128xf32, #tpu.memory_space<hbm>> -> memref<80x128xf32, #tpu.memory_space<hbm>>
      tpu.wait_dma2 semaphore(%arg17 : memref<!tpu.dma_semaphore, #tpu.memory_space<semaphore_mem>>) src(%dma_wait3A_92 : memref<80x128xf32, #tpu.memory_space<hbm>>) dst(%arg9 : memref<80x128xf32, #tpu.memory_space<vmem>>)
      %dma_wait3A_93 = arith.constant 0 : i32
      %dma_wait3A_94 = arith.constant 0 : i32
      %dma_wait3A_95 = tpu.memref_slice %arg2[%dma_wait3A_93, %dma_wait3A_94] : memref<100000x128xf32, #tpu.memory_space<hbm>> -> memref<80x128xf32, #tpu.memory_space<hbm>>
      %dma_wait3A_96 = arith.constant 0 : i32
      %dma_wait3A_97 = arith.constant 0 : i32
      %dma_wait3A_98 = tpu.memref_slice %arg2[%dma_wait3A_96, %dma_wait3A_97] : memref<100000x128xf32, #tpu.memory_space<hbm>> -> memref<80x128xf32, #tpu.memory_space<hbm>>
      tpu.wait_dma2 semaphore(%arg17 : memref<!tpu.dma_semaphore, #tpu.memory_space<semaphore_mem>>) src(%dma_wait3A_98 : memref<80x128xf32, #tpu.memory_space<hbm>>) dst(%arg10 : memref<80x128xf32, #tpu.memory_space<vmem>>)
      %gt3A = arith.constant 0 : i32
      %gt3A_99 = arith.cmpi sgt, %add3A_84, %gt3A : i32
      %convert_element_type3A = arith.extui %gt3A_99 : i1 to i32
      %cond3A = arith.constant 0 : i32
      %cond3A_100 = arith.cmpi ne, %convert_element_type3A, %cond3A : i32
      scf.if %cond3A_100 {
        %dma_wait3A_233 = arith.constant 0 : i32
        %dma_wait3A_234 = arith.constant 0 : i32
        %dma_wait3A_235 = tpu.memref_slice %arg6[%dma_wait3A_233, %dma_wait3A_234] : memref<320000x128xf32, #tpu.memory_space<hbm>> -> memref<80x128xf32, #tpu.memory_space<hbm>>
        %dma_wait3A_236 = arith.constant 0 : i32
        %dma_wait3A_237 = arith.constant 0 : i32
        %dma_wait3A_238 = tpu.memref_slice %arg6[%dma_wait3A_236, %dma_wait3A_237] : memref<320000x128xf32, #tpu.memory_space<hbm>> -> memref<80x128xf32, #tpu.memory_space<hbm>>
        tpu.wait_dma2 semaphore(%arg23 : memref<!tpu.dma_semaphore, #tpu.memory_space<semaphore_mem>>) src(%arg13 : memref<80x128xf32, #tpu.memory_space<vmem>>) dst(%dma_wait3A_238 : memref<80x128xf32, #tpu.memory_space<hbm>>)
        %add3A_239 = arith.constant 0 : i32
        %add3A_240 = arith.addi %mul3A_86, %add3A_239 : i32
        %add3A_241 = arith.constant 2 : i32
        %add3A_242 = arith.addi %add3A_240, %add3A_241 : i32
        %dma_start3A_243 = arith.constant 0 : i32
        %dma_start3A_244 = tpu.memref_slice %arg7[%add3A_242, %dma_start3A_243] : memref<125x80xi32, #tpu.memory_space<vmem>> -> memref<1x80xi32, #tpu.memory_space<vmem>>
        %dma_start3A_245 = tpu.memref_squeeze %dma_start3A_244 : memref<1x80xi32, #tpu.memory_space<vmem>> -> memref<80xi32, #tpu.memory_space<vmem>>
        %dma_start3A_246 = arith.constant 0 : i32
        %dma_start3A_247 = arith.constant 0 : i32
        %dma_start3A_248 = tpu.memref_slice %arg2[%dma_start3A_246, %dma_start3A_247] : memref<100000x128xf32, #tpu.memory_space<hbm>> -> memref<100000x128xf32, #tpu.memory_space<hbm>>
        tpu.enqueue_indirect_dma source(%dma_start3A_248 : memref<100000x128xf32, #tpu.memory_space<hbm>>) target(%arg13 : memref<80x128xf32, #tpu.memory_space<vmem>>) offsets(%dma_start3A_245 : memref<80xi32, #tpu.memory_space<vmem>>) semaphore(%arg19 : memref<!tpu.dma_semaphore, #tpu.memory_space<semaphore_mem>>)
        %dma_start3A_249 = arith.constant 0 : i32
        %dma_start3A_250 = tpu.memref_slice %arg8[%add3A_242, %dma_start3A_249] : memref<125x80xi32, #tpu.memory_space<vmem>> -> memref<1x80xi32, #tpu.memory_space<vmem>>
        %dma_start3A_251 = tpu.memref_squeeze %dma_start3A_250 : memref<1x80xi32, #tpu.memory_space<vmem>> -> memref<80xi32, #tpu.memory_space<vmem>>
        %dma_start3A_252 = arith.constant 0 : i32
        %dma_start3A_253 = arith.constant 0 : i32
        %dma_start3A_254 = tpu.memref_slice %arg3[%dma_start3A_252, %dma_start3A_253] : memref<10000x128xf32, #tpu.memory_space<hbm>> -> memref<10000x128xf32, #tpu.memory_space<hbm>>
        tpu.enqueue_indirect_dma source(%dma_start3A_254 : memref<10000x128xf32, #tpu.memory_space<hbm>>) target(%arg14 : memref<80x128xf32, #tpu.memory_space<vmem>>) offsets(%dma_start3A_251 : memref<80xi32, #tpu.memory_space<vmem>>) semaphore(%arg19 : memref<!tpu.dma_semaphore, #tpu.memory_space<semaphore_mem>>)
      } else {
      }
      %eq3A = arith.constant 0 : i32
      %eq3A_101 = arith.cmpi eq, %add3A_84, %eq3A : i32
      %convert_element_type3A_102 = arith.extui %eq3A_101 : i1 to i32
      %cond3A_103 = arith.constant 0 : i32
      %cond3A_104 = arith.cmpi ne, %convert_element_type3A_102, %cond3A_103 : i32
      scf.if %cond3A_104 {
        %add3A_233 = arith.constant 0 : i32
        %add3A_234 = arith.addi %mul3A_86, %add3A_233 : i32
        %add3A_235 = arith.constant 2 : i32
        %add3A_236 = arith.addi %add3A_234, %add3A_235 : i32
        %dma_start3A_237 = arith.constant 0 : i32
        %dma_start3A_238 = tpu.memref_slice %arg7[%add3A_236, %dma_start3A_237] : memref<125x80xi32, #tpu.memory_space<vmem>> -> memref<1x80xi32, #tpu.memory_space<vmem>>
        %dma_start3A_239 = tpu.memref_squeeze %dma_start3A_238 : memref<1x80xi32, #tpu.memory_space<vmem>> -> memref<80xi32, #tpu.memory_space<vmem>>
        %dma_start3A_240 = arith.constant 0 : i32
        %dma_start3A_241 = arith.constant 0 : i32
        %dma_start3A_242 = tpu.memref_slice %arg2[%dma_start3A_240, %dma_start3A_241] : memref<100000x128xf32, #tpu.memory_space<hbm>> -> memref<100000x128xf32, #tpu.memory_space<hbm>>
        tpu.enqueue_indirect_dma source(%dma_start3A_242 : memref<100000x128xf32, #tpu.memory_space<hbm>>) target(%arg13 : memref<80x128xf32, #tpu.memory_space<vmem>>) offsets(%dma_start3A_239 : memref<80xi32, #tpu.memory_space<vmem>>) semaphore(%arg19 : memref<!tpu.dma_semaphore, #tpu.memory_space<semaphore_mem>>)
        %dma_start3A_243 = arith.constant 0 : i32
        %dma_start3A_244 = tpu.memref_slice %arg8[%add3A_236, %dma_start3A_243] : memref<125x80xi32, #tpu.memory_space<vmem>> -> memref<1x80xi32, #tpu.memory_space<vmem>>
        %dma_start3A_245 = tpu.memref_squeeze %dma_start3A_244 : memref<1x80xi32, #tpu.memory_space<vmem>> -> memref<80xi32, #tpu.memory_space<vmem>>
        %dma_start3A_246 = arith.constant 0 : i32
        %dma_start3A_247 = arith.constant 0 : i32
        %dma_start3A_248 = tpu.memref_slice %arg3[%dma_start3A_246, %dma_start3A_247] : memref<10000x128xf32, #tpu.memory_space<hbm>> -> memref<10000x128xf32, #tpu.memory_space<hbm>>
        tpu.enqueue_indirect_dma source(%dma_start3A_248 : memref<10000x128xf32, #tpu.memory_space<hbm>>) target(%arg14 : memref<80x128xf32, #tpu.memory_space<vmem>>) offsets(%dma_start3A_245 : memref<80xi32, #tpu.memory_space<vmem>>) semaphore(%arg19 : memref<!tpu.dma_semaphore, #tpu.memory_space<semaphore_mem>>)
      } else {
      }
      %scan3A_105 = arith.constant 0 : i32
      %scan3A_106 = arith.constant 80 : i32
      %scan3A_107 = arith.addi %scan3A_105, %scan3A_106 : i32
      %scan3A_108 = arith.constant 1 : i32
      scf.for %scan3A_233 = %scan3A_105 to %scan3A_107 step %scan3A_108  : i32 {
        %mul3A_234 = arith.constant 1 : i32
        %mul3A_235 = arith.muli %scan3A_233, %mul3A_234 : i32
        %add3A_236 = arith.constant 0 : i32
        %add3A_237 = arith.addi %add3A_236, %mul3A_235 : i32
        %get3A = arith.index_cast %add3A_237 : i32 to index
        %get3A_238 = arith.constant 0 : index
        %get3A_239 = tpu.vector_load %arg9[%get3A, %get3A_238] {strides = array<i32>} : memref<80x128xf32, #tpu.memory_space<vmem>>, vector<1x16xf32>,
        %get3A_240 = vector.shape_cast %get3A_239 : vector<1x16xf32> to vector<16xf32>
        %get3A_241 = arith.index_cast %add3A_237 : i32 to index
        %get3A_242 = arith.constant 0 : index
        %get3A_243 = tpu.vector_load %arg10[%get3A_241, %get3A_242] {strides = array<i32>} : memref<80x128xf32, #tpu.memory_space<vmem>>, vector<1x16xf32>,
        %get3A_244 = vector.shape_cast %get3A_243 : vector<1x16xf32> to vector<16xf32>
        %add3A_245 = arith.addf %get3A_240, %get3A_244 : vector<16xf32>
        %swap3A = arith.index_cast %add3A_237 : i32 to index
        %swap3A_246 = arith.constant 0 : index
        %swap3A_247 = tpu.vector_load %arg9[%swap3A, %swap3A_246] {strides = array<i32>} : memref<80x128xf32, #tpu.memory_space<vmem>>, vector<1x16xf32>,
        %swap3A_248 = vector.shape_cast %swap3A_247 : vector<1x16xf32> to vector<16xf32>
        %swap3A_249 = vector.shape_cast %add3A_245 : vector<16xf32> to vector<1x16xf32>
        tpu.vector_store %arg9[%swap3A, %swap3A_246], %swap3A_249 {strides = array<i32>} : memref<80x128xf32, #tpu.memory_space<vmem>>, vector<1x16xf32>,
        %get3A_250 = arith.index_cast %add3A_237 : i32 to index
        %get3A_251 = arith.constant 16 : index
        %get3A_252 = tpu.vector_load %arg9[%get3A_250, %get3A_251] {strides = array<i32>} : memref<80x128xf32, #tpu.memory_space<vmem>>, vector<1x16xf32>,
        %get3A_253 = vector.shape_cast %get3A_252 : vector<1x16xf32> to vector<16xf32>
        %get3A_254 = arith.index_cast %add3A_237 : i32 to index
        %get3A_255 = arith.constant 16 : index
        %get3A_256 = tpu.vector_load %arg10[%get3A_254, %get3A_255] {strides = array<i32>} : memref<80x128xf32, #tpu.memory_space<vmem>>, vector<1x16xf32>,
        %get3A_257 = vector.shape_cast %get3A_256 : vector<1x16xf32> to vector<16xf32>
        %add3A_258 = arith.addf %get3A_253, %get3A_257 : vector<16xf32>
        %swap3A_259 = arith.index_cast %add3A_237 : i32 to index
        %swap3A_260 = arith.constant 16 : index
        %swap3A_261 = tpu.vector_load %arg9[%swap3A_259, %swap3A_260] {strides = array<i32>} : memref<80x128xf32, #tpu.memory_space<vmem>>, vector<1x16xf32>,
        %swap3A_262 = vector.shape_cast %swap3A_261 : vector<1x16xf32> to vector<16xf32>
        %swap3A_263 = vector.shape_cast %add3A_258 : vector<16xf32> to vector<1x16xf32>
        tpu.vector_store %arg9[%swap3A_259, %swap3A_260], %swap3A_263 {strides = array<i32>} : memref<80x128xf32, #tpu.memory_space<vmem>>, vector<1x16xf32>,
        %get3A_264 = arith.index_cast %add3A_237 : i32 to index
        %get3A_265 = arith.constant 32 : index
        %get3A_266 = tpu.vector_load %arg9[%get3A_264, %get3A_265] {strides = array<i32>} : memref<80x128xf32, #tpu.memory_space<vmem>>, vector<1x16xf32>,
        %get3A_267 = vector.shape_cast %get3A_266 : vector<1x16xf32> to vector<16xf32>
        %get3A_268 = arith.index_cast %add3A_237 : i32 to index
        %get3A_269 = arith.constant 32 : index
        %get3A_270 = tpu.vector_load %arg10[%get3A_268, %get3A_269] {strides = array<i32>} : memref<80x128xf32, #tpu.memory_space<vmem>>, vector<1x16xf32>,
        %get3A_271 = vector.shape_cast %get3A_270 : vector<1x16xf32> to vector<16xf32>
        %add3A_272 = arith.addf %get3A_267, %get3A_271 : vector<16xf32>
        %swap3A_273 = arith.index_cast %add3A_237 : i32 to index
        %swap3A_274 = arith.constant 32 : index
        %swap3A_275 = tpu.vector_load %arg9[%swap3A_273, %swap3A_274] {strides = array<i32>} : memref<80x128xf32, #tpu.memory_space<vmem>>, vector<1x16xf32>,
        %swap3A_276 = vector.shape_cast %swap3A_275 : vector<1x16xf32> to vector<16xf32>
        %swap3A_277 = vector.shape_cast %add3A_272 : vector<16xf32> to vector<1x16xf32>
        tpu.vector_store %arg9[%swap3A_273, %swap3A_274], %swap3A_277 {strides = array<i32>} : memref<80x128xf32, #tpu.memory_space<vmem>>, vector<1x16xf32>,
        %get3A_278 = arith.index_cast %add3A_237 : i32 to index
        %get3A_279 = arith.constant 48 : index
        %get3A_280 = tpu.vector_load %arg9[%get3A_278, %get3A_279] {strides = array<i32>} : memref<80x128xf32, #tpu.memory_space<vmem>>, vector<1x16xf32>,
        %get3A_281 = vector.shape_cast %get3A_280 : vector<1x16xf32> to vector<16xf32>
        %get3A_282 = arith.index_cast %add3A_237 : i32 to index
        %get3A_283 = arith.constant 48 : index
        %get3A_284 = tpu.vector_load %arg10[%get3A_282, %get3A_283] {strides = array<i32>} : memref<80x128xf32, #tpu.memory_space<vmem>>, vector<1x16xf32>,
        %get3A_285 = vector.shape_cast %get3A_284 : vector<1x16xf32> to vector<16xf32>
        %add3A_286 = arith.addf %get3A_281, %get3A_285 : vector<16xf32>
        %swap3A_287 = arith.index_cast %add3A_237 : i32 to index
        %swap3A_288 = arith.constant 48 : index
        %swap3A_289 = tpu.vector_load %arg9[%swap3A_287, %swap3A_288] {strides = array<i32>} : memref<80x128xf32, #tpu.memory_space<vmem>>, vector<1x16xf32>,
        %swap3A_290 = vector.shape_cast %swap3A_289 : vector<1x16xf32> to vector<16xf32>
        %swap3A_291 = vector.shape_cast %add3A_286 : vector<16xf32> to vector<1x16xf32>
        tpu.vector_store %arg9[%swap3A_287, %swap3A_288], %swap3A_291 {strides = array<i32>} : memref<80x128xf32, #tpu.memory_space<vmem>>, vector<1x16xf32>,
        %get3A_292 = arith.index_cast %add3A_237 : i32 to index
        %get3A_293 = arith.constant 64 : index
        %get3A_294 = tpu.vector_load %arg9[%get3A_292, %get3A_293] {strides = array<i32>} : memref<80x128xf32, #tpu.memory_space<vmem>>, vector<1x16xf32>,
        %get3A_295 = vector.shape_cast %get3A_294 : vector<1x16xf32> to vector<16xf32>
        %get3A_296 = arith.index_cast %add3A_237 : i32 to index
        %get3A_297 = arith.constant 64 : index
        %get3A_298 = tpu.vector_load %arg10[%get3A_296, %get3A_297] {strides = array<i32>} : memref<80x128xf32, #tpu.memory_space<vmem>>, vector<1x16xf32>,
        %get3A_299 = vector.shape_cast %get3A_298 : vector<1x16xf32> to vector<16xf32>
        %add3A_300 = arith.addf %get3A_295, %get3A_299 : vector<16xf32>
        %swap3A_301 = arith.index_cast %add3A_237 : i32 to index
        %swap3A_302 = arith.constant 64 : index
        %swap3A_303 = tpu.vector_load %arg9[%swap3A_301, %swap3A_302] {strides = array<i32>} : memref<80x128xf32, #tpu.memory_space<vmem>>, vector<1x16xf32>,
        %swap3A_304 = vector.shape_cast %swap3A_303 : vector<1x16xf32> to vector<16xf32>
        %swap3A_305 = vector.shape_cast %add3A_300 : vector<16xf32> to vector<1x16xf32>
        tpu.vector_store %arg9[%swap3A_301, %swap3A_302], %swap3A_305 {strides = array<i32>} : memref<80x128xf32, #tpu.memory_space<vmem>>, vector<1x16xf32>,
        %get3A_306 = arith.index_cast %add3A_237 : i32 to index
        %get3A_307 = arith.constant 80 : index
        %get3A_308 = tpu.vector_load %arg9[%get3A_306, %get3A_307] {strides = array<i32>} : memref<80x128xf32, #tpu.memory_space<vmem>>, vector<1x16xf32>,
        %get3A_309 = vector.shape_cast %get3A_308 : vector<1x16xf32> to vector<16xf32>
        %get3A_310 = arith.index_cast %add3A_237 : i32 to index
        %get3A_311 = arith.constant 80 : index
        %get3A_312 = tpu.vector_load %arg10[%get3A_310, %get3A_311] {strides = array<i32>} : memref<80x128xf32, #tpu.memory_space<vmem>>, vector<1x16xf32>,
        %get3A_313 = vector.shape_cast %get3A_312 : vector<1x16xf32> to vector<16xf32>
        %add3A_314 = arith.addf %get3A_309, %get3A_313 : vector<16xf32>
        %swap3A_315 = arith.index_cast %add3A_237 : i32 to index
        %swap3A_316 = arith.constant 80 : index
        %swap3A_317 = tpu.vector_load %arg9[%swap3A_315, %swap3A_316] {strides = array<i32>} : memref<80x128xf32, #tpu.memory_space<vmem>>, vector<1x16xf32>,
        %swap3A_318 = vector.shape_cast %swap3A_317 : vector<1x16xf32> to vector<16xf32>
        %swap3A_319 = vector.shape_cast %add3A_314 : vector<16xf32> to vector<1x16xf32>
        tpu.vector_store %arg9[%swap3A_315, %swap3A_316], %swap3A_319 {strides = array<i32>} : memref<80x128xf32, #tpu.memory_space<vmem>>, vector<1x16xf32>,
        %get3A_320 = arith.index_cast %add3A_237 : i32 to index
        %get3A_321 = arith.constant 96 : index
        %get3A_322 = tpu.vector_load %arg9[%get3A_320, %get3A_321] {strides = array<i32>} : memref<80x128xf32, #tpu.memory_space<vmem>>, vector<1x16xf32>,
        %get3A_323 = vector.shape_cast %get3A_322 : vector<1x16xf32> to vector<16xf32>
        %get3A_324 = arith.index_cast %add3A_237 : i32 to index
        %get3A_325 = arith.constant 96 : index
        %get3A_326 = tpu.vector_load %arg10[%get3A_324, %get3A_325] {strides = array<i32>} : memref<80x128xf32, #tpu.memory_space<vmem>>, vector<1x16xf32>,
        %get3A_327 = vector.shape_cast %get3A_326 : vector<1x16xf32> to vector<16xf32>
        %add3A_328 = arith.addf %get3A_323, %get3A_327 : vector<16xf32>
        %swap3A_329 = arith.index_cast %add3A_237 : i32 to index
        %swap3A_330 = arith.constant 96 : index
        %swap3A_331 = tpu.vector_load %arg9[%swap3A_329, %swap3A_330] {strides = array<i32>} : memref<80x128xf32, #tpu.memory_space<vmem>>, vector<1x16xf32>,
        %swap3A_332 = vector.shape_cast %swap3A_331 : vector<1x16xf32> to vector<16xf32>
        %swap3A_333 = vector.shape_cast %add3A_328 : vector<16xf32> to vector<1x16xf32>
        tpu.vector_store %arg9[%swap3A_329, %swap3A_330], %swap3A_333 {strides = array<i32>} : memref<80x128xf32, #tpu.memory_space<vmem>>, vector<1x16xf32>,
        %get3A_334 = arith.index_cast %add3A_237 : i32 to index
        %get3A_335 = arith.constant 112 : index
        %get3A_336 = tpu.vector_load %arg9[%get3A_334, %get3A_335] {strides = array<i32>} : memref<80x128xf32, #tpu.memory_space<vmem>>, vector<1x16xf32>,
        %get3A_337 = vector.shape_cast %get3A_336 : vector<1x16xf32> to vector<16xf32>
        %get3A_338 = arith.index_cast %add3A_237 : i32 to index
        %get3A_339 = arith.constant 112 : index
        %get3A_340 = tpu.vector_load %arg10[%get3A_338, %get3A_339] {strides = array<i32>} : memref<80x128xf32, #tpu.memory_space<vmem>>, vector<1x16xf32>,
        %get3A_341 = vector.shape_cast %get3A_340 : vector<1x16xf32> to vector<16xf32>
        %add3A_342 = arith.addf %get3A_337, %get3A_341 : vector<16xf32>
        %swap3A_343 = arith.index_cast %add3A_237 : i32 to index
        %swap3A_344 = arith.constant 112 : index
        %swap3A_345 = tpu.vector_load %arg9[%swap3A_343, %swap3A_344] {strides = array<i32>} : memref<80x128xf32, #tpu.memory_space<vmem>>, vector<1x16xf32>,
        %swap3A_346 = vector.shape_cast %swap3A_345 : vector<1x16xf32> to vector<16xf32>
        %swap3A_347 = vector.shape_cast %add3A_342 : vector<16xf32> to vector<1x16xf32>
        tpu.vector_store %arg9[%swap3A_343, %swap3A_344], %swap3A_347 {strides = array<i32>} : memref<80x128xf32, #tpu.memory_space<vmem>>, vector<1x16xf32>,
      }
      %scan3A_109 = arith.constant 80 : i32
      %add3A_110 = arith.constant 0 : i32
      %add3A_111 = arith.addi %mul3A_86, %add3A_110 : i32
      %mul3A_112 = arith.constant 80 : i32
      %mul3A_113 = arith.muli %add3A_111, %mul3A_112 : i32
      %add3A_114 = arith.addi %mul3A_2, %mul3A_113 : i32
      %dma_start3A_115 = arith.constant 0 : i32
      %dma_start3A_116 = tpu.memref_slice %arg6[%add3A_114, %dma_start3A_115] : memref<320000x128xf32, #tpu.memory_space<hbm>> -> memref<80x128xf32, #tpu.memory_space<hbm>>
      %dma_start3A_117 = arith.constant 0 : i32
      %dma_start3A_118 = tpu.memref_slice %arg6[%add3A_114, %dma_start3A_117] : memref<320000x128xf32, #tpu.memory_space<hbm>> -> memref<80x128xf32, #tpu.memory_space<hbm>>
      tpu.enqueue_dma source(%arg9 : memref<80x128xf32, #tpu.memory_space<vmem>>) target(%dma_start3A_118 : memref<80x128xf32, #tpu.memory_space<hbm>>) target_semaphore(%arg21 : memref<!tpu.dma_semaphore, #tpu.memory_space<semaphore_mem>>)
      %dma_wait3A_119 = arith.constant 0 : i32
      %dma_wait3A_120 = arith.constant 0 : i32
      %dma_wait3A_121 = tpu.memref_slice %arg2[%dma_wait3A_119, %dma_wait3A_120] : memref<100000x128xf32, #tpu.memory_space<hbm>> -> memref<80x128xf32, #tpu.memory_space<hbm>>
      %dma_wait3A_122 = arith.constant 0 : i32
      %dma_wait3A_123 = arith.constant 0 : i32
      %dma_wait3A_124 = tpu.memref_slice %arg2[%dma_wait3A_122, %dma_wait3A_123] : memref<100000x128xf32, #tpu.memory_space<hbm>> -> memref<80x128xf32, #tpu.memory_space<hbm>>
      tpu.wait_dma2 semaphore(%arg18 : memref<!tpu.dma_semaphore, #tpu.memory_space<semaphore_mem>>) src(%dma_wait3A_124 : memref<80x128xf32, #tpu.memory_space<hbm>>) dst(%arg11 : memref<80x128xf32, #tpu.memory_space<vmem>>)
      %dma_wait3A_125 = arith.constant 0 : i32
      %dma_wait3A_126 = arith.constant 0 : i32
      %dma_wait3A_127 = tpu.memref_slice %arg2[%dma_wait3A_125, %dma_wait3A_126] : memref<100000x128xf32, #tpu.memory_space<hbm>> -> memref<80x128xf32, #tpu.memory_space<hbm>>
      %dma_wait3A_128 = arith.constant 0 : i32
      %dma_wait3A_129 = arith.constant 0 : i32
      %dma_wait3A_130 = tpu.memref_slice %arg2[%dma_wait3A_128, %dma_wait3A_129] : memref<100000x128xf32, #tpu.memory_space<hbm>> -> memref<80x128xf32, #tpu.memory_space<hbm>>
      tpu.wait_dma2 semaphore(%arg18 : memref<!tpu.dma_semaphore, #tpu.memory_space<semaphore_mem>>) src(%dma_wait3A_130 : memref<80x128xf32, #tpu.memory_space<hbm>>) dst(%arg12 : memref<80x128xf32, #tpu.memory_space<vmem>>)
      %gt3A_131 = arith.constant 0 : i32
      %gt3A_132 = arith.cmpi sgt, %add3A_84, %gt3A_131 : i32
      %convert_element_type3A_133 = arith.extui %gt3A_132 : i1 to i32
      %cond3A_134 = arith.constant 0 : i32
      %cond3A_135 = arith.cmpi ne, %convert_element_type3A_133, %cond3A_134 : i32
      scf.if %cond3A_135 {
        %dma_wait3A_233 = arith.constant 0 : i32
        %dma_wait3A_234 = arith.constant 0 : i32
        %dma_wait3A_235 = tpu.memref_slice %arg6[%dma_wait3A_233, %dma_wait3A_234] : memref<320000x128xf32, #tpu.memory_space<hbm>> -> memref<80x128xf32, #tpu.memory_space<hbm>>
        %dma_wait3A_236 = arith.constant 0 : i32
        %dma_wait3A_237 = arith.constant 0 : i32
        %dma_wait3A_238 = tpu.memref_slice %arg6[%dma_wait3A_236, %dma_wait3A_237] : memref<320000x128xf32, #tpu.memory_space<hbm>> -> memref<80x128xf32, #tpu.memory_space<hbm>>
        tpu.wait_dma2 semaphore(%arg24 : memref<!tpu.dma_semaphore, #tpu.memory_space<semaphore_mem>>) src(%arg15 : memref<80x128xf32, #tpu.memory_space<vmem>>) dst(%dma_wait3A_238 : memref<80x128xf32, #tpu.memory_space<hbm>>)
        %add3A_239 = arith.constant 1 : i32
        %add3A_240 = arith.addi %mul3A_86, %add3A_239 : i32
        %add3A_241 = arith.constant 2 : i32
        %add3A_242 = arith.addi %add3A_240, %add3A_241 : i32
        %dma_start3A_243 = arith.constant 0 : i32
        %dma_start3A_244 = tpu.memref_slice %arg7[%add3A_242, %dma_start3A_243] : memref<125x80xi32, #tpu.memory_space<vmem>> -> memref<1x80xi32, #tpu.memory_space<vmem>>
        %dma_start3A_245 = tpu.memref_squeeze %dma_start3A_244 : memref<1x80xi32, #tpu.memory_space<vmem>> -> memref<80xi32, #tpu.memory_space<vmem>>
        %dma_start3A_246 = arith.constant 0 : i32
        %dma_start3A_247 = arith.constant 0 : i32
        %dma_start3A_248 = tpu.memref_slice %arg2[%dma_start3A_246, %dma_start3A_247] : memref<100000x128xf32, #tpu.memory_space<hbm>> -> memref<100000x128xf32, #tpu.memory_space<hbm>>
        tpu.enqueue_indirect_dma source(%dma_start3A_248 : memref<100000x128xf32, #tpu.memory_space<hbm>>) target(%arg15 : memref<80x128xf32, #tpu.memory_space<vmem>>) offsets(%dma_start3A_245 : memref<80xi32, #tpu.memory_space<vmem>>) semaphore(%arg20 : memref<!tpu.dma_semaphore, #tpu.memory_space<semaphore_mem>>)
        %dma_start3A_249 = arith.constant 0 : i32
        %dma_start3A_250 = tpu.memref_slice %arg8[%add3A_242, %dma_start3A_249] : memref<125x80xi32, #tpu.memory_space<vmem>> -> memref<1x80xi32, #tpu.memory_space<vmem>>
        %dma_start3A_251 = tpu.memref_squeeze %dma_start3A_250 : memref<1x80xi32, #tpu.memory_space<vmem>> -> memref<80xi32, #tpu.memory_space<vmem>>
        %dma_start3A_252 = arith.constant 0 : i32
        %dma_start3A_253 = arith.constant 0 : i32
        %dma_start3A_254 = tpu.memref_slice %arg3[%dma_start3A_252, %dma_start3A_253] : memref<10000x128xf32, #tpu.memory_space<hbm>> -> memref<10000x128xf32, #tpu.memory_space<hbm>>
        tpu.enqueue_indirect_dma source(%dma_start3A_254 : memref<10000x128xf32, #tpu.memory_space<hbm>>) target(%arg16 : memref<80x128xf32, #tpu.memory_space<vmem>>) offsets(%dma_start3A_251 : memref<80xi32, #tpu.memory_space<vmem>>) semaphore(%arg20 : memref<!tpu.dma_semaphore, #tpu.memory_space<semaphore_mem>>)
      } else {
      }
      %eq3A_136 = arith.constant 0 : i32
      %eq3A_137 = arith.cmpi eq, %add3A_84, %eq3A_136 : i32
      %convert_element_type3A_138 = arith.extui %eq3A_137 : i1 to i32
      %cond3A_139 = arith.constant 0 : i32
      %cond3A_140 = arith.cmpi ne, %convert_element_type3A_138, %cond3A_139 : i32
      scf.if %cond3A_140 {
        %add3A_233 = arith.constant 1 : i32
        %add3A_234 = arith.addi %mul3A_86, %add3A_233 : i32
        %add3A_235 = arith.constant 2 : i32
        %add3A_236 = arith.addi %add3A_234, %add3A_235 : i32
        %dma_start3A_237 = arith.constant 0 : i32
        %dma_start3A_238 = tpu.memref_slice %arg7[%add3A_236, %dma_start3A_237] : memref<125x80xi32, #tpu.memory_space<vmem>> -> memref<1x80xi32, #tpu.memory_space<vmem>>
        %dma_start3A_239 = tpu.memref_squeeze %dma_start3A_238 : memref<1x80xi32, #tpu.memory_space<vmem>> -> memref<80xi32, #tpu.memory_space<vmem>>
        %dma_start3A_240 = arith.constant 0 : i32
        %dma_start3A_241 = arith.constant 0 : i32
        %dma_start3A_242 = tpu.memref_slice %arg2[%dma_start3A_240, %dma_start3A_241] : memref<100000x128xf32, #tpu.memory_space<hbm>> -> memref<100000x128xf32, #tpu.memory_space<hbm>>
        tpu.enqueue_indirect_dma source(%dma_start3A_242 : memref<100000x128xf32, #tpu.memory_space<hbm>>) target(%arg15 : memref<80x128xf32, #tpu.memory_space<vmem>>) offsets(%dma_start3A_239 : memref<80xi32, #tpu.memory_space<vmem>>) semaphore(%arg20 : memref<!tpu.dma_semaphore, #tpu.memory_space<semaphore_mem>>)
        %dma_start3A_243 = arith.constant 0 : i32
        %dma_start3A_244 = tpu.memref_slice %arg8[%add3A_236, %dma_start3A_243] : memref<125x80xi32, #tpu.memory_space<vmem>> -> memref<1x80xi32, #tpu.memory_space<vmem>>
        %dma_start3A_245 = tpu.memref_squeeze %dma_start3A_244 : memref<1x80xi32, #tpu.memory_space<vmem>> -> memref<80xi32, #tpu.memory_space<vmem>>
        %dma_start3A_246 = arith.constant 0 : i32
        %dma_start3A_247 = arith.constant 0 : i32
        %dma_start3A_248 = tpu.memref_slice %arg3[%dma_start3A_246, %dma_start3A_247] : memref<10000x128xf32, #tpu.memory_space<hbm>> -> memref<10000x128xf32, #tpu.memory_space<hbm>>
        tpu.enqueue_indirect_dma source(%dma_start3A_248 : memref<10000x128xf32, #tpu.memory_space<hbm>>) target(%arg16 : memref<80x128xf32, #tpu.memory_space<vmem>>) offsets(%dma_start3A_245 : memref<80xi32, #tpu.memory_space<vmem>>) semaphore(%arg20 : memref<!tpu.dma_semaphore, #tpu.memory_space<semaphore_mem>>)
      } else {
      }
      %scan3A_141 = arith.constant 0 : i32
      %scan3A_142 = arith.constant 80 : i32
      %scan3A_143 = arith.addi %scan3A_141, %scan3A_142 : i32
      %scan3A_144 = arith.constant 1 : i32
      scf.for %scan3A_233 = %scan3A_141 to %scan3A_143 step %scan3A_144  : i32 {
        %mul3A_234 = arith.constant 1 : i32
        %mul3A_235 = arith.muli %scan3A_233, %mul3A_234 : i32
        %add3A_236 = arith.constant 0 : i32
        %add3A_237 = arith.addi %add3A_236, %mul3A_235 : i32
        %get3A = arith.index_cast %add3A_237 : i32 to index
        %get3A_238 = arith.constant 0 : index
        %get3A_239 = tpu.vector_load %arg11[%get3A, %get3A_238] {strides = array<i32>} : memref<80x128xf32, #tpu.memory_space<vmem>>, vector<1x16xf32>,
        %get3A_240 = vector.shape_cast %get3A_239 : vector<1x16xf32> to vector<16xf32>
        %get3A_241 = arith.index_cast %add3A_237 : i32 to index
        %get3A_242 = arith.constant 0 : index
        %get3A_243 = tpu.vector_load %arg12[%get3A_241, %get3A_242] {strides = array<i32>} : memref<80x128xf32, #tpu.memory_space<vmem>>, vector<1x16xf32>,
        %get3A_244 = vector.shape_cast %get3A_243 : vector<1x16xf32> to vector<16xf32>
        %add3A_245 = arith.addf %get3A_240, %get3A_244 : vector<16xf32>
        %swap3A = arith.index_cast %add3A_237 : i32 to index
        %swap3A_246 = arith.constant 0 : index
        %swap3A_247 = tpu.vector_load %arg11[%swap3A, %swap3A_246] {strides = array<i32>} : memref<80x128xf32, #tpu.memory_space<vmem>>, vector<1x16xf32>,
        %swap3A_248 = vector.shape_cast %swap3A_247 : vector<1x16xf32> to vector<16xf32>
        %swap3A_249 = vector.shape_cast %add3A_245 : vector<16xf32> to vector<1x16xf32>
        tpu.vector_store %arg11[%swap3A, %swap3A_246], %swap3A_249 {strides = array<i32>} : memref<80x128xf32, #tpu.memory_space<vmem>>, vector<1x16xf32>,
        %get3A_250 = arith.index_cast %add3A_237 : i32 to index
        %get3A_251 = arith.constant 16 : index
        %get3A_252 = tpu.vector_load %arg11[%get3A_250, %get3A_251] {strides = array<i32>} : memref<80x128xf32, #tpu.memory_space<vmem>>, vector<1x16xf32>,
        %get3A_253 = vector.shape_cast %get3A_252 : vector<1x16xf32> to vector<16xf32>
        %get3A_254 = arith.index_cast %add3A_237 : i32 to index
        %get3A_255 = arith.constant 16 : index
        %get3A_256 = tpu.vector_load %arg12[%get3A_254, %get3A_255] {strides = array<i32>} : memref<80x128xf32, #tpu.memory_space<vmem>>, vector<1x16xf32>,
        %get3A_257 = vector.shape_cast %get3A_256 : vector<1x16xf32> to vector<16xf32>
        %add3A_258 = arith.addf %get3A_253, %get3A_257 : vector<16xf32>
        %swap3A_259 = arith.index_cast %add3A_237 : i32 to index
        %swap3A_260 = arith.constant 16 : index
        %swap3A_261 = tpu.vector_load %arg11[%swap3A_259, %swap3A_260] {strides = array<i32>} : memref<80x128xf32, #tpu.memory_space<vmem>>, vector<1x16xf32>,
        %swap3A_262 = vector.shape_cast %swap3A_261 : vector<1x16xf32> to vector<16xf32>
        %swap3A_263 = vector.shape_cast %add3A_258 : vector<16xf32> to vector<1x16xf32>
        tpu.vector_store %arg11[%swap3A_259, %swap3A_260], %swap3A_263 {strides = array<i32>} : memref<80x128xf32, #tpu.memory_space<vmem>>, vector<1x16xf32>,
        %get3A_264 = arith.index_cast %add3A_237 : i32 to index
        %get3A_265 = arith.constant 32 : index
        %get3A_266 = tpu.vector_load %arg11[%get3A_264, %get3A_265] {strides = array<i32>} : memref<80x128xf32, #tpu.memory_space<vmem>>, vector<1x16xf32>,
        %get3A_267 = vector.shape_cast %get3A_266 : vector<1x16xf32> to vector<16xf32>
        %get3A_268 = arith.index_cast %add3A_237 : i32 to index
        %get3A_269 = arith.constant 32 : index
        %get3A_270 = tpu.vector_load %arg12[%get3A_268, %get3A_269] {strides = array<i32>} : memref<80x128xf32, #tpu.memory_space<vmem>>, vector<1x16xf32>,
        %get3A_271 = vector.shape_cast %get3A_270 : vector<1x16xf32> to vector<16xf32>
        %add3A_272 = arith.addf %get3A_267, %get3A_271 : vector<16xf32>
        %swap3A_273 = arith.index_cast %add3A_237 : i32 to index
        %swap3A_274 = arith.constant 32 : index
        %swap3A_275 = tpu.vector_load %arg11[%swap3A_273, %swap3A_274] {strides = array<i32>} : memref<80x128xf32, #tpu.memory_space<vmem>>, vector<1x16xf32>,
        %swap3A_276 = vector.shape_cast %swap3A_275 : vector<1x16xf32> to vector<16xf32>
        %swap3A_277 = vector.shape_cast %add3A_272 : vector<16xf32> to vector<1x16xf32>
        tpu.vector_store %arg11[%swap3A_273, %swap3A_274], %swap3A_277 {strides = array<i32>} : memref<80x128xf32, #tpu.memory_space<vmem>>, vector<1x16xf32>,
        %get3A_278 = arith.index_cast %add3A_237 : i32 to index
        %get3A_279 = arith.constant 48 : index
        %get3A_280 = tpu.vector_load %arg11[%get3A_278, %get3A_279] {strides = array<i32>} : memref<80x128xf32, #tpu.memory_space<vmem>>, vector<1x16xf32>,
        %get3A_281 = vector.shape_cast %get3A_280 : vector<1x16xf32> to vector<16xf32>
        %get3A_282 = arith.index_cast %add3A_237 : i32 to index
        %get3A_283 = arith.constant 48 : index
        %get3A_284 = tpu.vector_load %arg12[%get3A_282, %get3A_283] {strides = array<i32>} : memref<80x128xf32, #tpu.memory_space<vmem>>, vector<1x16xf32>,
        %get3A_285 = vector.shape_cast %get3A_284 : vector<1x16xf32> to vector<16xf32>
        %add3A_286 = arith.addf %get3A_281, %get3A_285 : vector<16xf32>
        %swap3A_287 = arith.index_cast %add3A_237 : i32 to index
        %swap3A_288 = arith.constant 48 : index
        %swap3A_289 = tpu.vector_load %arg11[%swap3A_287, %swap3A_288] {strides = array<i32>} : memref<80x128xf32, #tpu.memory_space<vmem>>, vector<1x16xf32>,
        %swap3A_290 = vector.shape_cast %swap3A_289 : vector<1x16xf32> to vector<16xf32>
        %swap3A_291 = vector.shape_cast %add3A_286 : vector<16xf32> to vector<1x16xf32>
        tpu.vector_store %arg11[%swap3A_287, %swap3A_288], %swap3A_291 {strides = array<i32>} : memref<80x128xf32, #tpu.memory_space<vmem>>, vector<1x16xf32>,
        %get3A_292 = arith.index_cast %add3A_237 : i32 to index
        %get3A_293 = arith.constant 64 : index
        %get3A_294 = tpu.vector_load %arg11[%get3A_292, %get3A_293] {strides = array<i32>} : memref<80x128xf32, #tpu.memory_space<vmem>>, vector<1x16xf32>,
        %get3A_295 = vector.shape_cast %get3A_294 : vector<1x16xf32> to vector<16xf32>
        %get3A_296 = arith.index_cast %add3A_237 : i32 to index
        %get3A_297 = arith.constant 64 : index
        %get3A_298 = tpu.vector_load %arg12[%get3A_296, %get3A_297] {strides = array<i32>} : memref<80x128xf32, #tpu.memory_space<vmem>>, vector<1x16xf32>,
        %get3A_299 = vector.shape_cast %get3A_298 : vector<1x16xf32> to vector<16xf32>
        %add3A_300 = arith.addf %get3A_295, %get3A_299 : vector<16xf32>
        %swap3A_301 = arith.index_cast %add3A_237 : i32 to index
        %swap3A_302 = arith.constant 64 : index
        %swap3A_303 = tpu.vector_load %arg11[%swap3A_301, %swap3A_302] {strides = array<i32>} : memref<80x128xf32, #tpu.memory_space<vmem>>, vector<1x16xf32>,
        %swap3A_304 = vector.shape_cast %swap3A_303 : vector<1x16xf32> to vector<16xf32>
        %swap3A_305 = vector.shape_cast %add3A_300 : vector<16xf32> to vector<1x16xf32>
        tpu.vector_store %arg11[%swap3A_301, %swap3A_302], %swap3A_305 {strides = array<i32>} : memref<80x128xf32, #tpu.memory_space<vmem>>, vector<1x16xf32>,
        %get3A_306 = arith.index_cast %add3A_237 : i32 to index
        %get3A_307 = arith.constant 80 : index
        %get3A_308 = tpu.vector_load %arg11[%get3A_306, %get3A_307] {strides = array<i32>} : memref<80x128xf32, #tpu.memory_space<vmem>>, vector<1x16xf32>,
        %get3A_309 = vector.shape_cast %get3A_308 : vector<1x16xf32> to vector<16xf32>
        %get3A_310 = arith.index_cast %add3A_237 : i32 to index
        %get3A_311 = arith.constant 80 : index
        %get3A_312 = tpu.vector_load %arg12[%get3A_310, %get3A_311] {strides = array<i32>} : memref<80x128xf32, #tpu.memory_space<vmem>>, vector<1x16xf32>,
        %get3A_313 = vector.shape_cast %get3A_312 : vector<1x16xf32> to vector<16xf32>
        %add3A_314 = arith.addf %get3A_309, %get3A_313 : vector<16xf32>
        %swap3A_315 = arith.index_cast %add3A_237 : i32 to index
        %swap3A_316 = arith.constant 80 : index
        %swap3A_317 = tpu.vector_load %arg11[%swap3A_315, %swap3A_316] {strides = array<i32>} : memref<80x128xf32, #tpu.memory_space<vmem>>, vector<1x16xf32>,
        %swap3A_318 = vector.shape_cast %swap3A_317 : vector<1x16xf32> to vector<16xf32>
        %swap3A_319 = vector.shape_cast %add3A_314 : vector<16xf32> to vector<1x16xf32>
        tpu.vector_store %arg11[%swap3A_315, %swap3A_316], %swap3A_319 {strides = array<i32>} : memref<80x128xf32, #tpu.memory_space<vmem>>, vector<1x16xf32>,
        %get3A_320 = arith.index_cast %add3A_237 : i32 to index
        %get3A_321 = arith.constant 96 : index
        %get3A_322 = tpu.vector_load %arg11[%get3A_320, %get3A_321] {strides = array<i32>} : memref<80x128xf32, #tpu.memory_space<vmem>>, vector<1x16xf32>,
        %get3A_323 = vector.shape_cast %get3A_322 : vector<1x16xf32> to vector<16xf32>
        %get3A_324 = arith.index_cast %add3A_237 : i32 to index
        %get3A_325 = arith.constant 96 : index
        %get3A_326 = tpu.vector_load %arg12[%get3A_324, %get3A_325] {strides = array<i32>} : memref<80x128xf32, #tpu.memory_space<vmem>>, vector<1x16xf32>,
        %get3A_327 = vector.shape_cast %get3A_326 : vector<1x16xf32> to vector<16xf32>
        %add3A_328 = arith.addf %get3A_323, %get3A_327 : vector<16xf32>
        %swap3A_329 = arith.index_cast %add3A_237 : i32 to index
        %swap3A_330 = arith.constant 96 : index
        %swap3A_331 = tpu.vector_load %arg11[%swap3A_329, %swap3A_330] {strides = array<i32>} : memref<80x128xf32, #tpu.memory_space<vmem>>, vector<1x16xf32>,
        %swap3A_332 = vector.shape_cast %swap3A_331 : vector<1x16xf32> to vector<16xf32>
        %swap3A_333 = vector.shape_cast %add3A_328 : vector<16xf32> to vector<1x16xf32>
        tpu.vector_store %arg11[%swap3A_329, %swap3A_330], %swap3A_333 {strides = array<i32>} : memref<80x128xf32, #tpu.memory_space<vmem>>, vector<1x16xf32>,
        %get3A_334 = arith.index_cast %add3A_237 : i32 to index
        %get3A_335 = arith.constant 112 : index
        %get3A_336 = tpu.vector_load %arg11[%get3A_334, %get3A_335] {strides = array<i32>} : memref<80x128xf32, #tpu.memory_space<vmem>>, vector<1x16xf32>,
        %get3A_337 = vector.shape_cast %get3A_336 : vector<1x16xf32> to vector<16xf32>
        %get3A_338 = arith.index_cast %add3A_237 : i32 to index
        %get3A_339 = arith.constant 112 : index
        %get3A_340 = tpu.vector_load %arg12[%get3A_338, %get3A_339] {strides = array<i32>} : memref<80x128xf32, #tpu.memory_space<vmem>>, vector<1x16xf32>,
        %get3A_341 = vector.shape_cast %get3A_340 : vector<1x16xf32> to vector<16xf32>
        %add3A_342 = arith.addf %get3A_337, %get3A_341 : vector<16xf32>
        %swap3A_343 = arith.index_cast %add3A_237 : i32 to index
        %swap3A_344 = arith.constant 112 : index
        %swap3A_345 = tpu.vector_load %arg11[%swap3A_343, %swap3A_344] {strides = array<i32>} : memref<80x128xf32, #tpu.memory_space<vmem>>, vector<1x16xf32>,
        %swap3A_346 = vector.shape_cast %swap3A_345 : vector<1x16xf32> to vector<16xf32>
        %swap3A_347 = vector.shape_cast %add3A_342 : vector<16xf32> to vector<1x16xf32>
        tpu.vector_store %arg11[%swap3A_343, %swap3A_344], %swap3A_347 {strides = array<i32>} : memref<80x128xf32, #tpu.memory_space<vmem>>, vector<1x16xf32>,
      }
      %scan3A_145 = arith.constant 80 : i32
      %add3A_146 = arith.constant 1 : i32
      %add3A_147 = arith.addi %mul3A_86, %add3A_146 : i32
      %mul3A_148 = arith.constant 80 : i32
      %mul3A_149 = arith.muli %add3A_147, %mul3A_148 : i32
      %add3A_150 = arith.addi %mul3A_2, %mul3A_149 : i32
      %dma_start3A_151 = arith.constant 0 : i32
      %dma_start3A_152 = tpu.memref_slice %arg6[%add3A_150, %dma_start3A_151] : memref<320000x128xf32, #tpu.memory_space<hbm>> -> memref<80x128xf32, #tpu.memory_space<hbm>>
      %dma_start3A_153 = arith.constant 0 : i32
      %dma_start3A_154 = tpu.memref_slice %arg6[%add3A_150, %dma_start3A_153] : memref<320000x128xf32, #tpu.memory_space<hbm>> -> memref<80x128xf32, #tpu.memory_space<hbm>>
      tpu.enqueue_dma source(%arg11 : memref<80x128xf32, #tpu.memory_space<vmem>>) target(%dma_start3A_154 : memref<80x128xf32, #tpu.memory_space<hbm>>) target_semaphore(%arg22 : memref<!tpu.dma_semaphore, #tpu.memory_space<semaphore_mem>>)
      %dma_wait3A_155 = arith.constant 0 : i32
      %dma_wait3A_156 = arith.constant 0 : i32
      %dma_wait3A_157 = tpu.memref_slice %arg2[%dma_wait3A_155, %dma_wait3A_156] : memref<100000x128xf32, #tpu.memory_space<hbm>> -> memref<80x128xf32, #tpu.memory_space<hbm>>
      %dma_wait3A_158 = arith.constant 0 : i32
      %dma_wait3A_159 = arith.constant 0 : i32
      %dma_wait3A_160 = tpu.memref_slice %arg2[%dma_wait3A_158, %dma_wait3A_159] : memref<100000x128xf32, #tpu.memory_space<hbm>> -> memref<80x128xf32, #tpu.memory_space<hbm>>
      tpu.wait_dma2 semaphore(%arg19 : memref<!tpu.dma_semaphore, #tpu.memory_space<semaphore_mem>>) src(%dma_wait3A_160 : memref<80x128xf32, #tpu.memory_space<hbm>>) dst(%arg13 : memref<80x128xf32, #tpu.memory_space<vmem>>)
      %dma_wait3A_161 = arith.constant 0 : i32
      %dma_wait3A_162 = arith.constant 0 : i32
      %dma_wait3A_163 = tpu.memref_slice %arg2[%dma_wait3A_161, %dma_wait3A_162] : memref<100000x128xf32, #tpu.memory_space<hbm>> -> memref<80x128xf32, #tpu.memory_space<hbm>>
      %dma_wait3A_164 = arith.constant 0 : i32
      %dma_wait3A_165 = arith.constant 0 : i32
      %dma_wait3A_166 = tpu.memref_slice %arg2[%dma_wait3A_164, %dma_wait3A_165] : memref<100000x128xf32, #tpu.memory_space<hbm>> -> memref<80x128xf32, #tpu.memory_space<hbm>>
      tpu.wait_dma2 semaphore(%arg19 : memref<!tpu.dma_semaphore, #tpu.memory_space<semaphore_mem>>) src(%dma_wait3A_166 : memref<80x128xf32, #tpu.memory_space<hbm>>) dst(%arg14 : memref<80x128xf32, #tpu.memory_space<vmem>>)
      %dma_wait3A_167 = arith.constant 0 : i32
      %dma_wait3A_168 = arith.constant 0 : i32
      %dma_wait3A_169 = tpu.memref_slice %arg6[%dma_wait3A_167, %dma_wait3A_168] : memref<320000x128xf32, #tpu.memory_space<hbm>> -> memref<80x128xf32, #tpu.memory_space<hbm>>
      %dma_wait3A_170 = arith.constant 0 : i32
      %dma_wait3A_171 = arith.constant 0 : i32
      %dma_wait3A_172 = tpu.memref_slice %arg6[%dma_wait3A_170, %dma_wait3A_171] : memref<320000x128xf32, #tpu.memory_space<hbm>> -> memref<80x128xf32, #tpu.memory_space<hbm>>
      tpu.wait_dma2 semaphore(%arg21 : memref<!tpu.dma_semaphore, #tpu.memory_space<semaphore_mem>>) src(%arg9 : memref<80x128xf32, #tpu.memory_space<vmem>>) dst(%dma_wait3A_172 : memref<80x128xf32, #tpu.memory_space<hbm>>)
      %add3A_173 = arith.constant 2 : i32
      %add3A_174 = arith.addi %mul3A_86, %add3A_173 : i32
      %add3A_175 = arith.constant 2 : i32
      %add3A_176 = arith.addi %add3A_174, %add3A_175 : i32
      %dma_start3A_177 = arith.constant 0 : i32
      %dma_start3A_178 = tpu.memref_slice %arg7[%add3A_176, %dma_start3A_177] : memref<125x80xi32, #tpu.memory_space<vmem>> -> memref<1x80xi32, #tpu.memory_space<vmem>>
      %dma_start3A_179 = tpu.memref_squeeze %dma_start3A_178 : memref<1x80xi32, #tpu.memory_space<vmem>> -> memref<80xi32, #tpu.memory_space<vmem>>
      %dma_start3A_180 = arith.constant 0 : i32
      %dma_start3A_181 = arith.constant 0 : i32
      %dma_start3A_182 = tpu.memref_slice %arg2[%dma_start3A_180, %dma_start3A_181] : memref<100000x128xf32, #tpu.memory_space<hbm>> -> memref<100000x128xf32, #tpu.memory_space<hbm>>
      tpu.enqueue_indirect_dma source(%dma_start3A_182 : memref<100000x128xf32, #tpu.memory_space<hbm>>) target(%arg9 : memref<80x128xf32, #tpu.memory_space<vmem>>) offsets(%dma_start3A_179 : memref<80xi32, #tpu.memory_space<vmem>>) semaphore(%arg17 : memref<!tpu.dma_semaphore, #tpu.memory_space<semaphore_mem>>)
      %dma_start3A_183 = arith.constant 0 : i32
      %dma_start3A_184 = tpu.memref_slice %arg8[%add3A_176, %dma_start3A_183] : memref<125x80xi32, #tpu.memory_space<vmem>> -> memref<1x80xi32, #tpu.memory_space<vmem>>
      %dma_start3A_185 = tpu.memref_squeeze %dma_start3A_184 : memref<1x80xi32, #tpu.memory_space<vmem>> -> memref<80xi32, #tpu.memory_space<vmem>>
      %dma_start3A_186 = arith.constant 0 : i32
      %dma_start3A_187 = arith.constant 0 : i32
      %dma_start3A_188 = tpu.memref_slice %arg3[%dma_start3A_186, %dma_start3A_187] : memref<10000x128xf32, #tpu.memory_space<hbm>> -> memref<10000x128xf32, #tpu.memory_space<hbm>>
      tpu.enqueue_indirect_dma source(%dma_start3A_188 : memref<10000x128xf32, #tpu.memory_space<hbm>>) target(%arg10 : memref<80x128xf32, #tpu.memory_space<vmem>>) offsets(%dma_start3A_185 : memref<80xi32, #tpu.memory_space<vmem>>) semaphore(%arg17 : memref<!tpu.dma_semaphore, #tpu.memory_space<semaphore_mem>>)
      %scan3A_189 = arith.constant 0 : i32
      %scan3A_190 = arith.constant 80 : i32
      %scan3A_191 = arith.addi %scan3A_189, %scan3A_190 : i32
      %scan3A_192 = arith.constant 1 : i32
      scf.for %scan3A_233 = %scan3A_189 to %scan3A_191 step %scan3A_192  : i32 {
        %mul3A_234 = arith.constant 1 : i32
        %mul3A_235 = arith.muli %scan3A_233, %mul3A_234 : i32
        %add3A_236 = arith.constant 0 : i32
        %add3A_237 = arith.addi %add3A_236, %mul3A_235 : i32
        %get3A = arith.index_cast %add3A_237 : i32 to index
        %get3A_238 = arith.constant 0 : index
        %get3A_239 = tpu.vector_load %arg13[%get3A, %get3A_238] {strides = array<i32>} : memref<80x128xf32, #tpu.memory_space<vmem>>, vector<1x16xf32>,
        %get3A_240 = vector.shape_cast %get3A_239 : vector<1x16xf32> to vector<16xf32>
        %get3A_241 = arith.index_cast %add3A_237 : i32 to index
        %get3A_242 = arith.constant 0 : index
        %get3A_243 = tpu.vector_load %arg14[%get3A_241, %get3A_242] {strides = array<i32>} : memref<80x128xf32, #tpu.memory_space<vmem>>, vector<1x16xf32>,
        %get3A_244 = vector.shape_cast %get3A_243 : vector<1x16xf32> to vector<16xf32>
        %add3A_245 = arith.addf %get3A_240, %get3A_244 : vector<16xf32>
        %swap3A = arith.index_cast %add3A_237 : i32 to index
        %swap3A_246 = arith.constant 0 : index
        %swap3A_247 = tpu.vector_load %arg13[%swap3A, %swap3A_246] {strides = array<i32>} : memref<80x128xf32, #tpu.memory_space<vmem>>, vector<1x16xf32>,
        %swap3A_248 = vector.shape_cast %swap3A_247 : vector<1x16xf32> to vector<16xf32>
        %swap3A_249 = vector.shape_cast %add3A_245 : vector<16xf32> to vector<1x16xf32>
        tpu.vector_store %arg13[%swap3A, %swap3A_246], %swap3A_249 {strides = array<i32>} : memref<80x128xf32, #tpu.memory_space<vmem>>, vector<1x16xf32>,
        %get3A_250 = arith.index_cast %add3A_237 : i32 to index
        %get3A_251 = arith.constant 16 : index
        %get3A_252 = tpu.vector_load %arg13[%get3A_250, %get3A_251] {strides = array<i32>} : memref<80x128xf32, #tpu.memory_space<vmem>>, vector<1x16xf32>,
        %get3A_253 = vector.shape_cast %get3A_252 : vector<1x16xf32> to vector<16xf32>
        %get3A_254 = arith.index_cast %add3A_237 : i32 to index
        %get3A_255 = arith.constant 16 : index
        %get3A_256 = tpu.vector_load %arg14[%get3A_254, %get3A_255] {strides = array<i32>} : memref<80x128xf32, #tpu.memory_space<vmem>>, vector<1x16xf32>,
        %get3A_257 = vector.shape_cast %get3A_256 : vector<1x16xf32> to vector<16xf32>
        %add3A_258 = arith.addf %get3A_253, %get3A_257 : vector<16xf32>
        %swap3A_259 = arith.index_cast %add3A_237 : i32 to index
        %swap3A_260 = arith.constant 16 : index
        %swap3A_261 = tpu.vector_load %arg13[%swap3A_259, %swap3A_260] {strides = array<i32>} : memref<80x128xf32, #tpu.memory_space<vmem>>, vector<1x16xf32>,
        %swap3A_262 = vector.shape_cast %swap3A_261 : vector<1x16xf32> to vector<16xf32>
        %swap3A_263 = vector.shape_cast %add3A_258 : vector<16xf32> to vector<1x16xf32>
        tpu.vector_store %arg13[%swap3A_259, %swap3A_260], %swap3A_263 {strides = array<i32>} : memref<80x128xf32, #tpu.memory_space<vmem>>, vector<1x16xf32>,
        %get3A_264 = arith.index_cast %add3A_237 : i32 to index
        %get3A_265 = arith.constant 32 : index
        %get3A_266 = tpu.vector_load %arg13[%get3A_264, %get3A_265] {strides = array<i32>} : memref<80x128xf32, #tpu.memory_space<vmem>>, vector<1x16xf32>,
        %get3A_267 = vector.shape_cast %get3A_266 : vector<1x16xf32> to vector<16xf32>
        %get3A_268 = arith.index_cast %add3A_237 : i32 to index
        %get3A_269 = arith.constant 32 : index
        %get3A_270 = tpu.vector_load %arg14[%get3A_268, %get3A_269] {strides = array<i32>} : memref<80x128xf32, #tpu.memory_space<vmem>>, vector<1x16xf32>,
        %get3A_271 = vector.shape_cast %get3A_270 : vector<1x16xf32> to vector<16xf32>
        %add3A_272 = arith.addf %get3A_267, %get3A_271 : vector<16xf32>
        %swap3A_273 = arith.index_cast %add3A_237 : i32 to index
        %swap3A_274 = arith.constant 32 : index
        %swap3A_275 = tpu.vector_load %arg13[%swap3A_273, %swap3A_274] {strides = array<i32>} : memref<80x128xf32, #tpu.memory_space<vmem>>, vector<1x16xf32>,
        %swap3A_276 = vector.shape_cast %swap3A_275 : vector<1x16xf32> to vector<16xf32>
        %swap3A_277 = vector.shape_cast %add3A_272 : vector<16xf32> to vector<1x16xf32>
        tpu.vector_store %arg13[%swap3A_273, %swap3A_274], %swap3A_277 {strides = array<i32>} : memref<80x128xf32, #tpu.memory_space<vmem>>, vector<1x16xf32>,
        %get3A_278 = arith.index_cast %add3A_237 : i32 to index
        %get3A_279 = arith.constant 48 : index
        %get3A_280 = tpu.vector_load %arg13[%get3A_278, %get3A_279] {strides = array<i32>} : memref<80x128xf32, #tpu.memory_space<vmem>>, vector<1x16xf32>,
        %get3A_281 = vector.shape_cast %get3A_280 : vector<1x16xf32> to vector<16xf32>
        %get3A_282 = arith.index_cast %add3A_237 : i32 to index
        %get3A_283 = arith.constant 48 : index
        %get3A_284 = tpu.vector_load %arg14[%get3A_282, %get3A_283] {strides = array<i32>} : memref<80x128xf32, #tpu.memory_space<vmem>>, vector<1x16xf32>,
        %get3A_285 = vector.shape_cast %get3A_284 : vector<1x16xf32> to vector<16xf32>
        %add3A_286 = arith.addf %get3A_281, %get3A_285 : vector<16xf32>
        %swap3A_287 = arith.index_cast %add3A_237 : i32 to index
        %swap3A_288 = arith.constant 48 : index
        %swap3A_289 = tpu.vector_load %arg13[%swap3A_287, %swap3A_288] {strides = array<i32>} : memref<80x128xf32, #tpu.memory_space<vmem>>, vector<1x16xf32>,
        %swap3A_290 = vector.shape_cast %swap3A_289 : vector<1x16xf32> to vector<16xf32>
        %swap3A_291 = vector.shape_cast %add3A_286 : vector<16xf32> to vector<1x16xf32>
        tpu.vector_store %arg13[%swap3A_287, %swap3A_288], %swap3A_291 {strides = array<i32>} : memref<80x128xf32, #tpu.memory_space<vmem>>, vector<1x16xf32>,
        %get3A_292 = arith.index_cast %add3A_237 : i32 to index
        %get3A_293 = arith.constant 64 : index
        %get3A_294 = tpu.vector_load %arg13[%get3A_292, %get3A_293] {strides = array<i32>} : memref<80x128xf32, #tpu.memory_space<vmem>>, vector<1x16xf32>,
        %get3A_295 = vector.shape_cast %get3A_294 : vector<1x16xf32> to vector<16xf32>
        %get3A_296 = arith.index_cast %add3A_237 : i32 to index
        %get3A_297 = arith.constant 64 : index
        %get3A_298 = tpu.vector_load %arg14[%get3A_296, %get3A_297] {strides = array<i32>} : memref<80x128xf32, #tpu.memory_space<vmem>>, vector<1x16xf32>,
        %get3A_299 = vector.shape_cast %get3A_298 : vector<1x16xf32> to vector<16xf32>
        %add3A_300 = arith.addf %get3A_295, %get3A_299 : vector<16xf32>
        %swap3A_301 = arith.index_cast %add3A_237 : i32 to index
        %swap3A_302 = arith.constant 64 : index
        %swap3A_303 = tpu.vector_load %arg13[%swap3A_301, %swap3A_302] {strides = array<i32>} : memref<80x128xf32, #tpu.memory_space<vmem>>, vector<1x16xf32>,
        %swap3A_304 = vector.shape_cast %swap3A_303 : vector<1x16xf32> to vector<16xf32>
        %swap3A_305 = vector.shape_cast %add3A_300 : vector<16xf32> to vector<1x16xf32>
        tpu.vector_store %arg13[%swap3A_301, %swap3A_302], %swap3A_305 {strides = array<i32>} : memref<80x128xf32, #tpu.memory_space<vmem>>, vector<1x16xf32>,
        %get3A_306 = arith.index_cast %add3A_237 : i32 to index
        %get3A_307 = arith.constant 80 : index
        %get3A_308 = tpu.vector_load %arg13[%get3A_306, %get3A_307] {strides = array<i32>} : memref<80x128xf32, #tpu.memory_space<vmem>>, vector<1x16xf32>,
        %get3A_309 = vector.shape_cast %get3A_308 : vector<1x16xf32> to vector<16xf32>
        %get3A_310 = arith.index_cast %add3A_237 : i32 to index
        %get3A_311 = arith.constant 80 : index
        %get3A_312 = tpu.vector_load %arg14[%get3A_310, %get3A_311] {strides = array<i32>} : memref<80x128xf32, #tpu.memory_space<vmem>>, vector<1x16xf32>,
        %get3A_313 = vector.shape_cast %get3A_312 : vector<1x16xf32> to vector<16xf32>
        %add3A_314 = arith.addf %get3A_309, %get3A_313 : vector<16xf32>
        %swap3A_315 = arith.index_cast %add3A_237 : i32 to index
        %swap3A_316 = arith.constant 80 : index
        %swap3A_317 = tpu.vector_load %arg13[%swap3A_315, %swap3A_316] {strides = array<i32>} : memref<80x128xf32, #tpu.memory_space<vmem>>, vector<1x16xf32>,
        %swap3A_318 = vector.shape_cast %swap3A_317 : vector<1x16xf32> to vector<16xf32>
        %swap3A_319 = vector.shape_cast %add3A_314 : vector<16xf32> to vector<1x16xf32>
        tpu.vector_store %arg13[%swap3A_315, %swap3A_316], %swap3A_319 {strides = array<i32>} : memref<80x128xf32, #tpu.memory_space<vmem>>, vector<1x16xf32>,
        %get3A_320 = arith.index_cast %add3A_237 : i32 to index
        %get3A_321 = arith.constant 96 : index
        %get3A_322 = tpu.vector_load %arg13[%get3A_320, %get3A_321] {strides = array<i32>} : memref<80x128xf32, #tpu.memory_space<vmem>>, vector<1x16xf32>,
        %get3A_323 = vector.shape_cast %get3A_322 : vector<1x16xf32> to vector<16xf32>
        %get3A_324 = arith.index_cast %add3A_237 : i32 to index
        %get3A_325 = arith.constant 96 : index
        %get3A_326 = tpu.vector_load %arg14[%get3A_324, %get3A_325] {strides = array<i32>} : memref<80x128xf32, #tpu.memory_space<vmem>>, vector<1x16xf32>,
        %get3A_327 = vector.shape_cast %get3A_326 : vector<1x16xf32> to vector<16xf32>
        %add3A_328 = arith.addf %get3A_323, %get3A_327 : vector<16xf32>
        %swap3A_329 = arith.index_cast %add3A_237 : i32 to index
        %swap3A_330 = arith.constant 96 : index
        %swap3A_331 = tpu.vector_load %arg13[%swap3A_329, %swap3A_330] {strides = array<i32>} : memref<80x128xf32, #tpu.memory_space<vmem>>, vector<1x16xf32>,
        %swap3A_332 = vector.shape_cast %swap3A_331 : vector<1x16xf32> to vector<16xf32>
        %swap3A_333 = vector.shape_cast %add3A_328 : vector<16xf32> to vector<1x16xf32>
        tpu.vector_store %arg13[%swap3A_329, %swap3A_330], %swap3A_333 {strides = array<i32>} : memref<80x128xf32, #tpu.memory_space<vmem>>, vector<1x16xf32>,
        %get3A_334 = arith.index_cast %add3A_237 : i32 to index
        %get3A_335 = arith.constant 112 : index
        %get3A_336 = tpu.vector_load %arg13[%get3A_334, %get3A_335] {strides = array<i32>} : memref<80x128xf32, #tpu.memory_space<vmem>>, vector<1x16xf32>,
        %get3A_337 = vector.shape_cast %get3A_336 : vector<1x16xf32> to vector<16xf32>
        %get3A_338 = arith.index_cast %add3A_237 : i32 to index
        %get3A_339 = arith.constant 112 : index
        %get3A_340 = tpu.vector_load %arg14[%get3A_338, %get3A_339] {strides = array<i32>} : memref<80x128xf32, #tpu.memory_space<vmem>>, vector<1x16xf32>,
        %get3A_341 = vector.shape_cast %get3A_340 : vector<1x16xf32> to vector<16xf32>
        %add3A_342 = arith.addf %get3A_337, %get3A_341 : vector<16xf32>
        %swap3A_343 = arith.index_cast %add3A_237 : i32 to index
        %swap3A_344 = arith.constant 112 : index
        %swap3A_345 = tpu.vector_load %arg13[%swap3A_343, %swap3A_344] {strides = array<i32>} : memref<80x128xf32, #tpu.memory_space<vmem>>, vector<1x16xf32>,
        %swap3A_346 = vector.shape_cast %swap3A_345 : vector<1x16xf32> to vector<16xf32>
        %swap3A_347 = vector.shape_cast %add3A_342 : vector<16xf32> to vector<1x16xf32>
        tpu.vector_store %arg13[%swap3A_343, %swap3A_344], %swap3A_347 {strides = array<i32>} : memref<80x128xf32, #tpu.memory_space<vmem>>, vector<1x16xf32>,
      }
      %scan3A_193 = arith.constant 80 : i32
      %add3A_194 = arith.constant 2 : i32
      %add3A_195 = arith.addi %mul3A_86, %add3A_194 : i32
      %mul3A_196 = arith.constant 80 : i32
      %mul3A_197 = arith.muli %add3A_195, %mul3A_196 : i32
      %add3A_198 = arith.addi %mul3A_2, %mul3A_197 : i32
      %dma_start3A_199 = arith.constant 0 : i32
      %dma_start3A_200 = tpu.memref_slice %arg6[%add3A_198, %dma_start3A_199] : memref<320000x128xf32, #tpu.memory_space<hbm>> -> memref<80x128xf32, #tpu.memory_space<hbm>>
      %dma_start3A_201 = arith.constant 0 : i32
      %dma_start3A_202 = tpu.memref_slice %arg6[%add3A_198, %dma_start3A_201] : memref<320000x128xf32, #tpu.memory_space<hbm>> -> memref<80x128xf32, #tpu.memory_space<hbm>>
      tpu.enqueue_dma source(%arg13 : memref<80x128xf32, #tpu.memory_space<vmem>>) target(%dma_start3A_202 : memref<80x128xf32, #tpu.memory_space<hbm>>) target_semaphore(%arg23 : memref<!tpu.dma_semaphore, #tpu.memory_space<semaphore_mem>>)
      %dma_wait3A_203 = arith.constant 0 : i32
      %dma_wait3A_204 = arith.constant 0 : i32
      %dma_wait3A_205 = tpu.memref_slice %arg2[%dma_wait3A_203, %dma_wait3A_204] : memref<100000x128xf32, #tpu.memory_space<hbm>> -> memref<80x128xf32, #tpu.memory_space<hbm>>
      %dma_wait3A_206 = arith.constant 0 : i32
      %dma_wait3A_207 = arith.constant 0 : i32
      %dma_wait3A_208 = tpu.memref_slice %arg2[%dma_wait3A_206, %dma_wait3A_207] : memref<100000x128xf32, #tpu.memory_space<hbm>> -> memref<80x128xf32, #tpu.memory_space<hbm>>
      tpu.wait_dma2 semaphore(%arg20 : memref<!tpu.dma_semaphore, #tpu.memory_space<semaphore_mem>>) src(%dma_wait3A_208 : memref<80x128xf32, #tpu.memory_space<hbm>>) dst(%arg15 : memref<80x128xf32, #tpu.memory_space<vmem>>)
      %dma_wait3A_209 = arith.constant 0 : i32
      %dma_wait3A_210 = arith.constant 0 : i32
      %dma_wait3A_211 = tpu.memref_slice %arg2[%dma_wait3A_209, %dma_wait3A_210] : memref<100000x128xf32, #tpu.memory_space<hbm>> -> memref<80x128xf32, #tpu.memory_space<hbm>>
      %dma_wait3A_212 = arith.constant 0 : i32
      %dma_wait3A_213 = arith.constant 0 : i32
      %dma_wait3A_214 = tpu.memref_slice %arg2[%dma_wait3A_212, %dma_wait3A_213] : memref<100000x128xf32, #tpu.memory_space<hbm>> -> memref<80x128xf32, #tpu.memory_space<hbm>>
      tpu.wait_dma2 semaphore(%arg20 : memref<!tpu.dma_semaphore, #tpu.memory_space<semaphore_mem>>) src(%dma_wait3A_214 : memref<80x128xf32, #tpu.memory_space<hbm>>) dst(%arg16 : memref<80x128xf32, #tpu.memory_space<vmem>>)
      %lt3A = arith.constant 30 : i32
      %lt3A_215 = arith.cmpi slt, %add3A_84, %lt3A : i32
      %convert_element_type3A_216 = arith.extui %lt3A_215 : i1 to i32
      %cond3A_217 = arith.constant 0 : i32
      %cond3A_218 = arith.cmpi ne, %convert_element_type3A_216, %cond3A_217 : i32
      scf.if %cond3A_218 {
        %dma_wait3A_233 = arith.constant 0 : i32
        %dma_wait3A_234 = arith.constant 0 : i32
        %dma_wait3A_235 = tpu.memref_slice %arg6[%dma_wait3A_233, %dma_wait3A_234] : memref<320000x128xf32, #tpu.memory_space<hbm>> -> memref<80x128xf32, #tpu.memory_space<hbm>>
        %dma_wait3A_236 = arith.constant 0 : i32
        %dma_wait3A_237 = arith.constant 0 : i32
        %dma_wait3A_238 = tpu.memref_slice %arg6[%dma_wait3A_236, %dma_wait3A_237] : memref<320000x128xf32, #tpu.memory_space<hbm>> -> memref<80x128xf32, #tpu.memory_space<hbm>>
        tpu.wait_dma2 semaphore(%arg22 : memref<!tpu.dma_semaphore, #tpu.memory_space<semaphore_mem>>) src(%arg11 : memref<80x128xf32, #tpu.memory_space<vmem>>) dst(%dma_wait3A_238 : memref<80x128xf32, #tpu.memory_space<hbm>>)
        %add3A_239 = arith.constant 3 : i32
        %add3A_240 = arith.addi %mul3A_86, %add3A_239 : i32
        %add3A_241 = arith.constant 2 : i32
        %add3A_242 = arith.addi %add3A_240, %add3A_241 : i32
        %dma_start3A_243 = arith.constant 0 : i32
        %dma_start3A_244 = tpu.memref_slice %arg7[%add3A_242, %dma_start3A_243] : memref<125x80xi32, #tpu.memory_space<vmem>> -> memref<1x80xi32, #tpu.memory_space<vmem>>
        %dma_start3A_245 = tpu.memref_squeeze %dma_start3A_244 : memref<1x80xi32, #tpu.memory_space<vmem>> -> memref<80xi32, #tpu.memory_space<vmem>>
        %dma_start3A_246 = arith.constant 0 : i32
        %dma_start3A_247 = arith.constant 0 : i32
        %dma_start3A_248 = tpu.memref_slice %arg2[%dma_start3A_246, %dma_start3A_247] : memref<100000x128xf32, #tpu.memory_space<hbm>> -> memref<100000x128xf32, #tpu.memory_space<hbm>>
        tpu.enqueue_indirect_dma source(%dma_start3A_248 : memref<100000x128xf32, #tpu.memory_space<hbm>>) target(%arg11 : memref<80x128xf32, #tpu.memory_space<vmem>>) offsets(%dma_start3A_245 : memref<80xi32, #tpu.memory_space<vmem>>) semaphore(%arg18 : memref<!tpu.dma_semaphore, #tpu.memory_space<semaphore_mem>>)
        %dma_start3A_249 = arith.constant 0 : i32
        %dma_start3A_250 = tpu.memref_slice %arg8[%add3A_242, %dma_start3A_249] : memref<125x80xi32, #tpu.memory_space<vmem>> -> memref<1x80xi32, #tpu.memory_space<vmem>>
        %dma_start3A_251 = tpu.memref_squeeze %dma_start3A_250 : memref<1x80xi32, #tpu.memory_space<vmem>> -> memref<80xi32, #tpu.memory_space<vmem>>
        %dma_start3A_252 = arith.constant 0 : i32
        %dma_start3A_253 = arith.constant 0 : i32
        %dma_start3A_254 = tpu.memref_slice %arg3[%dma_start3A_252, %dma_start3A_253] : memref<10000x128xf32, #tpu.memory_space<hbm>> -> memref<10000x128xf32, #tpu.memory_space<hbm>>
        tpu.enqueue_indirect_dma source(%dma_start3A_254 : memref<10000x128xf32, #tpu.memory_space<hbm>>) target(%arg12 : memref<80x128xf32, #tpu.memory_space<vmem>>) offsets(%dma_start3A_251 : memref<80xi32, #tpu.memory_space<vmem>>) semaphore(%arg18 : memref<!tpu.dma_semaphore, #tpu.memory_space<semaphore_mem>>)
      } else {
      }
      %scan3A_219 = arith.constant 0 : i32
      %scan3A_220 = arith.constant 80 : i32
      %scan3A_221 = arith.addi %scan3A_219, %scan3A_220 : i32
      %scan3A_222 = arith.constant 1 : i32
      scf.for %scan3A_233 = %scan3A_219 to %scan3A_221 step %scan3A_222  : i32 {
        %mul3A_234 = arith.constant 1 : i32
        %mul3A_235 = arith.muli %scan3A_233, %mul3A_234 : i32
        %add3A_236 = arith.constant 0 : i32
        %add3A_237 = arith.addi %add3A_236, %mul3A_235 : i32
        %get3A = arith.index_cast %add3A_237 : i32 to index
        %get3A_238 = arith.constant 0 : index
        %get3A_239 = tpu.vector_load %arg15[%get3A, %get3A_238] {strides = array<i32>} : memref<80x128xf32, #tpu.memory_space<vmem>>, vector<1x16xf32>,
        %get3A_240 = vector.shape_cast %get3A_239 : vector<1x16xf32> to vector<16xf32>
        %get3A_241 = arith.index_cast %add3A_237 : i32 to index
        %get3A_242 = arith.constant 0 : index
        %get3A_243 = tpu.vector_load %arg16[%get3A_241, %get3A_242] {strides = array<i32>} : memref<80x128xf32, #tpu.memory_space<vmem>>, vector<1x16xf32>,
        %get3A_244 = vector.shape_cast %get3A_243 : vector<1x16xf32> to vector<16xf32>
        %add3A_245 = arith.addf %get3A_240, %get3A_244 : vector<16xf32>
        %swap3A = arith.index_cast %add3A_237 : i32 to index
        %swap3A_246 = arith.constant 0 : index
        %swap3A_247 = tpu.vector_load %arg15[%swap3A, %swap3A_246] {strides = array<i32>} : memref<80x128xf32, #tpu.memory_space<vmem>>, vector<1x16xf32>,
        %swap3A_248 = vector.shape_cast %swap3A_247 : vector<1x16xf32> to vector<16xf32>
        %swap3A_249 = vector.shape_cast %add3A_245 : vector<16xf32> to vector<1x16xf32>
        tpu.vector_store %arg15[%swap3A, %swap3A_246], %swap3A_249 {strides = array<i32>} : memref<80x128xf32, #tpu.memory_space<vmem>>, vector<1x16xf32>,
        %get3A_250 = arith.index_cast %add3A_237 : i32 to index
        %get3A_251 = arith.constant 16 : index
        %get3A_252 = tpu.vector_load %arg15[%get3A_250, %get3A_251] {strides = array<i32>} : memref<80x128xf32, #tpu.memory_space<vmem>>, vector<1x16xf32>,
        %get3A_253 = vector.shape_cast %get3A_252 : vector<1x16xf32> to vector<16xf32>
        %get3A_254 = arith.index_cast %add3A_237 : i32 to index
        %get3A_255 = arith.constant 16 : index
        %get3A_256 = tpu.vector_load %arg16[%get3A_254, %get3A_255] {strides = array<i32>} : memref<80x128xf32, #tpu.memory_space<vmem>>, vector<1x16xf32>,
        %get3A_257 = vector.shape_cast %get3A_256 : vector<1x16xf32> to vector<16xf32>
        %add3A_258 = arith.addf %get3A_253, %get3A_257 : vector<16xf32>
        %swap3A_259 = arith.index_cast %add3A_237 : i32 to index
        %swap3A_260 = arith.constant 16 : index
        %swap3A_261 = tpu.vector_load %arg15[%swap3A_259, %swap3A_260] {strides = array<i32>} : memref<80x128xf32, #tpu.memory_space<vmem>>, vector<1x16xf32>,
        %swap3A_262 = vector.shape_cast %swap3A_261 : vector<1x16xf32> to vector<16xf32>
        %swap3A_263 = vector.shape_cast %add3A_258 : vector<16xf32> to vector<1x16xf32>
        tpu.vector_store %arg15[%swap3A_259, %swap3A_260], %swap3A_263 {strides = array<i32>} : memref<80x128xf32, #tpu.memory_space<vmem>>, vector<1x16xf32>,
        %get3A_264 = arith.index_cast %add3A_237 : i32 to index
        %get3A_265 = arith.constant 32 : index
        %get3A_266 = tpu.vector_load %arg15[%get3A_264, %get3A_265] {strides = array<i32>} : memref<80x128xf32, #tpu.memory_space<vmem>>, vector<1x16xf32>,
        %get3A_267 = vector.shape_cast %get3A_266 : vector<1x16xf32> to vector<16xf32>
        %get3A_268 = arith.index_cast %add3A_237 : i32 to index
        %get3A_269 = arith.constant 32 : index
        %get3A_270 = tpu.vector_load %arg16[%get3A_268, %get3A_269] {strides = array<i32>} : memref<80x128xf32, #tpu.memory_space<vmem>>, vector<1x16xf32>,
        %get3A_271 = vector.shape_cast %get3A_270 : vector<1x16xf32> to vector<16xf32>
        %add3A_272 = arith.addf %get3A_267, %get3A_271 : vector<16xf32>
        %swap3A_273 = arith.index_cast %add3A_237 : i32 to index
        %swap3A_274 = arith.constant 32 : index
        %swap3A_275 = tpu.vector_load %arg15[%swap3A_273, %swap3A_274] {strides = array<i32>} : memref<80x128xf32, #tpu.memory_space<vmem>>, vector<1x16xf32>,
        %swap3A_276 = vector.shape_cast %swap3A_275 : vector<1x16xf32> to vector<16xf32>
        %swap3A_277 = vector.shape_cast %add3A_272 : vector<16xf32> to vector<1x16xf32>
        tpu.vector_store %arg15[%swap3A_273, %swap3A_274], %swap3A_277 {strides = array<i32>} : memref<80x128xf32, #tpu.memory_space<vmem>>, vector<1x16xf32>,
        %get3A_278 = arith.index_cast %add3A_237 : i32 to index
        %get3A_279 = arith.constant 48 : index
        %get3A_280 = tpu.vector_load %arg15[%get3A_278, %get3A_279] {strides = array<i32>} : memref<80x128xf32, #tpu.memory_space<vmem>>, vector<1x16xf32>,
        %get3A_281 = vector.shape_cast %get3A_280 : vector<1x16xf32> to vector<16xf32>
        %get3A_282 = arith.index_cast %add3A_237 : i32 to index
        %get3A_283 = arith.constant 48 : index
        %get3A_284 = tpu.vector_load %arg16[%get3A_282, %get3A_283] {strides = array<i32>} : memref<80x128xf32, #tpu.memory_space<vmem>>, vector<1x16xf32>,
        %get3A_285 = vector.shape_cast %get3A_284 : vector<1x16xf32> to vector<16xf32>
        %add3A_286 = arith.addf %get3A_281, %get3A_285 : vector<16xf32>
        %swap3A_287 = arith.index_cast %add3A_237 : i32 to index
        %swap3A_288 = arith.constant 48 : index
        %swap3A_289 = tpu.vector_load %arg15[%swap3A_287, %swap3A_288] {strides = array<i32>} : memref<80x128xf32, #tpu.memory_space<vmem>>, vector<1x16xf32>,
        %swap3A_290 = vector.shape_cast %swap3A_289 : vector<1x16xf32> to vector<16xf32>
        %swap3A_291 = vector.shape_cast %add3A_286 : vector<16xf32> to vector<1x16xf32>
        tpu.vector_store %arg15[%swap3A_287, %swap3A_288], %swap3A_291 {strides = array<i32>} : memref<80x128xf32, #tpu.memory_space<vmem>>, vector<1x16xf32>,
        %get3A_292 = arith.index_cast %add3A_237 : i32 to index
        %get3A_293 = arith.constant 64 : index
        %get3A_294 = tpu.vector_load %arg15[%get3A_292, %get3A_293] {strides = array<i32>} : memref<80x128xf32, #tpu.memory_space<vmem>>, vector<1x16xf32>,
        %get3A_295 = vector.shape_cast %get3A_294 : vector<1x16xf32> to vector<16xf32>
        %get3A_296 = arith.index_cast %add3A_237 : i32 to index
        %get3A_297 = arith.constant 64 : index
        %get3A_298 = tpu.vector_load %arg16[%get3A_296, %get3A_297] {strides = array<i32>} : memref<80x128xf32, #tpu.memory_space<vmem>>, vector<1x16xf32>,
        %get3A_299 = vector.shape_cast %get3A_298 : vector<1x16xf32> to vector<16xf32>
        %add3A_300 = arith.addf %get3A_295, %get3A_299 : vector<16xf32>
        %swap3A_301 = arith.index_cast %add3A_237 : i32 to index
        %swap3A_302 = arith.constant 64 : index
        %swap3A_303 = tpu.vector_load %arg15[%swap3A_301, %swap3A_302] {strides = array<i32>} : memref<80x128xf32, #tpu.memory_space<vmem>>, vector<1x16xf32>,
        %swap3A_304 = vector.shape_cast %swap3A_303 : vector<1x16xf32> to vector<16xf32>
        %swap3A_305 = vector.shape_cast %add3A_300 : vector<16xf32> to vector<1x16xf32>
        tpu.vector_store %arg15[%swap3A_301, %swap3A_302], %swap3A_305 {strides = array<i32>} : memref<80x128xf32, #tpu.memory_space<vmem>>, vector<1x16xf32>,
        %get3A_306 = arith.index_cast %add3A_237 : i32 to index
        %get3A_307 = arith.constant 80 : index
        %get3A_308 = tpu.vector_load %arg15[%get3A_306, %get3A_307] {strides = array<i32>} : memref<80x128xf32, #tpu.memory_space<vmem>>, vector<1x16xf32>,
        %get3A_309 = vector.shape_cast %get3A_308 : vector<1x16xf32> to vector<16xf32>
        %get3A_310 = arith.index_cast %add3A_237 : i32 to index
        %get3A_311 = arith.constant 80 : index
        %get3A_312 = tpu.vector_load %arg16[%get3A_310, %get3A_311] {strides = array<i32>} : memref<80x128xf32, #tpu.memory_space<vmem>>, vector<1x16xf32>,
        %get3A_313 = vector.shape_cast %get3A_312 : vector<1x16xf32> to vector<16xf32>
        %add3A_314 = arith.addf %get3A_309, %get3A_313 : vector<16xf32>
        %swap3A_315 = arith.index_cast %add3A_237 : i32 to index
        %swap3A_316 = arith.constant 80 : index
        %swap3A_317 = tpu.vector_load %arg15[%swap3A_315, %swap3A_316] {strides = array<i32>} : memref<80x128xf32, #tpu.memory_space<vmem>>, vector<1x16xf32>,
        %swap3A_318 = vector.shape_cast %swap3A_317 : vector<1x16xf32> to vector<16xf32>
        %swap3A_319 = vector.shape_cast %add3A_314 : vector<16xf32> to vector<1x16xf32>
        tpu.vector_store %arg15[%swap3A_315, %swap3A_316], %swap3A_319 {strides = array<i32>} : memref<80x128xf32, #tpu.memory_space<vmem>>, vector<1x16xf32>,
        %get3A_320 = arith.index_cast %add3A_237 : i32 to index
        %get3A_321 = arith.constant 96 : index
        %get3A_322 = tpu.vector_load %arg15[%get3A_320, %get3A_321] {strides = array<i32>} : memref<80x128xf32, #tpu.memory_space<vmem>>, vector<1x16xf32>,
        %get3A_323 = vector.shape_cast %get3A_322 : vector<1x16xf32> to vector<16xf32>
        %get3A_324 = arith.index_cast %add3A_237 : i32 to index
        %get3A_325 = arith.constant 96 : index
        %get3A_326 = tpu.vector_load %arg16[%get3A_324, %get3A_325] {strides = array<i32>} : memref<80x128xf32, #tpu.memory_space<vmem>>, vector<1x16xf32>,
        %get3A_327 = vector.shape_cast %get3A_326 : vector<1x16xf32> to vector<16xf32>
        %add3A_328 = arith.addf %get3A_323, %get3A_327 : vector<16xf32>
        %swap3A_329 = arith.index_cast %add3A_237 : i32 to index
        %swap3A_330 = arith.constant 96 : index
        %swap3A_331 = tpu.vector_load %arg15[%swap3A_329, %swap3A_330] {strides = array<i32>} : memref<80x128xf32, #tpu.memory_space<vmem>>, vector<1x16xf32>,
        %swap3A_332 = vector.shape_cast %swap3A_331 : vector<1x16xf32> to vector<16xf32>
        %swap3A_333 = vector.shape_cast %add3A_328 : vector<16xf32> to vector<1x16xf32>
        tpu.vector_store %arg15[%swap3A_329, %swap3A_330], %swap3A_333 {strides = array<i32>} : memref<80x128xf32, #tpu.memory_space<vmem>>, vector<1x16xf32>,
        %get3A_334 = arith.index_cast %add3A_237 : i32 to index
        %get3A_335 = arith.constant 112 : index
        %get3A_336 = tpu.vector_load %arg15[%get3A_334, %get3A_335] {strides = array<i32>} : memref<80x128xf32, #tpu.memory_space<vmem>>, vector<1x16xf32>,
        %get3A_337 = vector.shape_cast %get3A_336 : vector<1x16xf32> to vector<16xf32>
        %get3A_338 = arith.index_cast %add3A_237 : i32 to index
        %get3A_339 = arith.constant 112 : index
        %get3A_340 = tpu.vector_load %arg16[%get3A_338, %get3A_339] {strides = array<i32>} : memref<80x128xf32, #tpu.memory_space<vmem>>, vector<1x16xf32>,
        %get3A_341 = vector.shape_cast %get3A_340 : vector<1x16xf32> to vector<16xf32>
        %add3A_342 = arith.addf %get3A_337, %get3A_341 : vector<16xf32>
        %swap3A_343 = arith.index_cast %add3A_237 : i32 to index
        %swap3A_344 = arith.constant 112 : index
        %swap3A_345 = tpu.vector_load %arg15[%swap3A_343, %swap3A_344] {strides = array<i32>} : memref<80x128xf32, #tpu.memory_space<vmem>>, vector<1x16xf32>,
        %swap3A_346 = vector.shape_cast %swap3A_345 : vector<1x16xf32> to vector<16xf32>
        %swap3A_347 = vector.shape_cast %add3A_342 : vector<16xf32> to vector<1x16xf32>
        tpu.vector_store %arg15[%swap3A_343, %swap3A_344], %swap3A_347 {strides = array<i32>} : memref<80x128xf32, #tpu.memory_space<vmem>>, vector<1x16xf32>,
      }
      %scan3A_223 = arith.constant 80 : i32
      %add3A_224 = arith.constant 3 : i32
      %add3A_225 = arith.addi %mul3A_86, %add3A_224 : i32
      %mul3A_226 = arith.constant 80 : i32
      %mul3A_227 = arith.muli %add3A_225, %mul3A_226 : i32
      %add3A_228 = arith.addi %mul3A_2, %mul3A_227 : i32
      %dma_start3A_229 = arith.constant 0 : i32
      %dma_start3A_230 = tpu.memref_slice %arg6[%add3A_228, %dma_start3A_229] : memref<320000x128xf32, #tpu.memory_space<hbm>> -> memref<80x128xf32, #tpu.memory_space<hbm>>
      %dma_start3A_231 = arith.constant 0 : i32
      %dma_start3A_232 = tpu.memref_slice %arg6[%add3A_228, %dma_start3A_231] : memref<320000x128xf32, #tpu.memory_space<hbm>> -> memref<80x128xf32, #tpu.memory_space<hbm>>
      tpu.enqueue_dma source(%arg15 : memref<80x128xf32, #tpu.memory_space<vmem>>) target(%dma_start3A_232 : memref<80x128xf32, #tpu.memory_space<hbm>>) target_semaphore(%arg24 : memref<!tpu.dma_semaphore, #tpu.memory_space<semaphore_mem>>)
    }
    %scan3A_33 = arith.constant 31 : i32
    %dma_wait3A = arith.constant 0 : i32
    %dma_wait3A_34 = arith.constant 0 : i32
    %dma_wait3A_35 = tpu.memref_slice %arg2[%dma_wait3A, %dma_wait3A_34] : memref<100000x128xf32, #tpu.memory_space<hbm>> -> memref<80x128xf32, #tpu.memory_space<hbm>>
    %dma_wait3A_36 = arith.constant 0 : i32
    %dma_wait3A_37 = arith.constant 0 : i32
    %dma_wait3A_38 = tpu.memref_slice %arg2[%dma_wait3A_36, %dma_wait3A_37] : memref<100000x128xf32, #tpu.memory_space<hbm>> -> memref<80x128xf32, #tpu.memory_space<hbm>>
    tpu.wait_dma2 semaphore(%arg17 : memref<!tpu.dma_semaphore, #tpu.memory_space<semaphore_mem>>) src(%dma_wait3A_38 : memref<80x128xf32, #tpu.memory_space<hbm>>) dst(%arg9 : memref<80x128xf32, #tpu.memory_space<vmem>>)
    %dma_wait3A_39 = arith.constant 0 : i32
    %dma_wait3A_40 = arith.constant 0 : i32
    %dma_wait3A_41 = tpu.memref_slice %arg2[%dma_wait3A_39, %dma_wait3A_40] : memref<100000x128xf32, #tpu.memory_space<hbm>> -> memref<80x128xf32, #tpu.memory_space<hbm>>
    %dma_wait3A_42 = arith.constant 0 : i32
    %dma_wait3A_43 = arith.constant 0 : i32
    %dma_wait3A_44 = tpu.memref_slice %arg2[%dma_wait3A_42, %dma_wait3A_43] : memref<100000x128xf32, #tpu.memory_space<hbm>> -> memref<80x128xf32, #tpu.memory_space<hbm>>
    tpu.wait_dma2 semaphore(%arg17 : memref<!tpu.dma_semaphore, #tpu.memory_space<semaphore_mem>>) src(%dma_wait3A_44 : memref<80x128xf32, #tpu.memory_space<hbm>>) dst(%arg10 : memref<80x128xf32, #tpu.memory_space<vmem>>)
    %scan3A_45 = arith.constant 0 : i32
    %scan3A_46 = arith.constant 80 : i32
    %scan3A_47 = arith.addi %scan3A_45, %scan3A_46 : i32
    %scan3A_48 = arith.constant 1 : i32
    scf.for %scan3A_80 = %scan3A_45 to %scan3A_47 step %scan3A_48  : i32 {
      %mul3A_81 = arith.constant 1 : i32
      %mul3A_82 = arith.muli %scan3A_80, %mul3A_81 : i32
      %add3A_83 = arith.constant 0 : i32
      %add3A_84 = arith.addi %add3A_83, %mul3A_82 : i32
      %get3A = arith.index_cast %add3A_84 : i32 to index
      %get3A_85 = arith.constant 0 : index
      %get3A_86 = tpu.vector_load %arg9[%get3A, %get3A_85] {strides = array<i32>} : memref<80x128xf32, #tpu.memory_space<vmem>>, vector<1x16xf32>,
      %get3A_87 = vector.shape_cast %get3A_86 : vector<1x16xf32> to vector<16xf32>
      %get3A_88 = arith.index_cast %add3A_84 : i32 to index
      %get3A_89 = arith.constant 0 : index
      %get3A_90 = tpu.vector_load %arg10[%get3A_88, %get3A_89] {strides = array<i32>} : memref<80x128xf32, #tpu.memory_space<vmem>>, vector<1x16xf32>,
      %get3A_91 = vector.shape_cast %get3A_90 : vector<1x16xf32> to vector<16xf32>
      %add3A_92 = arith.addf %get3A_87, %get3A_91 : vector<16xf32>
      %swap3A = arith.index_cast %add3A_84 : i32 to index
      %swap3A_93 = arith.constant 0 : index
      %swap3A_94 = tpu.vector_load %arg9[%swap3A, %swap3A_93] {strides = array<i32>} : memref<80x128xf32, #tpu.memory_space<vmem>>, vector<1x16xf32>,
      %swap3A_95 = vector.shape_cast %swap3A_94 : vector<1x16xf32> to vector<16xf32>
      %swap3A_96 = vector.shape_cast %add3A_92 : vector<16xf32> to vector<1x16xf32>
      tpu.vector_store %arg9[%swap3A, %swap3A_93], %swap3A_96 {strides = array<i32>} : memref<80x128xf32, #tpu.memory_space<vmem>>, vector<1x16xf32>,
      %get3A_97 = arith.index_cast %add3A_84 : i32 to index
      %get3A_98 = arith.constant 16 : index
      %get3A_99 = tpu.vector_load %arg9[%get3A_97, %get3A_98] {strides = array<i32>} : memref<80x128xf32, #tpu.memory_space<vmem>>, vector<1x16xf32>,
      %get3A_100 = vector.shape_cast %get3A_99 : vector<1x16xf32> to vector<16xf32>
      %get3A_101 = arith.index_cast %add3A_84 : i32 to index
      %get3A_102 = arith.constant 16 : index
      %get3A_103 = tpu.vector_load %arg10[%get3A_101, %get3A_102] {strides = array<i32>} : memref<80x128xf32, #tpu.memory_space<vmem>>, vector<1x16xf32>,
      %get3A_104 = vector.shape_cast %get3A_103 : vector<1x16xf32> to vector<16xf32>
      %add3A_105 = arith.addf %get3A_100, %get3A_104 : vector<16xf32>
      %swap3A_106 = arith.index_cast %add3A_84 : i32 to index
      %swap3A_107 = arith.constant 16 : index
      %swap3A_108 = tpu.vector_load %arg9[%swap3A_106, %swap3A_107] {strides = array<i32>} : memref<80x128xf32, #tpu.memory_space<vmem>>, vector<1x16xf32>,
      %swap3A_109 = vector.shape_cast %swap3A_108 : vector<1x16xf32> to vector<16xf32>
      %swap3A_110 = vector.shape_cast %add3A_105 : vector<16xf32> to vector<1x16xf32>
      tpu.vector_store %arg9[%swap3A_106, %swap3A_107], %swap3A_110 {strides = array<i32>} : memref<80x128xf32, #tpu.memory_space<vmem>>, vector<1x16xf32>,
      %get3A_111 = arith.index_cast %add3A_84 : i32 to index
      %get3A_112 = arith.constant 32 : index
      %get3A_113 = tpu.vector_load %arg9[%get3A_111, %get3A_112] {strides = array<i32>} : memref<80x128xf32, #tpu.memory_space<vmem>>, vector<1x16xf32>,
      %get3A_114 = vector.shape_cast %get3A_113 : vector<1x16xf32> to vector<16xf32>
      %get3A_115 = arith.index_cast %add3A_84 : i32 to index
      %get3A_116 = arith.constant 32 : index
      %get3A_117 = tpu.vector_load %arg10[%get3A_115, %get3A_116] {strides = array<i32>} : memref<80x128xf32, #tpu.memory_space<vmem>>, vector<1x16xf32>,
      %get3A_118 = vector.shape_cast %get3A_117 : vector<1x16xf32> to vector<16xf32>
      %add3A_119 = arith.addf %get3A_114, %get3A_118 : vector<16xf32>
      %swap3A_120 = arith.index_cast %add3A_84 : i32 to index
      %swap3A_121 = arith.constant 32 : index
      %swap3A_122 = tpu.vector_load %arg9[%swap3A_120, %swap3A_121] {strides = array<i32>} : memref<80x128xf32, #tpu.memory_space<vmem>>, vector<1x16xf32>,
      %swap3A_123 = vector.shape_cast %swap3A_122 : vector<1x16xf32> to vector<16xf32>
      %swap3A_124 = vector.shape_cast %add3A_119 : vector<16xf32> to vector<1x16xf32>
      tpu.vector_store %arg9[%swap3A_120, %swap3A_121], %swap3A_124 {strides = array<i32>} : memref<80x128xf32, #tpu.memory_space<vmem>>, vector<1x16xf32>,
      %get3A_125 = arith.index_cast %add3A_84 : i32 to index
      %get3A_126 = arith.constant 48 : index
      %get3A_127 = tpu.vector_load %arg9[%get3A_125, %get3A_126] {strides = array<i32>} : memref<80x128xf32, #tpu.memory_space<vmem>>, vector<1x16xf32>,
      %get3A_128 = vector.shape_cast %get3A_127 : vector<1x16xf32> to vector<16xf32>
      %get3A_129 = arith.index_cast %add3A_84 : i32 to index
      %get3A_130 = arith.constant 48 : index
      %get3A_131 = tpu.vector_load %arg10[%get3A_129, %get3A_130] {strides = array<i32>} : memref<80x128xf32, #tpu.memory_space<vmem>>, vector<1x16xf32>,
      %get3A_132 = vector.shape_cast %get3A_131 : vector<1x16xf32> to vector<16xf32>
      %add3A_133 = arith.addf %get3A_128, %get3A_132 : vector<16xf32>
      %swap3A_134 = arith.index_cast %add3A_84 : i32 to index
      %swap3A_135 = arith.constant 48 : index
      %swap3A_136 = tpu.vector_load %arg9[%swap3A_134, %swap3A_135] {strides = array<i32>} : memref<80x128xf32, #tpu.memory_space<vmem>>, vector<1x16xf32>,
      %swap3A_137 = vector.shape_cast %swap3A_136 : vector<1x16xf32> to vector<16xf32>
      %swap3A_138 = vector.shape_cast %add3A_133 : vector<16xf32> to vector<1x16xf32>
      tpu.vector_store %arg9[%swap3A_134, %swap3A_135], %swap3A_138 {strides = array<i32>} : memref<80x128xf32, #tpu.memory_space<vmem>>, vector<1x16xf32>,
      %get3A_139 = arith.index_cast %add3A_84 : i32 to index
      %get3A_140 = arith.constant 64 : index
      %get3A_141 = tpu.vector_load %arg9[%get3A_139, %get3A_140] {strides = array<i32>} : memref<80x128xf32, #tpu.memory_space<vmem>>, vector<1x16xf32>,
      %get3A_142 = vector.shape_cast %get3A_141 : vector<1x16xf32> to vector<16xf32>
      %get3A_143 = arith.index_cast %add3A_84 : i32 to index
      %get3A_144 = arith.constant 64 : index
      %get3A_145 = tpu.vector_load %arg10[%get3A_143, %get3A_144] {strides = array<i32>} : memref<80x128xf32, #tpu.memory_space<vmem>>, vector<1x16xf32>,
      %get3A_146 = vector.shape_cast %get3A_145 : vector<1x16xf32> to vector<16xf32>
      %add3A_147 = arith.addf %get3A_142, %get3A_146 : vector<16xf32>
      %swap3A_148 = arith.index_cast %add3A_84 : i32 to index
      %swap3A_149 = arith.constant 64 : index
      %swap3A_150 = tpu.vector_load %arg9[%swap3A_148, %swap3A_149] {strides = array<i32>} : memref<80x128xf32, #tpu.memory_space<vmem>>, vector<1x16xf32>,
      %swap3A_151 = vector.shape_cast %swap3A_150 : vector<1x16xf32> to vector<16xf32>
      %swap3A_152 = vector.shape_cast %add3A_147 : vector<16xf32> to vector<1x16xf32>
      tpu.vector_store %arg9[%swap3A_148, %swap3A_149], %swap3A_152 {strides = array<i32>} : memref<80x128xf32, #tpu.memory_space<vmem>>, vector<1x16xf32>,
      %get3A_153 = arith.index_cast %add3A_84 : i32 to index
      %get3A_154 = arith.constant 80 : index
      %get3A_155 = tpu.vector_load %arg9[%get3A_153, %get3A_154] {strides = array<i32>} : memref<80x128xf32, #tpu.memory_space<vmem>>, vector<1x16xf32>,
      %get3A_156 = vector.shape_cast %get3A_155 : vector<1x16xf32> to vector<16xf32>
      %get3A_157 = arith.index_cast %add3A_84 : i32 to index
      %get3A_158 = arith.constant 80 : index
      %get3A_159 = tpu.vector_load %arg10[%get3A_157, %get3A_158] {strides = array<i32>} : memref<80x128xf32, #tpu.memory_space<vmem>>, vector<1x16xf32>,
      %get3A_160 = vector.shape_cast %get3A_159 : vector<1x16xf32> to vector<16xf32>
      %add3A_161 = arith.addf %get3A_156, %get3A_160 : vector<16xf32>
      %swap3A_162 = arith.index_cast %add3A_84 : i32 to index
      %swap3A_163 = arith.constant 80 : index
      %swap3A_164 = tpu.vector_load %arg9[%swap3A_162, %swap3A_163] {strides = array<i32>} : memref<80x128xf32, #tpu.memory_space<vmem>>, vector<1x16xf32>,
      %swap3A_165 = vector.shape_cast %swap3A_164 : vector<1x16xf32> to vector<16xf32>
      %swap3A_166 = vector.shape_cast %add3A_161 : vector<16xf32> to vector<1x16xf32>
      tpu.vector_store %arg9[%swap3A_162, %swap3A_163], %swap3A_166 {strides = array<i32>} : memref<80x128xf32, #tpu.memory_space<vmem>>, vector<1x16xf32>,
      %get3A_167 = arith.index_cast %add3A_84 : i32 to index
      %get3A_168 = arith.constant 96 : index
      %get3A_169 = tpu.vector_load %arg9[%get3A_167, %get3A_168] {strides = array<i32>} : memref<80x128xf32, #tpu.memory_space<vmem>>, vector<1x16xf32>,
      %get3A_170 = vector.shape_cast %get3A_169 : vector<1x16xf32> to vector<16xf32>
      %get3A_171 = arith.index_cast %add3A_84 : i32 to index
      %get3A_172 = arith.constant 96 : index
      %get3A_173 = tpu.vector_load %arg10[%get3A_171, %get3A_172] {strides = array<i32>} : memref<80x128xf32, #tpu.memory_space<vmem>>, vector<1x16xf32>,
      %get3A_174 = vector.shape_cast %get3A_173 : vector<1x16xf32> to vector<16xf32>
      %add3A_175 = arith.addf %get3A_170, %get3A_174 : vector<16xf32>
      %swap3A_176 = arith.index_cast %add3A_84 : i32 to index
      %swap3A_177 = arith.constant 96 : index
      %swap3A_178 = tpu.vector_load %arg9[%swap3A_176, %swap3A_177] {strides = array<i32>} : memref<80x128xf32, #tpu.memory_space<vmem>>, vector<1x16xf32>,
      %swap3A_179 = vector.shape_cast %swap3A_178 : vector<1x16xf32> to vector<16xf32>
      %swap3A_180 = vector.shape_cast %add3A_175 : vector<16xf32> to vector<1x16xf32>
      tpu.vector_store %arg9[%swap3A_176, %swap3A_177], %swap3A_180 {strides = array<i32>} : memref<80x128xf32, #tpu.memory_space<vmem>>, vector<1x16xf32>,
      %get3A_181 = arith.index_cast %add3A_84 : i32 to index
      %get3A_182 = arith.constant 112 : index
      %get3A_183 = tpu.vector_load %arg9[%get3A_181, %get3A_182] {strides = array<i32>} : memref<80x128xf32, #tpu.memory_space<vmem>>, vector<1x16xf32>,
      %get3A_184 = vector.shape_cast %get3A_183 : vector<1x16xf32> to vector<16xf32>
      %get3A_185 = arith.index_cast %add3A_84 : i32 to index
      %get3A_186 = arith.constant 112 : index
      %get3A_187 = tpu.vector_load %arg10[%get3A_185, %get3A_186] {strides = array<i32>} : memref<80x128xf32, #tpu.memory_space<vmem>>, vector<1x16xf32>,
      %get3A_188 = vector.shape_cast %get3A_187 : vector<1x16xf32> to vector<16xf32>
      %add3A_189 = arith.addf %get3A_184, %get3A_188 : vector<16xf32>
      %swap3A_190 = arith.index_cast %add3A_84 : i32 to index
      %swap3A_191 = arith.constant 112 : index
      %swap3A_192 = tpu.vector_load %arg9[%swap3A_190, %swap3A_191] {strides = array<i32>} : memref<80x128xf32, #tpu.memory_space<vmem>>, vector<1x16xf32>,
      %swap3A_193 = vector.shape_cast %swap3A_192 : vector<1x16xf32> to vector<16xf32>
      %swap3A_194 = vector.shape_cast %add3A_189 : vector<16xf32> to vector<1x16xf32>
      tpu.vector_store %arg9[%swap3A_190, %swap3A_191], %swap3A_194 {strides = array<i32>} : memref<80x128xf32, #tpu.memory_space<vmem>>, vector<1x16xf32>,
    }
    %scan3A_49 = arith.constant 80 : i32
    %add3A_50 = arith.constant 9920 : i32
    %add3A_51 = arith.addi %mul3A_2, %add3A_50 : i32
    %dma_start3A_52 = arith.constant 0 : i32
    %dma_start3A_53 = tpu.memref_slice %arg6[%add3A_51, %dma_start3A_52] : memref<320000x128xf32, #tpu.memory_space<hbm>> -> memref<80x128xf32, #tpu.memory_space<hbm>>
    %dma_start3A_54 = arith.constant 0 : i32
    %dma_start3A_55 = tpu.memref_slice %arg6[%add3A_51, %dma_start3A_54] : memref<320000x128xf32, #tpu.memory_space<hbm>> -> memref<80x128xf32, #tpu.memory_space<hbm>>
    tpu.enqueue_dma source(%arg9 : memref<80x128xf32, #tpu.memory_space<vmem>>) target(%dma_start3A_55 : memref<80x128xf32, #tpu.memory_space<hbm>>) target_semaphore(%arg21 : memref<!tpu.dma_semaphore, #tpu.memory_space<semaphore_mem>>)
    %dma_wait3A_56 = arith.constant 0 : i32
    %dma_wait3A_57 = arith.constant 0 : i32
    %dma_wait3A_58 = tpu.memref_slice %arg6[%dma_wait3A_56, %dma_wait3A_57] : memref<320000x128xf32, #tpu.memory_space<hbm>> -> memref<80x128xf32, #tpu.memory_space<hbm>>
    %dma_wait3A_59 = arith.constant 0 : i32
    %dma_wait3A_60 = arith.constant 0 : i32
    %dma_wait3A_61 = tpu.memref_slice %arg6[%dma_wait3A_59, %dma_wait3A_60] : memref<320000x128xf32, #tpu.memory_space<hbm>> -> memref<80x128xf32, #tpu.memory_space<hbm>>
    tpu.wait_dma2 semaphore(%arg22 : memref<!tpu.dma_semaphore, #tpu.memory_space<semaphore_mem>>) src(%arg11 : memref<80x128xf32, #tpu.memory_space<vmem>>) dst(%dma_wait3A_61 : memref<80x128xf32, #tpu.memory_space<hbm>>)
    %dma_wait3A_62 = arith.constant 0 : i32
    %dma_wait3A_63 = arith.constant 0 : i32
    %dma_wait3A_64 = tpu.memref_slice %arg6[%dma_wait3A_62, %dma_wait3A_63] : memref<320000x128xf32, #tpu.memory_space<hbm>> -> memref<80x128xf32, #tpu.memory_space<hbm>>
    %dma_wait3A_65 = arith.constant 0 : i32
    %dma_wait3A_66 = arith.constant 0 : i32
    %dma_wait3A_67 = tpu.memref_slice %arg6[%dma_wait3A_65, %dma_wait3A_66] : memref<320000x128xf32, #tpu.memory_space<hbm>> -> memref<80x128xf32, #tpu.memory_space<hbm>>
    tpu.wait_dma2 semaphore(%arg23 : memref<!tpu.dma_semaphore, #tpu.memory_space<semaphore_mem>>) src(%arg13 : memref<80x128xf32, #tpu.memory_space<vmem>>) dst(%dma_wait3A_67 : memref<80x128xf32, #tpu.memory_space<hbm>>)
    %dma_wait3A_68 = arith.constant 0 : i32
    %dma_wait3A_69 = arith.constant 0 : i32
    %dma_wait3A_70 = tpu.memref_slice %arg6[%dma_wait3A_68, %dma_wait3A_69] : memref<320000x128xf32, #tpu.memory_space<hbm>> -> memref<80x128xf32, #tpu.memory_space<hbm>>
    %dma_wait3A_71 = arith.constant 0 : i32
    %dma_wait3A_72 = arith.constant 0 : i32
    %dma_wait3A_73 = tpu.memref_slice %arg6[%dma_wait3A_71, %dma_wait3A_72] : memref<320000x128xf32, #tpu.memory_space<hbm>> -> memref<80x128xf32, #tpu.memory_space<hbm>>
    tpu.wait_dma2 semaphore(%arg24 : memref<!tpu.dma_semaphore, #tpu.memory_space<semaphore_mem>>) src(%arg15 : memref<80x128xf32, #tpu.memory_space<vmem>>) dst(%dma_wait3A_73 : memref<80x128xf32, #tpu.memory_space<hbm>>)
    %dma_wait3A_74 = arith.constant 0 : i32
    %dma_wait3A_75 = arith.constant 0 : i32
    %dma_wait3A_76 = tpu.memref_slice %arg6[%dma_wait3A_74, %dma_wait3A_75] : memref<320000x128xf32, #tpu.memory_space<hbm>> -> memref<80x128xf32, #tpu.memory_space<hbm>>
    %dma_wait3A_77 = arith.constant 0 : i32
    %dma_wait3A_78 = arith.constant 0 : i32
    %dma_wait3A_79 = tpu.memref_slice %arg6[%dma_wait3A_77, %dma_wait3A_78] : memref<320000x128xf32, #tpu.memory_space<hbm>> -> memref<80x128xf32, #tpu.memory_space<hbm>>
    tpu.wait_dma2 semaphore(%arg21 : memref<!tpu.dma_semaphore, #tpu.memory_space<semaphore_mem>>) src(%arg9 : memref<80x128xf32, #tpu.memory_space<vmem>>) dst(%dma_wait3A_79 : memref<80x128xf32, #tpu.memory_space<hbm>>)
    return
  }
}

module attributes {stable_mosaic.version = 14 : i64} {
  func.func @_meshproj_body(%arg0: i32, %arg1: memref<2000x128xf32, #tpu.memory_space<vmem>>, %arg2: memref<128x128xf32, #tpu.memory_space<vmem>>, %arg3: memref<2000x128xf32, #tpu.memory_space<vmem>>) attributes {dimension_semantics = [#tpu.dimension_semantics<arbitrary>], iteration_bounds = array<i64: 5>, scalar_prefetch = 0 : i64, scratch_operands = 0 : i64, tpu.core_type = #tpu.core_type<tc>, window_params = [{transform_indices = @transform_0, window_bounds = array<i64: 2000, 128>}, {pipeline_mode = #tpu.pipeline_mode<synchronous>, transform_indices = @transform_1, window_bounds = array<i64: 128, 128>}, {transform_indices = @transform_2, window_bounds = array<i64: 2000, 128>}]} {
    %get3A = arith.constant 0 : index
    %get3A_0 = arith.constant 0 : index
    %get3A_1 = vector.load %arg1[%get3A, %get3A_0] : memref<2000x128xf32, #tpu.memory_space<vmem>>, vector<2000x128xf32>
    %get3A_2 = arith.constant 0 : index
    %get3A_3 = arith.constant 0 : index
    %get3A_4 = vector.load %arg2[%get3A_2, %get3A_3] : memref<128x128xf32, #tpu.memory_space<vmem>>, vector<128x128xf32>
    %dot_general3A = arith.constant dense<0.000000e+00> : vector<2000x128xf32>
    %dot_general3A_5 = tpu.matmul %get3A_1, %get3A_4, %dot_general3A {dimension_numbers = #tpu.dot_dimension_numbers<[1], [0], [0], [1], [0, 0, 1, 1], [], []>, transpose_lhs_hint = false} : vector<2000x128xf32>, vector<128x128xf32>, vector<2000x128xf32> -> vector<2000x128xf32>
    %swap3A = arith.constant 0 : index
    %swap3A_6 = arith.constant 0 : index
    %swap3A_7 = vector.load %arg3[%swap3A, %swap3A_6] : memref<2000x128xf32, #tpu.memory_space<vmem>>, vector<2000x128xf32>
    tpu.vector_store %arg3[%swap3A, %swap3A_6], %dot_general3A_5 {strides = array<i32>} : memref<2000x128xf32, #tpu.memory_space<vmem>>, vector<2000x128xf32>,
    return
  }
  func.func @transform_0(%arg0: i32) -> (i32, i32) {
    %c0_i32 = arith.constant 0 : i32
    %c0_i32_0 = arith.constant 0 : i32
    return %arg0, %c0_i32 : i32, i32
  }
  func.func @transform_1(%arg0: i32) -> (i32, i32) {
    %c0_i32 = arith.constant 0 : i32
    %c0_i32_0 = arith.constant 0 : i32
    %c0_i32_1 = arith.constant 0 : i32
    return %c0_i32, %c0_i32_0 : i32, i32
  }
  func.func @transform_2(%arg0: i32) -> (i32, i32) {
    %c0_i32 = arith.constant 0 : i32
    %c0_i32_0 = arith.constant 0 : i32
    return %arg0, %c0_i32 : i32, i32
  }
}

module attributes {stable_mosaic.version = 14 : i64} {
  func.func @_grid_body(%arg0: i32, %arg1: memref<2000x128xf32, #tpu.memory_space<vmem>>, %arg2: memref<128x128xf32, #tpu.memory_space<vmem>>, %arg3: memref<128x128xf32, #tpu.memory_space<vmem>>, %arg4: memref<1x128xf32, #tpu.memory_space<vmem>>, %arg5: memref<128x128xf32, #tpu.memory_space<vmem>>, %arg6: memref<1x128xf32, #tpu.memory_space<vmem>>, %arg7: memref<1x128xf32, #tpu.memory_space<vmem>>, %arg8: memref<1x128xf32, #tpu.memory_space<vmem>>, %arg9: memref<2000x128xf32, #tpu.memory_space<vmem>>, %arg10: memref<2000x128xf32, #tpu.memory_space<vmem>>) attributes {dimension_semantics = [#tpu.dimension_semantics<arbitrary>], iteration_bounds = array<i64: 50>, scalar_prefetch = 0 : i64, scratch_operands = 0 : i64, tpu.core_type = #tpu.core_type<tc>, window_params = [{transform_indices = @transform_0, window_bounds = array<i64: 2000, 128>}, {pipeline_mode = #tpu.pipeline_mode<synchronous>, transform_indices = @transform_1, window_bounds = array<i64: 128, 128>}, {pipeline_mode = #tpu.pipeline_mode<synchronous>, transform_indices = @transform_2, window_bounds = array<i64: 128, 128>}, {pipeline_mode = #tpu.pipeline_mode<synchronous>, transform_indices = @transform_3, window_bounds = array<i64: 1, 128>}, {pipeline_mode = #tpu.pipeline_mode<synchronous>, transform_indices = @transform_4, window_bounds = array<i64: 128, 128>}, {pipeline_mode = #tpu.pipeline_mode<synchronous>, transform_indices = @transform_5, window_bounds = array<i64: 1, 128>}, {pipeline_mode = #tpu.pipeline_mode<synchronous>, transform_indices = @transform_6, window_bounds = array<i64: 1, 128>}, {pipeline_mode = #tpu.pipeline_mode<synchronous>, transform_indices = @transform_7, window_bounds = array<i64: 1, 128>}, {transform_indices = @transform_8, window_bounds = array<i64: 2000, 128>}, {transform_indices = @transform_9, window_bounds = array<i64: 2000, 128>}]} {
    %get3A = arith.constant 0 : index
    %get3A_0 = arith.constant 0 : index
    %get3A_1 = vector.load %arg1[%get3A, %get3A_0] : memref<2000x128xf32, #tpu.memory_space<vmem>>, vector<2000x128xf32>
    %get3A_2 = arith.constant 0 : index
    %get3A_3 = arith.constant 0 : index
    %get3A_4 = vector.load %arg2[%get3A_2, %get3A_3] : memref<128x128xf32, #tpu.memory_space<vmem>>, vector<128x128xf32>
    %dot_general3A = arith.constant dense<0.000000e+00> : vector<2000x128xf32>
    %dot_general3A_5 = tpu.matmul %get3A_1, %get3A_4, %dot_general3A {dimension_numbers = #tpu.dot_dimension_numbers<[1], [0], [0], [1], [0, 0, 1, 1], [], []>, transpose_lhs_hint = false} : vector<2000x128xf32>, vector<128x128xf32>, vector<2000x128xf32> -> vector<2000x128xf32>
    %swap3A = arith.constant 0 : index
    %swap3A_6 = arith.constant 0 : index
    %swap3A_7 = vector.load %arg10[%swap3A, %swap3A_6] : memref<2000x128xf32, #tpu.memory_space<vmem>>, vector<2000x128xf32>
    tpu.vector_store %arg10[%swap3A, %swap3A_6], %dot_general3A_5 {strides = array<i32>} : memref<2000x128xf32, #tpu.memory_space<vmem>>, vector<2000x128xf32>,
    %get3A_8 = arith.constant 0 : index
    %get3A_9 = arith.constant 0 : index
    %get3A_10 = vector.load %arg3[%get3A_8, %get3A_9] : memref<128x128xf32, #tpu.memory_space<vmem>>, vector<128x128xf32>
    %dot_general3A_11 = arith.constant dense<0.000000e+00> : vector<2000x128xf32>
    %dot_general3A_12 = tpu.matmul %get3A_1, %get3A_10, %dot_general3A_11 {dimension_numbers = #tpu.dot_dimension_numbers<[1], [0], [0], [1], [0, 0, 1, 1], [], []>, transpose_lhs_hint = false} : vector<2000x128xf32>, vector<128x128xf32>, vector<2000x128xf32> -> vector<2000x128xf32>
    %get3A_13 = arith.constant 0 : index
    %get3A_14 = arith.constant 0 : index
    %get3A_15 = vector.load %arg4[%get3A_13, %get3A_14] : memref<1x128xf32, #tpu.memory_space<vmem>>, vector<1x128xf32>
    %add3A = vector.broadcast %get3A_15 : vector<1x128xf32> to vector<2000x128xf32>
    %add3A_16 = arith.addf %dot_general3A_12, %add3A : vector<2000x128xf32>
    %logistic3A = arith.negf %add3A_16 : vector<2000x128xf32>
    %logistic3A_17 = math.exp %logistic3A : vector<2000x128xf32>
    %logistic3A_18 = arith.constant 1.000000e+00 : f32
    %logistic3A_19 = vector.broadcast %logistic3A_18 : f32 to vector<2000x128xf32>
    %logistic3A_20 = arith.addf %logistic3A_19, %logistic3A_17 : vector<2000x128xf32>
    %logistic3A_21 = arith.divf %logistic3A_19, %logistic3A_20 : vector<2000x128xf32>
    %mul3A = arith.mulf %add3A_16, %logistic3A_21 : vector<2000x128xf32>
    %get3A_22 = arith.constant 0 : index
    %get3A_23 = arith.constant 0 : index
    %get3A_24 = vector.load %arg5[%get3A_22, %get3A_23] : memref<128x128xf32, #tpu.memory_space<vmem>>, vector<128x128xf32>
    %dot_general3A_25 = arith.constant dense<0.000000e+00> : vector<2000x128xf32>
    %dot_general3A_26 = tpu.matmul %mul3A, %get3A_24, %dot_general3A_25 {dimension_numbers = #tpu.dot_dimension_numbers<[1], [0], [0], [1], [0, 0, 1, 1], [], []>, transpose_lhs_hint = false} : vector<2000x128xf32>, vector<128x128xf32>, vector<2000x128xf32> -> vector<2000x128xf32>
    %get3A_27 = arith.constant 0 : index
    %get3A_28 = arith.constant 0 : index
    %get3A_29 = vector.load %arg6[%get3A_27, %get3A_28] : memref<1x128xf32, #tpu.memory_space<vmem>>, vector<1x128xf32>
    %add3A_30 = vector.broadcast %get3A_29 : vector<1x128xf32> to vector<2000x128xf32>
    %add3A_31 = arith.addf %dot_general3A_26, %add3A_30 : vector<2000x128xf32>
    %get3A_32 = arith.constant 0 : index
    %get3A_33 = arith.constant 0 : index
    %get3A_34 = vector.load %arg7[%get3A_32, %get3A_33] : memref<1x128xf32, #tpu.memory_space<vmem>>, vector<1x128xf32>
    %get3A_35 = arith.constant 0 : index
    %get3A_36 = arith.constant 0 : index
    %get3A_37 = vector.load %arg8[%get3A_35, %get3A_36] : memref<1x128xf32, #tpu.memory_space<vmem>>, vector<1x128xf32>
    %reduce_sum3A = arith.constant dense<0.000000e+00> : vector<2000xf32>
    %reduce_sum3A_38 = vector.multi_reduction <add>, %add3A_31, %reduce_sum3A [1] : vector<2000x128xf32> to vector<2000xf32>
    %broadcast_in_dim3A = vector.shape_cast %reduce_sum3A_38 : vector<2000xf32> to vector<2000x1xf32>
    %div3A = arith.constant 1.280000e+02 : f32
    %div3A_39 = vector.broadcast %div3A : f32 to vector<2000x1xf32>
    %div3A_40 = arith.divf %broadcast_in_dim3A, %div3A_39 : vector<2000x1xf32>
    %jit3A = arith.constant 0 : i32
    %reduce_sum3A_41 = arith.constant dense<0.000000e+00> : vector<2000xf32>
    %reduce_sum3A_42 = vector.multi_reduction <add>, %add3A_31, %reduce_sum3A_41 [1] : vector<2000x128xf32> to vector<2000xf32>
    %broadcast_in_dim3A_43 = vector.shape_cast %reduce_sum3A_42 : vector<2000xf32> to vector<2000x1xf32>
    %div3A_44 = arith.constant 1.280000e+02 : f32
    %div3A_45 = vector.broadcast %div3A_44 : f32 to vector<2000x1xf32>
    %div3A_46 = arith.divf %broadcast_in_dim3A_43, %div3A_45 : vector<2000x1xf32>
    %sub3A = vector.broadcast %div3A_46 : vector<2000x1xf32> to vector<2000x128xf32>
    %sub3A_47 = arith.subf %add3A_31, %sub3A : vector<2000x128xf32>
    %square3A = arith.mulf %sub3A_47, %sub3A_47 : vector<2000x128xf32>
    %convert_element_type3A = arith.sitofp %jit3A : i32 to f32
    %sub3A_48 = arith.constant 1.280000e+02 : f32
    %sub3A_49 = arith.subf %sub3A_48, %convert_element_type3A : f32
    %reduce_sum3A_50 = arith.constant dense<0.000000e+00> : vector<2000xf32>
    %reduce_sum3A_51 = vector.multi_reduction <add>, %square3A, %reduce_sum3A_50 [1] : vector<2000x128xf32> to vector<2000xf32>
    %broadcast_in_dim3A_52 = vector.shape_cast %reduce_sum3A_51 : vector<2000xf32> to vector<2000x1xf32>
    %div3A_53 = vector.broadcast %sub3A_49 : f32 to vector<2000x1xf32>
    %div3A_54 = arith.divf %broadcast_in_dim3A_52, %div3A_53 : vector<2000x1xf32>
    %gt3A = arith.constant 0.000000e+00 : f32
    %gt3A_55 = arith.cmpf ogt, %sub3A_49, %gt3A : f32
    %jit3A_56 = arith.constant 0x7FC00000 : f32
    %broadcast_in_dim3A_57 = vector.broadcast %jit3A_56 : f32 to vector<2000x1xf32>
    %select_n3A = arith.select %gt3A_55, %div3A_54, %broadcast_in_dim3A_57 : vector<2000x1xf32>
    %sub3A_58 = vector.broadcast %div3A_40 : vector<2000x1xf32> to vector<2000x128xf32>
    %sub3A_59 = arith.subf %add3A_31, %sub3A_58 : vector<2000x128xf32>
    %add3A_60 = arith.constant 9.99999974E-6 : f32
    %add3A_61 = vector.broadcast %add3A_60 : f32 to vector<2000x1xf32>
    %add3A_62 = arith.addf %select_n3A, %add3A_61 : vector<2000x1xf32>
    %sqrt3A = math.sqrt %add3A_62 : vector<2000x1xf32>
    %div3A_63 = vector.broadcast %sqrt3A : vector<2000x1xf32> to vector<2000x128xf32>
    %div3A_64 = arith.divf %sub3A_59, %div3A_63 : vector<2000x128xf32>
    %mul3A_65 = vector.broadcast %get3A_34 : vector<1x128xf32> to vector<2000x128xf32>
    %mul3A_66 = arith.mulf %div3A_64, %mul3A_65 : vector<2000x128xf32>
    %add3A_67 = vector.broadcast %get3A_37 : vector<1x128xf32> to vector<2000x128xf32>
    %add3A_68 = arith.addf %mul3A_66, %add3A_67 : vector<2000x128xf32>
    %add3A_69 = arith.addf %get3A_1, %add3A_68 : vector<2000x128xf32>
    %swap3A_70 = arith.constant 0 : index
    %swap3A_71 = arith.constant 0 : index
    %swap3A_72 = vector.load %arg9[%swap3A_70, %swap3A_71] : memref<2000x128xf32, #tpu.memory_space<vmem>>, vector<2000x128xf32>
    tpu.vector_store %arg9[%swap3A_70, %swap3A_71], %add3A_69 {strides = array<i32>} : memref<2000x128xf32, #tpu.memory_space<vmem>>, vector<2000x128xf32>,
    return
  }
  func.func @transform_0(%arg0: i32) -> (i32, i32) {
    %c0_i32 = arith.constant 0 : i32
    %c0_i32_0 = arith.constant 0 : i32
    return %arg0, %c0_i32 : i32, i32
  }
  func.func @transform_1(%arg0: i32) -> (i32, i32) {
    %c0_i32 = arith.constant 0 : i32
    %c0_i32_0 = arith.constant 0 : i32
    %c0_i32_1 = arith.constant 0 : i32
    return %c0_i32, %c0_i32_0 : i32, i32
  }
  func.func @transform_2(%arg0: i32) -> (i32, i32) {
    %c0_i32 = arith.constant 0 : i32
    %c0_i32_0 = arith.constant 0 : i32
    %c0_i32_1 = arith.constant 0 : i32
    return %c0_i32, %c0_i32_0 : i32, i32
  }
  func.func @transform_3(%arg0: i32) -> (i32, i32) {
    %c0_i32 = arith.constant 0 : i32
    %c0_i32_0 = arith.constant 0 : i32
    %c0_i32_1 = arith.constant 0 : i32
    return %c0_i32, %c0_i32_0 : i32, i32
  }
  func.func @transform_4(%arg0: i32) -> (i32, i32) {
    %c0_i32 = arith.constant 0 : i32
    %c0_i32_0 = arith.constant 0 : i32
    %c0_i32_1 = arith.constant 0 : i32
    return %c0_i32, %c0_i32_0 : i32, i32
  }
  func.func @transform_5(%arg0: i32) -> (i32, i32) {
    %c0_i32 = arith.constant 0 : i32
    %c0_i32_0 = arith.constant 0 : i32
    %c0_i32_1 = arith.constant 0 : i32
    return %c0_i32, %c0_i32_0 : i32, i32
  }
  func.func @transform_6(%arg0: i32) -> (i32, i32) {
    %c0_i32 = arith.constant 0 : i32
    %c0_i32_0 = arith.constant 0 : i32
    %c0_i32_1 = arith.constant 0 : i32
    return %c0_i32, %c0_i32_0 : i32, i32
  }
  func.func @transform_7(%arg0: i32) -> (i32, i32) {
    %c0_i32 = arith.constant 0 : i32
    %c0_i32_0 = arith.constant 0 : i32
    %c0_i32_1 = arith.constant 0 : i32
    return %c0_i32, %c0_i32_0 : i32, i32
  }
  func.func @transform_8(%arg0: i32) -> (i32, i32) {
    %c0_i32 = arith.constant 0 : i32
    %c0_i32_0 = arith.constant 0 : i32
    return %arg0, %c0_i32 : i32, i32
  }
  func.func @transform_9(%arg0: i32) -> (i32, i32) {
    %c0_i32 = arith.constant 0 : i32
    %c0_i32_0 = arith.constant 0 : i32
    return %arg0, %c0_i32 : i32, i32
  }
}

module attributes {stable_mosaic.version = 14 : i64} {
  func.func @_edge_body(%arg0: i32, %arg1: memref<8000x128xf32, #tpu.memory_space<vmem>>, %arg2: memref<8000x128xf32, #tpu.memory_space<vmem>>, %arg3: memref<128x128xf32, #tpu.memory_space<vmem>>, %arg4: memref<1x128xf32, #tpu.memory_space<vmem>>, %arg5: memref<128x128xf32, #tpu.memory_space<vmem>>, %arg6: memref<1x128xf32, #tpu.memory_space<vmem>>, %arg7: memref<1x128xf32, #tpu.memory_space<vmem>>, %arg8: memref<1x128xf32, #tpu.memory_space<vmem>>, %arg9: memref<8000x128xf32, #tpu.memory_space<vmem>>) attributes {dimension_semantics = [#tpu.dimension_semantics<arbitrary>], iteration_bounds = array<i64: 40>, scalar_prefetch = 0 : i64, scratch_operands = 0 : i64, tpu.core_type = #tpu.core_type<tc>, window_params = [{transform_indices = @transform_0, window_bounds = array<i64: 8000, 128>}, {transform_indices = @transform_1, window_bounds = array<i64: 8000, 128>}, {pipeline_mode = #tpu.pipeline_mode<synchronous>, transform_indices = @transform_2, window_bounds = array<i64: 128, 128>}, {pipeline_mode = #tpu.pipeline_mode<synchronous>, transform_indices = @transform_3, window_bounds = array<i64: 1, 128>}, {pipeline_mode = #tpu.pipeline_mode<synchronous>, transform_indices = @transform_4, window_bounds = array<i64: 128, 128>}, {pipeline_mode = #tpu.pipeline_mode<synchronous>, transform_indices = @transform_5, window_bounds = array<i64: 1, 128>}, {pipeline_mode = #tpu.pipeline_mode<synchronous>, transform_indices = @transform_6, window_bounds = array<i64: 1, 128>}, {pipeline_mode = #tpu.pipeline_mode<synchronous>, transform_indices = @transform_7, window_bounds = array<i64: 1, 128>}, {transform_indices = @transform_8, window_bounds = array<i64: 8000, 128>}]} {
    %get3A = arith.constant 0 : index
    %get3A_0 = arith.constant 0 : index
    %get3A_1 = vector.load %arg1[%get3A, %get3A_0] : memref<8000x128xf32, #tpu.memory_space<vmem>>, vector<8000x128xf32>
    %get3A_2 = arith.constant 0 : index
    %get3A_3 = arith.constant 0 : index
    %get3A_4 = vector.load %arg3[%get3A_2, %get3A_3] : memref<128x128xf32, #tpu.memory_space<vmem>>, vector<128x128xf32>
    %dot_general3A = arith.constant dense<0.000000e+00> : vector<8000x128xf32>
    %dot_general3A_5 = tpu.matmul %get3A_1, %get3A_4, %dot_general3A {dimension_numbers = #tpu.dot_dimension_numbers<[1], [0], [0], [1], [0, 0, 1, 1], [], []>, transpose_lhs_hint = false} : vector<8000x128xf32>, vector<128x128xf32>, vector<8000x128xf32> -> vector<8000x128xf32>
    %get3A_6 = arith.constant 0 : index
    %get3A_7 = arith.constant 0 : index
    %get3A_8 = vector.load %arg2[%get3A_6, %get3A_7] : memref<8000x128xf32, #tpu.memory_space<vmem>>, vector<8000x128xf32>
    %add3A = arith.addf %dot_general3A_5, %get3A_8 : vector<8000x128xf32>
    %get3A_9 = arith.constant 0 : index
    %get3A_10 = arith.constant 0 : index
    %get3A_11 = vector.load %arg4[%get3A_9, %get3A_10] : memref<1x128xf32, #tpu.memory_space<vmem>>, vector<1x128xf32>
    %add3A_12 = vector.broadcast %get3A_11 : vector<1x128xf32> to vector<8000x128xf32>
    %add3A_13 = arith.addf %add3A, %add3A_12 : vector<8000x128xf32>
    %logistic3A = arith.negf %add3A_13 : vector<8000x128xf32>
    %logistic3A_14 = math.exp %logistic3A : vector<8000x128xf32>
    %logistic3A_15 = arith.constant 1.000000e+00 : f32
    %logistic3A_16 = vector.broadcast %logistic3A_15 : f32 to vector<8000x128xf32>
    %logistic3A_17 = arith.addf %logistic3A_16, %logistic3A_14 : vector<8000x128xf32>
    %logistic3A_18 = arith.divf %logistic3A_16, %logistic3A_17 : vector<8000x128xf32>
    %mul3A = arith.mulf %add3A_13, %logistic3A_18 : vector<8000x128xf32>
    %get3A_19 = arith.constant 0 : index
    %get3A_20 = arith.constant 0 : index
    %get3A_21 = vector.load %arg5[%get3A_19, %get3A_20] : memref<128x128xf32, #tpu.memory_space<vmem>>, vector<128x128xf32>
    %dot_general3A_22 = arith.constant dense<0.000000e+00> : vector<8000x128xf32>
    %dot_general3A_23 = tpu.matmul %mul3A, %get3A_21, %dot_general3A_22 {dimension_numbers = #tpu.dot_dimension_numbers<[1], [0], [0], [1], [0, 0, 1, 1], [], []>, transpose_lhs_hint = false} : vector<8000x128xf32>, vector<128x128xf32>, vector<8000x128xf32> -> vector<8000x128xf32>
    %get3A_24 = arith.constant 0 : index
    %get3A_25 = arith.constant 0 : index
    %get3A_26 = vector.load %arg6[%get3A_24, %get3A_25] : memref<1x128xf32, #tpu.memory_space<vmem>>, vector<1x128xf32>
    %add3A_27 = vector.broadcast %get3A_26 : vector<1x128xf32> to vector<8000x128xf32>
    %add3A_28 = arith.addf %dot_general3A_23, %add3A_27 : vector<8000x128xf32>
    %get3A_29 = arith.constant 0 : index
    %get3A_30 = arith.constant 0 : index
    %get3A_31 = vector.load %arg7[%get3A_29, %get3A_30] : memref<1x128xf32, #tpu.memory_space<vmem>>, vector<1x128xf32>
    %get3A_32 = arith.constant 0 : index
    %get3A_33 = arith.constant 0 : index
    %get3A_34 = vector.load %arg8[%get3A_32, %get3A_33] : memref<1x128xf32, #tpu.memory_space<vmem>>, vector<1x128xf32>
    %reduce_sum3A = arith.constant dense<0.000000e+00> : vector<8000xf32>
    %reduce_sum3A_35 = vector.multi_reduction <add>, %add3A_28, %reduce_sum3A [1] : vector<8000x128xf32> to vector<8000xf32>
    %broadcast_in_dim3A = vector.shape_cast %reduce_sum3A_35 : vector<8000xf32> to vector<8000x1xf32>
    %div3A = arith.constant 1.280000e+02 : f32
    %div3A_36 = vector.broadcast %div3A : f32 to vector<8000x1xf32>
    %div3A_37 = arith.divf %broadcast_in_dim3A, %div3A_36 : vector<8000x1xf32>
    %jit3A = arith.constant 0 : i32
    %reduce_sum3A_38 = arith.constant dense<0.000000e+00> : vector<8000xf32>
    %reduce_sum3A_39 = vector.multi_reduction <add>, %add3A_28, %reduce_sum3A_38 [1] : vector<8000x128xf32> to vector<8000xf32>
    %broadcast_in_dim3A_40 = vector.shape_cast %reduce_sum3A_39 : vector<8000xf32> to vector<8000x1xf32>
    %div3A_41 = arith.constant 1.280000e+02 : f32
    %div3A_42 = vector.broadcast %div3A_41 : f32 to vector<8000x1xf32>
    %div3A_43 = arith.divf %broadcast_in_dim3A_40, %div3A_42 : vector<8000x1xf32>
    %sub3A = vector.broadcast %div3A_43 : vector<8000x1xf32> to vector<8000x128xf32>
    %sub3A_44 = arith.subf %add3A_28, %sub3A : vector<8000x128xf32>
    %square3A = arith.mulf %sub3A_44, %sub3A_44 : vector<8000x128xf32>
    %convert_element_type3A = arith.sitofp %jit3A : i32 to f32
    %sub3A_45 = arith.constant 1.280000e+02 : f32
    %sub3A_46 = arith.subf %sub3A_45, %convert_element_type3A : f32
    %reduce_sum3A_47 = arith.constant dense<0.000000e+00> : vector<8000xf32>
    %reduce_sum3A_48 = vector.multi_reduction <add>, %square3A, %reduce_sum3A_47 [1] : vector<8000x128xf32> to vector<8000xf32>
    %broadcast_in_dim3A_49 = vector.shape_cast %reduce_sum3A_48 : vector<8000xf32> to vector<8000x1xf32>
    %div3A_50 = vector.broadcast %sub3A_46 : f32 to vector<8000x1xf32>
    %div3A_51 = arith.divf %broadcast_in_dim3A_49, %div3A_50 : vector<8000x1xf32>
    %gt3A = arith.constant 0.000000e+00 : f32
    %gt3A_52 = arith.cmpf ogt, %sub3A_46, %gt3A : f32
    %jit3A_53 = arith.constant 0x7FC00000 : f32
    %broadcast_in_dim3A_54 = vector.broadcast %jit3A_53 : f32 to vector<8000x1xf32>
    %select_n3A = arith.select %gt3A_52, %div3A_51, %broadcast_in_dim3A_54 : vector<8000x1xf32>
    %sub3A_55 = vector.broadcast %div3A_37 : vector<8000x1xf32> to vector<8000x128xf32>
    %sub3A_56 = arith.subf %add3A_28, %sub3A_55 : vector<8000x128xf32>
    %add3A_57 = arith.constant 9.99999974E-6 : f32
    %add3A_58 = vector.broadcast %add3A_57 : f32 to vector<8000x1xf32>
    %add3A_59 = arith.addf %select_n3A, %add3A_58 : vector<8000x1xf32>
    %sqrt3A = math.sqrt %add3A_59 : vector<8000x1xf32>
    %div3A_60 = vector.broadcast %sqrt3A : vector<8000x1xf32> to vector<8000x128xf32>
    %div3A_61 = arith.divf %sub3A_56, %div3A_60 : vector<8000x128xf32>
    %mul3A_62 = vector.broadcast %get3A_31 : vector<1x128xf32> to vector<8000x128xf32>
    %mul3A_63 = arith.mulf %div3A_61, %mul3A_62 : vector<8000x128xf32>
    %add3A_64 = vector.broadcast %get3A_34 : vector<1x128xf32> to vector<8000x128xf32>
    %add3A_65 = arith.addf %mul3A_63, %add3A_64 : vector<8000x128xf32>
    %swap3A = arith.constant 0 : index
    %swap3A_66 = arith.constant 0 : index
    %swap3A_67 = vector.load %arg9[%swap3A, %swap3A_66] : memref<8000x128xf32, #tpu.memory_space<vmem>>, vector<8000x128xf32>
    tpu.vector_store %arg9[%swap3A, %swap3A_66], %add3A_65 {strides = array<i32>} : memref<8000x128xf32, #tpu.memory_space<vmem>>, vector<8000x128xf32>,
    return
  }
  func.func @transform_0(%arg0: i32) -> (i32, i32) {
    %c0_i32 = arith.constant 0 : i32
    %c0_i32_0 = arith.constant 0 : i32
    return %arg0, %c0_i32 : i32, i32
  }
  func.func @transform_1(%arg0: i32) -> (i32, i32) {
    %c0_i32 = arith.constant 0 : i32
    %c0_i32_0 = arith.constant 0 : i32
    return %arg0, %c0_i32 : i32, i32
  }
  func.func @transform_2(%arg0: i32) -> (i32, i32) {
    %c0_i32 = arith.constant 0 : i32
    %c0_i32_0 = arith.constant 0 : i32
    %c0_i32_1 = arith.constant 0 : i32
    return %c0_i32, %c0_i32_0 : i32, i32
  }
  func.func @transform_3(%arg0: i32) -> (i32, i32) {
    %c0_i32 = arith.constant 0 : i32
    %c0_i32_0 = arith.constant 0 : i32
    %c0_i32_1 = arith.constant 0 : i32
    return %c0_i32, %c0_i32_0 : i32, i32
  }
  func.func @transform_4(%arg0: i32) -> (i32, i32) {
    %c0_i32 = arith.constant 0 : i32
    %c0_i32_0 = arith.constant 0 : i32
    %c0_i32_1 = arith.constant 0 : i32
    return %c0_i32, %c0_i32_0 : i32, i32
  }
  func.func @transform_5(%arg0: i32) -> (i32, i32) {
    %c0_i32 = arith.constant 0 : i32
    %c0_i32_0 = arith.constant 0 : i32
    %c0_i32_1 = arith.constant 0 : i32
    return %c0_i32, %c0_i32_0 : i32, i32
  }
  func.func @transform_6(%arg0: i32) -> (i32, i32) {
    %c0_i32 = arith.constant 0 : i32
    %c0_i32_0 = arith.constant 0 : i32
    %c0_i32_1 = arith.constant 0 : i32
    return %c0_i32, %c0_i32_0 : i32, i32
  }
  func.func @transform_7(%arg0: i32) -> (i32, i32) {
    %c0_i32 = arith.constant 0 : i32
    %c0_i32_0 = arith.constant 0 : i32
    %c0_i32_1 = arith.constant 0 : i32
    return %c0_i32, %c0_i32_0 : i32, i32
  }
  func.func @transform_8(%arg0: i32) -> (i32, i32) {
    %c0_i32 = arith.constant 0 : i32
    %c0_i32_0 = arith.constant 0 : i32
    return %arg0, %c0_i32 : i32, i32
  }
}

module attributes {stable_mosaic.version = 14 : i64} {
  func.func @_dst_body(%arg0: i32, %arg1: memref<2000x128xf32, #tpu.memory_space<vmem>>, %arg2: memref<2000x128xf32, #tpu.memory_space<vmem>>, %arg3: memref<2000x128xf32, #tpu.memory_space<vmem>>, %arg4: memref<128x128xf32, #tpu.memory_space<vmem>>, %arg5: memref<128x128xf32, #tpu.memory_space<vmem>>, %arg6: memref<1x128xf32, #tpu.memory_space<vmem>>, %arg7: memref<128x128xf32, #tpu.memory_space<vmem>>, %arg8: memref<1x128xf32, #tpu.memory_space<vmem>>, %arg9: memref<1x128xf32, #tpu.memory_space<vmem>>, %arg10: memref<1x128xf32, #tpu.memory_space<vmem>>, %arg11: memref<2000x128xf32, #tpu.memory_space<vmem>>) attributes {dimension_semantics = [#tpu.dimension_semantics<arbitrary>], iteration_bounds = array<i64: 5>, scalar_prefetch = 0 : i64, scratch_operands = 0 : i64, tpu.core_type = #tpu.core_type<tc>, window_params = [{transform_indices = @transform_0, window_bounds = array<i64: 2000, 128>}, {transform_indices = @transform_1, window_bounds = array<i64: 2000, 128>}, {transform_indices = @transform_2, window_bounds = array<i64: 2000, 128>}, {pipeline_mode = #tpu.pipeline_mode<synchronous>, transform_indices = @transform_3, window_bounds = array<i64: 128, 128>}, {pipeline_mode = #tpu.pipeline_mode<synchronous>, transform_indices = @transform_4, window_bounds = array<i64: 128, 128>}, {pipeline_mode = #tpu.pipeline_mode<synchronous>, transform_indices = @transform_5, window_bounds = array<i64: 1, 128>}, {pipeline_mode = #tpu.pipeline_mode<synchronous>, transform_indices = @transform_6, window_bounds = array<i64: 128, 128>}, {pipeline_mode = #tpu.pipeline_mode<synchronous>, transform_indices = @transform_7, window_bounds = array<i64: 1, 128>}, {pipeline_mode = #tpu.pipeline_mode<synchronous>, transform_indices = @transform_8, window_bounds = array<i64: 1, 128>}, {pipeline_mode = #tpu.pipeline_mode<synchronous>, transform_indices = @transform_9, window_bounds = array<i64: 1, 128>}, {transform_indices = @transform_10, window_bounds = array<i64: 2000, 128>}]} {
    %get3A = arith.constant 0 : index
    %get3A_0 = arith.constant 0 : index
    %get3A_1 = vector.load %arg1[%get3A, %get3A_0] : memref<2000x128xf32, #tpu.memory_space<vmem>>, vector<2000x128xf32>
    %get3A_2 = arith.constant 0 : index
    %get3A_3 = arith.constant 0 : index
    %get3A_4 = vector.load %arg2[%get3A_2, %get3A_3] : memref<2000x128xf32, #tpu.memory_space<vmem>>, vector<2000x128xf32>
    %add3A = arith.addf %get3A_1, %get3A_4 : vector<2000x128xf32>
    %get3A_5 = arith.constant 0 : index
    %get3A_6 = arith.constant 0 : index
    %get3A_7 = vector.load %arg3[%get3A_5, %get3A_6] : memref<2000x128xf32, #tpu.memory_space<vmem>>, vector<2000x128xf32>
    %get3A_8 = arith.constant 0 : index
    %get3A_9 = arith.constant 0 : index
    %get3A_10 = vector.load %arg4[%get3A_8, %get3A_9] : memref<128x128xf32, #tpu.memory_space<vmem>>, vector<128x128xf32>
    %dot_general3A = arith.constant dense<0.000000e+00> : vector<2000x128xf32>
    %dot_general3A_11 = tpu.matmul %add3A, %get3A_10, %dot_general3A {dimension_numbers = #tpu.dot_dimension_numbers<[1], [0], [0], [1], [0, 0, 1, 1], [], []>, transpose_lhs_hint = false} : vector<2000x128xf32>, vector<128x128xf32>, vector<2000x128xf32> -> vector<2000x128xf32>
    %get3A_12 = arith.constant 0 : index
    %get3A_13 = arith.constant 0 : index
    %get3A_14 = vector.load %arg5[%get3A_12, %get3A_13] : memref<128x128xf32, #tpu.memory_space<vmem>>, vector<128x128xf32>
    %dot_general3A_15 = arith.constant dense<0.000000e+00> : vector<2000x128xf32>
    %dot_general3A_16 = tpu.matmul %get3A_7, %get3A_14, %dot_general3A_15 {dimension_numbers = #tpu.dot_dimension_numbers<[1], [0], [0], [1], [0, 0, 1, 1], [], []>, transpose_lhs_hint = false} : vector<2000x128xf32>, vector<128x128xf32>, vector<2000x128xf32> -> vector<2000x128xf32>
    %add3A_17 = arith.addf %dot_general3A_11, %dot_general3A_16 : vector<2000x128xf32>
    %get3A_18 = arith.constant 0 : index
    %get3A_19 = arith.constant 0 : index
    %get3A_20 = vector.load %arg6[%get3A_18, %get3A_19] : memref<1x128xf32, #tpu.memory_space<vmem>>, vector<1x128xf32>
    %add3A_21 = vector.broadcast %get3A_20 : vector<1x128xf32> to vector<2000x128xf32>
    %add3A_22 = arith.addf %add3A_17, %add3A_21 : vector<2000x128xf32>
    %logistic3A = arith.negf %add3A_22 : vector<2000x128xf32>
    %logistic3A_23 = math.exp %logistic3A : vector<2000x128xf32>
    %logistic3A_24 = arith.constant 1.000000e+00 : f32
    %logistic3A_25 = vector.broadcast %logistic3A_24 : f32 to vector<2000x128xf32>
    %logistic3A_26 = arith.addf %logistic3A_25, %logistic3A_23 : vector<2000x128xf32>
    %logistic3A_27 = arith.divf %logistic3A_25, %logistic3A_26 : vector<2000x128xf32>
    %mul3A = arith.mulf %add3A_22, %logistic3A_27 : vector<2000x128xf32>
    %get3A_28 = arith.constant 0 : index
    %get3A_29 = arith.constant 0 : index
    %get3A_30 = vector.load %arg7[%get3A_28, %get3A_29] : memref<128x128xf32, #tpu.memory_space<vmem>>, vector<128x128xf32>
    %dot_general3A_31 = arith.constant dense<0.000000e+00> : vector<2000x128xf32>
    %dot_general3A_32 = tpu.matmul %mul3A, %get3A_30, %dot_general3A_31 {dimension_numbers = #tpu.dot_dimension_numbers<[1], [0], [0], [1], [0, 0, 1, 1], [], []>, transpose_lhs_hint = false} : vector<2000x128xf32>, vector<128x128xf32>, vector<2000x128xf32> -> vector<2000x128xf32>
    %get3A_33 = arith.constant 0 : index
    %get3A_34 = arith.constant 0 : index
    %get3A_35 = vector.load %arg8[%get3A_33, %get3A_34] : memref<1x128xf32, #tpu.memory_space<vmem>>, vector<1x128xf32>
    %add3A_36 = vector.broadcast %get3A_35 : vector<1x128xf32> to vector<2000x128xf32>
    %add3A_37 = arith.addf %dot_general3A_32, %add3A_36 : vector<2000x128xf32>
    %get3A_38 = arith.constant 0 : index
    %get3A_39 = arith.constant 0 : index
    %get3A_40 = vector.load %arg9[%get3A_38, %get3A_39] : memref<1x128xf32, #tpu.memory_space<vmem>>, vector<1x128xf32>
    %get3A_41 = arith.constant 0 : index
    %get3A_42 = arith.constant 0 : index
    %get3A_43 = vector.load %arg10[%get3A_41, %get3A_42] : memref<1x128xf32, #tpu.memory_space<vmem>>, vector<1x128xf32>
    %reduce_sum3A = arith.constant dense<0.000000e+00> : vector<2000xf32>
    %reduce_sum3A_44 = vector.multi_reduction <add>, %add3A_37, %reduce_sum3A [1] : vector<2000x128xf32> to vector<2000xf32>
    %broadcast_in_dim3A = vector.shape_cast %reduce_sum3A_44 : vector<2000xf32> to vector<2000x1xf32>
    %div3A = arith.constant 1.280000e+02 : f32
    %div3A_45 = vector.broadcast %div3A : f32 to vector<2000x1xf32>
    %div3A_46 = arith.divf %broadcast_in_dim3A, %div3A_45 : vector<2000x1xf32>
    %jit3A = arith.constant 0 : i32
    %reduce_sum3A_47 = arith.constant dense<0.000000e+00> : vector<2000xf32>
    %reduce_sum3A_48 = vector.multi_reduction <add>, %add3A_37, %reduce_sum3A_47 [1] : vector<2000x128xf32> to vector<2000xf32>
    %broadcast_in_dim3A_49 = vector.shape_cast %reduce_sum3A_48 : vector<2000xf32> to vector<2000x1xf32>
    %div3A_50 = arith.constant 1.280000e+02 : f32
    %div3A_51 = vector.broadcast %div3A_50 : f32 to vector<2000x1xf32>
    %div3A_52 = arith.divf %broadcast_in_dim3A_49, %div3A_51 : vector<2000x1xf32>
    %sub3A = vector.broadcast %div3A_52 : vector<2000x1xf32> to vector<2000x128xf32>
    %sub3A_53 = arith.subf %add3A_37, %sub3A : vector<2000x128xf32>
    %square3A = arith.mulf %sub3A_53, %sub3A_53 : vector<2000x128xf32>
    %convert_element_type3A = arith.sitofp %jit3A : i32 to f32
    %sub3A_54 = arith.constant 1.280000e+02 : f32
    %sub3A_55 = arith.subf %sub3A_54, %convert_element_type3A : f32
    %reduce_sum3A_56 = arith.constant dense<0.000000e+00> : vector<2000xf32>
    %reduce_sum3A_57 = vector.multi_reduction <add>, %square3A, %reduce_sum3A_56 [1] : vector<2000x128xf32> to vector<2000xf32>
    %broadcast_in_dim3A_58 = vector.shape_cast %reduce_sum3A_57 : vector<2000xf32> to vector<2000x1xf32>
    %div3A_59 = vector.broadcast %sub3A_55 : f32 to vector<2000x1xf32>
    %div3A_60 = arith.divf %broadcast_in_dim3A_58, %div3A_59 : vector<2000x1xf32>
    %gt3A = arith.constant 0.000000e+00 : f32
    %gt3A_61 = arith.cmpf ogt, %sub3A_55, %gt3A : f32
    %jit3A_62 = arith.constant 0x7FC00000 : f32
    %broadcast_in_dim3A_63 = vector.broadcast %jit3A_62 : f32 to vector<2000x1xf32>
    %select_n3A = arith.select %gt3A_61, %div3A_60, %broadcast_in_dim3A_63 : vector<2000x1xf32>
    %sub3A_64 = vector.broadcast %div3A_46 : vector<2000x1xf32> to vector<2000x128xf32>
    %sub3A_65 = arith.subf %add3A_37, %sub3A_64 : vector<2000x128xf32>
    %add3A_66 = arith.constant 9.99999974E-6 : f32
    %add3A_67 = vector.broadcast %add3A_66 : f32 to vector<2000x1xf32>
    %add3A_68 = arith.addf %select_n3A, %add3A_67 : vector<2000x1xf32>
    %sqrt3A = math.sqrt %add3A_68 : vector<2000x1xf32>
    %div3A_69 = vector.broadcast %sqrt3A : vector<2000x1xf32> to vector<2000x128xf32>
    %div3A_70 = arith.divf %sub3A_65, %div3A_69 : vector<2000x128xf32>
    %mul3A_71 = vector.broadcast %get3A_40 : vector<1x128xf32> to vector<2000x128xf32>
    %mul3A_72 = arith.mulf %div3A_70, %mul3A_71 : vector<2000x128xf32>
    %add3A_73 = vector.broadcast %get3A_43 : vector<1x128xf32> to vector<2000x128xf32>
    %add3A_74 = arith.addf %mul3A_72, %add3A_73 : vector<2000x128xf32>
    %add3A_75 = arith.addf %get3A_7, %add3A_74 : vector<2000x128xf32>
    %swap3A = arith.constant 0 : index
    %swap3A_76 = arith.constant 0 : index
    %swap3A_77 = vector.load %arg11[%swap3A, %swap3A_76] : memref<2000x128xf32, #tpu.memory_space<vmem>>, vector<2000x128xf32>
    tpu.vector_store %arg11[%swap3A, %swap3A_76], %add3A_75 {strides = array<i32>} : memref<2000x128xf32, #tpu.memory_space<vmem>>, vector<2000x128xf32>,
    return
  }
  func.func @transform_0(%arg0: i32) -> (i32, i32) {
    %c0_i32 = arith.constant 0 : i32
    %c0_i32_0 = arith.constant 0 : i32
    return %arg0, %c0_i32 : i32, i32
  }
  func.func @transform_1(%arg0: i32) -> (i32, i32) {
    %c0_i32 = arith.constant 0 : i32
    %c0_i32_0 = arith.constant 0 : i32
    return %arg0, %c0_i32 : i32, i32
  }
  func.func @transform_2(%arg0: i32) -> (i32, i32) {
    %c0_i32 = arith.constant 0 : i32
    %c0_i32_0 = arith.constant 0 : i32
    return %arg0, %c0_i32 : i32, i32
  }
  func.func @transform_3(%arg0: i32) -> (i32, i32) {
    %c0_i32 = arith.constant 0 : i32
    %c0_i32_0 = arith.constant 0 : i32
    %c0_i32_1 = arith.constant 0 : i32
    return %c0_i32, %c0_i32_0 : i32, i32
  }
  func.func @transform_4(%arg0: i32) -> (i32, i32) {
    %c0_i32 = arith.constant 0 : i32
    %c0_i32_0 = arith.constant 0 : i32
    %c0_i32_1 = arith.constant 0 : i32
    return %c0_i32, %c0_i32_0 : i32, i32
  }
  func.func @transform_5(%arg0: i32) -> (i32, i32) {
    %c0_i32 = arith.constant 0 : i32
    %c0_i32_0 = arith.constant 0 : i32
    %c0_i32_1 = arith.constant 0 : i32
    return %c0_i32, %c0_i32_0 : i32, i32
  }
  func.func @transform_6(%arg0: i32) -> (i32, i32) {
    %c0_i32 = arith.constant 0 : i32
    %c0_i32_0 = arith.constant 0 : i32
    %c0_i32_1 = arith.constant 0 : i32
    return %c0_i32, %c0_i32_0 : i32, i32
  }
  func.func @transform_7(%arg0: i32) -> (i32, i32) {
    %c0_i32 = arith.constant 0 : i32
    %c0_i32_0 = arith.constant 0 : i32
    %c0_i32_1 = arith.constant 0 : i32
    return %c0_i32, %c0_i32_0 : i32, i32
  }
  func.func @transform_8(%arg0: i32) -> (i32, i32) {
    %c0_i32 = arith.constant 0 : i32
    %c0_i32_0 = arith.constant 0 : i32
    %c0_i32_1 = arith.constant 0 : i32
    return %c0_i32, %c0_i32_0 : i32, i32
  }
  func.func @transform_9(%arg0: i32) -> (i32, i32) {
    %c0_i32 = arith.constant 0 : i32
    %c0_i32_0 = arith.constant 0 : i32
    %c0_i32_1 = arith.constant 0 : i32
    return %c0_i32, %c0_i32_0 : i32, i32
  }
  func.func @transform_10(%arg0: i32) -> (i32, i32) {
    %c0_i32 = arith.constant 0 : i32
    %c0_i32_0 = arith.constant 0 : i32
    return %arg0, %c0_i32 : i32, i32
  }
}

</mosaic_0001>

<sc_bundles>
// kernel: kernel.11.cloned.1.call-start
scs
__scs_entry_jumppad:
0x0: {  	(pc) =	sbr.rel $0x88, $3  }
0x1: {  	(tag) =	ssettag $0x0;
	lr =	simm.s32 $0x1  }
0x2: {  	[smem:$0x3F8B] =	sst lr;
	_ =	strace $0xD0000000  }
0x3: {  	_ = 	snop  }
0x4: {  	_ = 	snop  }
0x5: {  	_ = 	snop  }
0x6: {  	_ = 	snop  }
0x7: {  	_ = 	snop  }
__scs_overlays_trampoline_lowered:
0x8: {  	[smem:$0x3F9A] =	sst s0  }
0x9: {  	[smem:$0x3F9B] =	sst s1  }
0xa: {  	[smem:$0x3F9C] =	sst s2  }
0xb: {  	[smem:$0x3F9D] =	sst s3  }
0xc: {  	[smem:$0x3F9E] =	sst s4  }
0xd: {  	[smem:$0x3F9F] =	sst s5  }
0xe: {  	[smem:$0x3FA0] =	sst s6  }
0xf: {  	[smem:$0x3FA1] =	sst s7  }
0x10: {  	[smem:$0x3FA2] =	sst s8  }
0x11: {  	[smem:$0x3FA3] =	sst s9;
	s0 =	simm.s32 @!p0 $0x0  }
0x12: {  	s1 =	sld [smem:$0x3F89];
	s0 =	simm.s32 @p0 $0x1  }
0x13: {  	[smem:$0x3FA4] =	sst s0;
	s0 =	simm.s32 @!p1 $0x0  }
0x14: {  	s2 =	sld [smem:$0x3F88];
	s0 =	simm.s32 @p1 $0x1  }
0x15: {  	[smem:$0x3FA5] =	sst s0;
	s0 =	simm.s32 @!p2 $0x0  }
0x16: {  	s3 =	sld [smem:$0x3FDB];
	s0 =	simm.s32 @p2 $0x1  }
0x17: {  	s4 =	simm.s32 $0x1BF5;
	[smem:$0x3FA7] =	sst s0  }
0x18: {  	s0 =	sld [smem:$0x3F8A];
	_ =	swait.ge [sflag:s4], $0x0  }
0x19: {  	s7 =	sld [smem:$0x3F8B]  }
0x1a: {  	s8 =	sadd.s32 $0xFFFFE003, lr  }
0x1b: {  	s9 =	sadd.s32 $0xFFFFFEF7, lr;
	s5 =	simm.s32 $0xFFFFFFFF;
	p2 =	slt.u32 s8, $0xFFFFF086  }
0x1c: {  	p1 =	slt.u32 s9, $0xF7A;
	s5 =	simm.s32 @!p2 $0x0  }
0x1d: {  	s5 =	simm.s32 @p1 $0x1;
	p0 =	seq.s32 s7, s2  }
0x1e: {  	s7 =	smul.u32 @!p0 $0xF7A, s2;
	p2 =	seq.s32 @!p0 s5, $0x0  }
0x1f: {  	s9 =	smul.u32 $0xF7A, s1;
	s8 =	simm.s32 @!p0 $0x1BF5;
	p2 =	por !p2, p0  }
0x20: {  	[sflag:s8] =	ssyncset.s32 @!p0 $0xFFFFF086;
	s6 =	sadd.s32 @!p0 s3, s7;
	s7 =	simm.s32 @!p0 $0x108  }
0x21: {  	s3 =	sadd.s32 s3, s9;
	s6 =	sadd.s32 @!p0 $0x88, s6;
	s7 =	simm.s32 @p2 $0x1082  }
0x22: {  	[simem:s7], [sflag:s8] =	dma.local @!p0 [hbm:s6], $0xF7A  }
0x23: {  	s9 =	sor.u32 $0xD0000000, s2;
	s6 =	simm.s32 $0x108;
	_ =	swait.ge @!p0 [sflag:s8], $0x0  }
0x24: {  	s3 =	sadd.s32 $0x88, s3;
	s6 =	simm.s32 @!p1 $0x1082;
	[sflag:s4] =	ssyncset.s32 $0xFFFFF086  }
0x25: {  	[simem:s6], [sflag:s4] =	dma.local [hbm:s3], $0xF7A  }
0x26: {  	[smem:$0x3F8B] =	sst s1;
	(tag) =	ssettag s2;
	_ =	strace s9  }
0x27: {  	s1 =	sld [smem:$0x3F9B]  }
0x28: {  	s2 =	sld [smem:$0x3F9C]  }
0x29: {  	s4 =	sld [smem:$0x3F9E]  }
0x2a: {  	p0 =	seq.s32 s5, $0x0;
	s5 =	sld [smem:$0x3F9F]  }
0x2b: {  	s6 =	sld [smem:$0x3FA0]  }
0x2c: {  	s7 =	sld [smem:$0x3FA1]  }
0x2d: {  	s3 =	simm.s32 $0x108;
	s8 =	sld [smem:$0x3FA2]  }
0x2e: {  	s3 =	simm.s32 @!p0 $0x1082;
	s9 =	sld [smem:$0x3FA3]  }
0x2f: {  	lr =	sadd.s32 s0, s3;
	s0 =	sld [smem:$0x3F9A]  }
0x30: {  	s3 =	sld [smem:$0x3F9D]  }
0x31: {  	[smem:$0x3FA6] =	sst s10  }
0x32: {  	s10 =	sld [smem:$0x3FA4];
	_ =	sdelay $0x3  }
0x33: {  	p0 =	seq.s32 s10, $0x1;
	s10 =	sld [smem:$0x3FA6];
	_ =	sdelay $0x3  }
0x34: {  	[smem:$0x3FA6] =	sst s10  }
0x35: {  	s10 =	sld [smem:$0x3FA5];
	_ =	sdelay $0x3  }
0x36: {  	p1 =	seq.s32 s10, $0x1;
	s10 =	sld [smem:$0x3FA6];
	_ =	sdelay $0x3  }
0x37: {  	[smem:$0x3FA6] =	sst s10  }
0x38: {  	s10 =	sld [smem:$0x3FA7]  }
0x39: {  	_ = 	snop;
	(pc) =	sbr.ind lr, $3  }
0x3a: {  	_ = 	snop  }
0x3b: {  	_ = 	snop  }
0x3c: {  	p2 =	seq.s32 s10, $0x1;
	s10 =	sld [smem:$0x3FA6]  }
0x3d: {  	_ =	shalt  }
0x3e: {  	_ =	shalt  }
0x3f: {  	_ =	shalt  }
0x40: {  	_ =	shalt  }
0x41: {  	_ =	shalt  }
0x42: {  	_ =	shalt  }
0x43: {  	_ =	shalt  }
0x44: {  	_ =	shalt  }
0x45: {  	_ =	shalt  }
0x46: {  	_ =	shalt  }
0x47: {  	_ =	shalt  }
0x48: {  	_ =	shalt  }
0x49: {  	_ =	shalt  }
0x4a: {  	_ =	shalt  }
0x4b: {  	_ =	shalt  }
0x4c: {  	_ =	shalt  }
0x4d: {  	_ =	shalt  }
0x4e: {  	_ =	shalt  }
0x4f: {  	_ =	shalt  }
0x50: {  	_ =	shalt  }
0x51: {  	_ =	shalt  }
0x52: {  	_ =	shalt  }
0x53: {  	_ =	shalt  }
0x54: {  	_ =	shalt  }
0x55: {  	_ =	shalt  }
0x56: {  	_ =	shalt  }
0x57: {  	_ =	shalt  }
0x58: {  	_ =	shalt  }
0x59: {  	_ =	shalt  }
0x5a: {  	_ =	shalt  }
0x5b: {  	_ =	shalt  }
0x5c: {  	_ =	shalt  }
0x5d: {  	_ =	shalt  }
0x5e: {  	_ =	shalt  }
0x5f: {  	_ =	shalt  }
0x60: {  	_ =	shalt  }
0x61: {  	_ =	shalt  }
0x62: {  	_ =	shalt  }
0x63: {  	_ =	shalt  }
0x64: {  	_ =	shalt  }
0x65: {  	_ =	shalt  }
0x66: {  	_ =	shalt  }
0x67: {  	_ =	shalt  }
0x68: {  	_ =	shalt  }
0x69: {  	_ =	shalt  }
0x6a: {  	_ =	shalt  }
0x6b: {  	_ =	shalt  }
0x6c: {  	_ =	shalt  }
0x6d: {  	_ =	shalt  }
0x6e: {  	_ =	shalt  }
0x6f: {  	_ =	shalt  }
0x70: {  	_ =	shalt  }
0x71: {  	_ =	shalt  }
0x72: {  	_ =	shalt  }
0x73: {  	_ =	shalt  }
0x74: {  	_ =	shalt  }
0x75: {  	_ =	shalt  }
0x76: {  	_ =	shalt  }
0x77: {  	_ =	shalt  }
0x78: {  	_ =	shalt  }
0x79: {  	_ =	shalt  }
0x7a: {  	_ =	shalt  }
0x7b: {  	_ =	shalt  }
0x7c: {  	_ =	shalt  }
0x7d: {  	_ =	shalt  }
0x7e: {  	_ =	shalt  }
0x7f: {  	_ =	shalt  }
0x80: {  	_ =	shalt  }
0x81: {  	_ =	shalt  }
0x82: {  	_ =	shalt  }
0x83: {  	_ =	shalt  }
0x84: {  	_ =	shalt  }
0x85: {  	_ =	shalt  }
0x86: {  	_ =	shalt  }
0x87: {  	_ =	shalt  }
.Lfunc_end0:
.L_simem_size_0:
called_computation.1_lowered:
.L_overlay_start_0:
0x88: {  	s2 =	sld [smem:$0x3FD9]  }
0x89: {  	s3 =	sld [smem:$0x3FFE];
	_ =	sdelay $0x1  }
0x8a: {  	s1 =	srdreg.scid  }
0x8b: {  	s0 =	sand.u32 $0x1, s1  }
0x8c: {  	s14 =	sshll.u32 s0, $0xA;
	s2 =	sadd.s32 s3, s2  }
0x8d: {  	s2 =	sadd.s32 s2, s14  }
0x8e: {  	[smem:$0x3FB2] =	sst s2  }
0x8f: {  	_ = 	snop  }
0x90: {  	s2 =	sld [smem:$0x3FD0];
	_ =	sdelay $0x2  }
0x91: {  	s15 =	simm.s32 $0xA;
	s4 =	simm.s32 $0x10  }
0x92: {  	[smem:s4], [sflag:s15] =	dma.local [hbm:s2], $0x1  }
0x93: {  	_ =	swait.eq [sflag:s15], $0x1  }
0x94: {  	[sflag:s15] =	ssyncset.done $0x0  }
0x95: {  	[sflag:s15] =	ssyncadd.s32 $0xFFFFFFFF  }
0x96: {  	s16 =	sld [smem:$0x11];
	(tm) =	ssettm $0x1  }
0x97: {  	s17 =	sld [smem:$0x3FFB];
	_ =	sdelay $0x3  }
0x98: {  	_ =	strace s17  }
0x99: {  	s3 =	sld [smem:$0x3FFC];
	_ =	sdelay $0x3  }
0x9a: {  	_ =	strace s3  }
0x9b: {  	s3 =	sld [smem:$0x3FFD];
	_ =	sdelay $0x3  }
0x9c: {  	_ =	strace s3  }
0x9d: {  	_ =	strace $0x8FFFFFFF  }
0x9e: {  	s18 =	sld [smem:$0x3FDB];
	_ =	sdelay $0x1  }
0x9f: {  	s19 =	simm.s32 $_scs_section_size  }
0xa0: {  	s5 =	simm.s32 $_size__tile_overlayer_lowered;
	s6 =	simm.s32 $_tile_overlayer_lowered  }
0xa1: {  	s22 =	simm.s32 $0x1BFF;
	s21 =	sshll.u32 s6, $0x1;
	s3 =	sadd.s32 s19, s18  }
0xa2: {  	s7 =	simm.s32 $0x0;
	s20 =	sshll.u32 s5, $0x1;
	s5 =	sadd.s32 s21, s3  }
0xa3: {  	[timem:s7], [sflag:s22] =	dma.local [hbm:s5], s20  }
0xa4: {  	_ =	swait.ge [sflag:s22], s20  }
0xa5: {  	s4 =	ssub.s32 $0x0, s20;
	[sflag:s22] =	ssyncset.done $0x0  }
0xa6: {  	[sflag:s22] =	ssyncadd.s32 s4;
	_ =	sdelay $0x1  }
0xa7: {  	s23 =	simm.s32 $0x1B8B  }
0xa8: {  	_ =	swait.ge [sflag:s23], $0x1  }
0xa9: {  	[sflag:s23] =	ssyncset.done $0x0  }
0xaa: {  	s25 =	simm.s32 $0x1B8E;
	s24 =	sld [smem:$0x3FFE];
	[sflag:s23] =	ssyncadd.s32 $0xFFFFFFFF  }
0xab: {  	s26 =	simm.s32 $execute0_lowered;
	[smem:$0x3FD2] =	sst s25  }
0xac: {  	s5 =	sshll.u32 s26, $0x1;
	_ =	strace $0x80000049;
	[dreg:$0x1] =	wrdreg $0xFFFFFFFF  }
0xad: {  	s28 =	simm.s32 $_size_execute0_lowered;
	s3 =	sadd.s32 s3, s5;
	[dreg:$0x0] =	wrdreg $0x0  }
0xae: {  	s5 =	sshll.u32 s28, $0x1;
	[dreg:$0x2] =	wrdreg s3  }
0xaf: {  	[dreg:$0x3] =	wrdreg s5  }
0xb0: {  	[dreg:$0x4] =	wrdreg $0xC0  }
0xb1: {  	_ =	task [dreg:s7], $0x5FFFF  }
0xb2: {  	[dreg:$0x1] =	wrdreg $0xFFFFFFFF  }
0xb3: {  	[dreg:$0x0] =	wrdreg $0x60  }
0xb4: {  	[dreg:$0x2] =	wrdreg s24  }
0xb5: {  	[dreg:$0x3] =	wrdreg s16  }
0xb6: {  	[dreg:$0x4] =	wrdreg $0xB8000  }
0xb7: {  	[dreg:$0x5] =	wrdreg $0x9  }
0xb8: {  	_ =	task.clear_ibuf [dreg:s7], $0x6FFFF;
	_ =	strace $0x90000049  }
0xb9: {  	s29 =	simm.s32 $0x9;
	_ =	strace $0x8000004B  }
0xba: {  	_ =	swait.ge [sflag:s29], $0x1  }
0xbb: {  	[sflag:s29] =	ssyncadd.s32 $0xFFFFFFFF  }
0xbc: {  	_ =	strace $0x9000004B  }
0xbd: {  	_ =	sfence  }
0xbe: {  	s30 =	sld [smem:$0x0];
	_ =	sdelay $0x2  }
0xbf: {  	s31 =	sshll.u32 s1, $0xD;
	s1 =	sshrl.u32 s1, $0x2  }
0xc0: {  	s3 =	sand.u32 $0x4000, s31;
	s1 =	sadd.s32 s1, s30  }
0xc1: {  	s0 =	sor.u32 s3, s0;
	s1 =	sshll.u32 s1, $0x11  }
0xc2: {  	s0 =	sor.u32 s1, s0  }
0xc3: {  	s0 =	sadd.s32 $0x8F2B, s0  }
0xc4: {  	[sflag:s0] =	ssyncadd.remote.s32 $0x1  }
0xc5: {  	_ =	sfence.sel $0xFFFF  }
0xc6: {  	[dreg:$0x0] =	wrdreg $0xFFFFFFFF;
	(pc) =	sbr.abs _section_cstart, $3  }
0xc7: {  	[dreg:$0x1] =	wrdreg $0xFFFFFFFF  }
0xc8: {  	_ =	task.clear_ibuf [dreg:s7], $0x2FFFF;
	_ =	strace $0x9FFFFFFF  }
0xc9: {  	(tm) =	ssettm $0x7FFFFFFF  }
tec
execute0_lowered:
.L_overlay_start_1:
0x0: {  	(tag) =	ssettag $0x1  }
0x1: {  	s4 =	rddreg [dreg:$0x0]  }
0x2: {  	s1 =	rddreg [dreg:$0x1]  }
0x3: {  	s2 =	rddreg [dreg:$0x2]  }
0x4: {  	s0 =	rddreg [dreg:$0x3];
	s3 =	simm.s32 $0x0;
	s5 =	srdreg.scid  }
0x5: {  	s10 =	stileid.u32;
	s15 =	simm.s32 $0x9000;
	s16 =	simm.s32 $0x50  }
0x6: {  	s17 =	simm.s32 $0x2;
	s18 =	simm.s32 $0x3;
	s19 =	simm.s32 $0x3D80  }
0x7: {  	s20 =	simm.s32 $0x3E00;
	s21 =	simm.s32 $0x0;
	[smem:$0x7FF] =	sst s3  }
0x8: {  	s5 =	sand.u32 $0x1, s5;
	s6 =	sshll.u32 s10, $0x1;
	s8 =	sadd.s32 $0x68CA00, s4  }
0x9: {  	s14 =	smul.u32 $0x4E200, s10;
	p0 =	sne.s32 s10, $0x0;
	s10 =	simm.s32 $0x4  }
0xa: {  	_ =	strace $0x8000004A;
	s6 =	sor.u32 s5, s6;
	s9 =	smul.u32 $0x27100, s5  }
0xb: {  	s5 =	ssub.s32 $0x2, s5;
	s7 =	sshll.u32 s6, $0xB;
	s11 =	smul.u32 $0x138800, s6  }
0xc: {  	s29 =	sshrl.u32 s5, $0x1;
	s6 =	smul.u32 $0x27100, s6;
	s31 =	sadd.s32 s14, s8  }
0xd: {  	s14 =	simm.s32 $0x1;
	s7 =	sadd.s32 s7, s4;
	s12 =	sadd.s32 s9, s4  }
0xe: {  	s13 =	ssub.s32 s5, s29;
	s9 =	sadd.s32 s9, s31;
	s11 =	sshrl.u32 s11, $0x3  }
0xf: {  	s4 =	sadd.s32 $0x14000, s7;
	s5 =	sadd.s32 s8, s6;
	s7 =	sadd.s32 $0x24000, s12  }
0x10: {  	s12 =	simm.s32 $0x4000;
	s30 =	sadd.s32 s8, s11;
	s8 =	smax.u32 s13, $0x1  }
0x11: {  	s11 =	sshrl.u32 @!p0 s2, $0x3;
	s13 =	simm.s32 $0x6800;
	s6 =	sadd.s32 $0x500, s30  }
.LBB2_1:
0x12: {  	[tilespmem:s3], [sflag:$0x4] =	stream.linear.gather [hbm4b:s4+s3], $0x3E80, $0x38;
	[tilespmem:$0x1F080] =	vst v63  }
0x13: {  	_ =	swait.ge [sflag:s10], $0x3E80  }
0x14: {  	[sflag:s10] =	ssyncset.done $0x0  }
0x15: {  	s22 =	simm.s32 @!p0 $0x1C04;
	[sflag:s10] =	ssyncadd.s32 $0xFFFFC180  }
0x16: {  	[spmem:s11], [sflag:s22] =	dma.local @!p0 [hbm:s1], $0x27100  }
0x17: {  	s22 =	simm.s32 @!p0 $0x4  }
0x18: {  	_ =	swait.ge @!p0 [sflag:s22], $0x27100  }
0x19: {  	[sflag:s22] =	ssyncset.done @!p0 $0x0  }
0x1a: {  	[sflag:s22] =	ssyncadd.s32 @!p0 $0xFFFD8F00  }
0x1b: {  	[bflag:$0x0] =	sbarrier.arrive $0xFFFF  }
0x1c: {  	[tilespmem:s12], [sflag:$0x1] =	stream.linear.gather [hbm4b:s5+s3], $0x2800, $0x38;
	[tilespmem:$0x1F080] =	vst v63  }
0x1d: {  	_ = 	snop  }
0x1e: {  	[tilespmem:s13], [sflag:$0x2] =	stream.linear.gather [hbm4b:s6+s3], $0x2800, $0x38;
	[tilespmem:$0x1F080] =	vst v63  }
0x1f: {  	_ =	swait.ge [sflag:s14], $0x2800  }
0x20: {  	s23 =	sadd.s32 $0x0, s9;
	[sflag:s14] =	ssyncset.done $0x0  }
0x21: {  	s28 =	sadd.s32 $0xA00, s23;
	[sflag:s14] =	ssyncadd.s32 $0xFFFFD800  }
0x22: {  	[tilespmem:s15], [sflag:$0x3] =	stream.linear.gather [hbm4b:s28+s3], $0x2800, $0x38;
	[tilespmem:$0x1F080] =	vst v63  }
0x23: {  	s29 =	simm.s32 $0x0  }
0x24: {  	[spmem:s2] =	stream.indirect.scatter.add.f32 [tilespmem:s12], [sflag:$0x4], $0x80, s29, s16, $0xb8;
	[tilespmem:$0x1F080] =	vst v63  }
0x25: {  	_ =	swait.ge [sflag:s10], $0x2800  }
0x26: {  	[sflag:s10] =	ssyncset.done $0x0  }
0x27: {  	[sflag:s10] =	ssyncadd.s32 $0xFFFFD800  }
0x28: {  	_ =	swait.ge [sflag:s17], $0x2800  }
0x29: {  	[sflag:s17] =	ssyncset.done $0x0  }
0x2a: {  	s30 =	sadd.s32 $0xF00, s23;
	[sflag:s17] =	ssyncadd.s32 $0xFFFFD800  }
0x2b: {  	[tilespmem:s12], [sflag:$0x1] =	stream.linear.gather [hbm4b:s30+s3], $0x2800, $0x38;
	[tilespmem:$0x1F080] =	vst v63  }
0x2c: {  	s22 =	simm.s32 $0x80  }
0x2d: {  	[spmem:s2] =	stream.indirect.scatter.add.f32 [tilespmem:s13], [sflag:$0x4], $0x80, s22, s16, $0xb8;
	[tilespmem:$0x1F080] =	vst v63  }
0x2e: {  	_ =	swait.ge [sflag:s10], $0x2800  }
0x2f: {  	[sflag:s10] =	ssyncset.done $0x0  }
0x30: {  	[sflag:s10] =	ssyncadd.s32 $0xFFFFD800  }
0x31: {  	_ =	swait.ge [sflag:s18], $0x2800  }
0x32: {  	[sflag:s18] =	ssyncset.done $0x0  }
0x33: {  	s23 =	sadd.s32 $0x1400, s23;
	[sflag:s18] =	ssyncadd.s32 $0xFFFFD800  }
0x34: {  	[tilespmem:s13], [sflag:$0x2] =	stream.linear.gather [hbm4b:s23+s3], $0x2800, $0x38;
	[tilespmem:$0x1F080] =	vst v63  }
0x35: {  	s31 =	simm.s32 $0x100  }
0x36: {  	[spmem:s2] =	stream.indirect.scatter.add.f32 [tilespmem:s15], [sflag:$0x4], $0x80, s31, s16, $0xb8;
	[tilespmem:$0x1F080] =	vst v63  }
0x37: {  	_ =	swait.ge [sflag:s10], $0x2800  }
0x38: {  	s23 =	simm.s32 $0xF00;
	[sflag:s10] =	ssyncset.done $0x0  }
.LBB2_2:
0x39: {  	p1 =	sne.s32 s23, $0x25800;
	[sflag:s10] =	ssyncadd.s32 $0xFFFFD800;
	s22 =	sadd.s32 $0x180, s22  }
0x3a: {  	s24 =	smov.u32 s23;
	s23 =	sadd.s32 $0xF00, s23  }
0x3b: {  	_ =	swait.ge [sflag:s14], $0x2800  }
0x3c: {  	s24 =	sadd.s32 s24, s9;
	[sflag:s14] =	ssyncset.done $0x0  }
0x3d: {  	s25 =	sadd.s32 $0xA00, s24;
	[sflag:s14] =	ssyncadd.s32 $0xFFFFD800  }
0x3e: {  	[tilespmem:s15], [sflag:$0x3] =	stream.linear.gather [hbm4b:s25+s3], $0x2800, $0x38;
	[tilespmem:$0x1F080] =	vst v63  }
0x3f: {  	s25 =	sadd.s32 $0xFFFFFF80, s22  }
0x40: {  	[spmem:s2] =	stream.indirect.scatter.add.f32 [tilespmem:s12], [sflag:$0x4], $0x80, s25, s16, $0xb8;
	[tilespmem:$0x1F080] =	vst v63  }
0x41: {  	_ =	swait.ge [sflag:s10], $0x2800  }
0x42: {  	[sflag:s10] =	ssyncset.done $0x0  }
0x43: {  	[sflag:s10] =	ssyncadd.s32 $0xFFFFD800  }
0x44: {  	_ =	swait.ge [sflag:s17], $0x2800  }
0x45: {  	[sflag:s17] =	ssyncset.done $0x0  }
0x46: {  	s25 =	sadd.s32 $0xF00, s24;
	[sflag:s17] =	ssyncadd.s32 $0xFFFFD800  }
0x47: {  	[tilespmem:s12], [sflag:$0x1] =	stream.linear.gather [hbm4b:s25+s3], $0x2800, $0x38;
	[tilespmem:$0x1F080] =	vst v63  }
0x48: {  	_ = 	snop  }
0x49: {  	[spmem:s2] =	stream.indirect.scatter.add.f32 [tilespmem:s13], [sflag:$0x4], $0x80, s22, s16, $0xb8;
	[tilespmem:$0x1F080] =	vst v63  }
0x4a: {  	_ =	swait.ge [sflag:s10], $0x2800  }
0x4b: {  	[sflag:s10] =	ssyncset.done $0x0  }
0x4c: {  	[sflag:s10] =	ssyncadd.s32 $0xFFFFD800  }
0x4d: {  	_ =	swait.ge [sflag:s18], $0x2800  }
0x4e: {  	[sflag:s18] =	ssyncset.done $0x0  }
0x4f: {  	s24 =	sadd.s32 $0x1400, s24;
	[sflag:s18] =	ssyncadd.s32 $0xFFFFD800  }
0x50: {  	[tilespmem:s13], [sflag:$0x2] =	stream.linear.gather [hbm4b:s24+s3], $0x2800, $0x38;
	[tilespmem:$0x1F080] =	vst v63  }
.Ltmp0:
0x51: {  	_ = 	snop;
	(pc) =	sbr.rel @p1 .LBB2_2-.Ltmp0, $4  }
0x52: {  	s24 =	sadd.s32 $0x80, s22  }
0x53: {  	[spmem:s2] =	stream.indirect.scatter.add.f32 [tilespmem:s15], [sflag:$0x4], $0x80, s24, s16, $0xb8;
	[tilespmem:$0x1F080] =	vst v63  }
0x54: {  	_ =	swait.ge [sflag:s10], $0x2800  }
0x55: {  	[sflag:s10] =	ssyncset.done $0x0  }
0x56: {  	[sflag:s10] =	ssyncadd.s32 $0xFFFFD800  }
0x57: {  	_ =	swait.ge [sflag:s14], $0x2800  }
0x58: {  	[sflag:s14] =	ssyncset.done $0x0  }
0x59: {  	[sflag:s14] =	ssyncadd.s32 $0xFFFFD800  }
0x5a: {  	[spmem:s2] =	stream.indirect.scatter.add.f32 [tilespmem:s12], [sflag:$0x4], $0x80, s19, s16, $0xb8;
	[tilespmem:$0x1F080] =	vst v63  }
0x5b: {  	_ =	swait.ge [sflag:s10], $0x2800  }
0x5c: {  	[sflag:s10] =	ssyncset.done $0x0  }
0x5d: {  	[sflag:s10] =	ssyncadd.s32 $0xFFFFD800  }
0x5e: {  	_ =	swait.ge [sflag:s17], $0x2800  }
0x5f: {  	[sflag:s17] =	ssyncset.done $0x0  }
0x60: {  	[sflag:s17] =	ssyncadd.s32 $0xFFFFD800  }
0x61: {  	[spmem:s2] =	stream.indirect.scatter.add.f32 [tilespmem:s13], [sflag:$0x4], $0x80, s20, s16, $0xb8;
	[tilespmem:$0x1F080] =	vst v63  }
0x62: {  	_ =	swait.ge [sflag:s10], $0x2800  }
0x63: {  	[sflag:s10] =	ssyncset.done $0x0  }
0x64: {  	s21 =	sadd.s32 $0x1, s21;
	[sflag:s10] =	ssyncadd.s32 $0xFFFFD800  }
0x65: {  	s22 =	simm.s32 @!p0 $0x1C04;
	p1 =	sne.s32 s21, s8;
	[bflag:$0x0] =	sbarrier.arrive $0xFFFF  }
0x66: {  	[hbm:s7], [sflag:s22] =	dma.local @!p0 [spmem:s11], $0x27100  }
.Ltmp1:
0x67: {  	_ = 	snop;
	(pc) =	sbr.rel @p1 .LBB2_1-.Ltmp1, $4  }
0x68: {  	s22 =	simm.s32 @!p0 $0x4  }
0x69: {  	_ =	swait.ge @!p0 [sflag:s22], $0x27100  }
0x6a: {  	[sflag:s22] =	ssyncset.done @!p0 $0x0  }
0x6b: {  	[sflag:s22] =	ssyncadd.s32 @!p0 $0xFFFD8F00  }
0x6c: {  	_ =	sfence.sel $0x180000  }
0x6d: {  	[bflag:$0x0] =	sbarrier.arrive $0xFFFF  }
0x6e: {  	_ =	strace $0x9000004A  }
0x6f: {  	s0 =	sadd.s32 @!p0 $0x100000, s0;
	[bflag:$0x2] =	sbarrier.arrive $0xFFFF  }
0x70: {  	[sflag:s0] =	ssyncadd.tile.s32 @!p0 $0x1;
	_ =	shalt  }
.Lfunc_end2:
_tile_overlayer_lowered:
.L_overlay_start_2:
0x71: {  	(tag) =	ssettag $0x2  }
0x72: {  	s0 =	rddreg [dreg:$0x0];
	s2 =	stileid.u32  }
0x73: {  	s1 =	rddreg [dreg:$0x1];
	p0 =	sne.s32 s2, $0x0  }
0x74: {  	s3 =	rddreg [dreg:$0x2];
	[bflag:$0x3] =	sbarrier.arrive $0xFFFF;
	s2 =	simm.s32 @!p0 $0x1C04  }
0x75: {  	[timem:s3], [sflag:s2] =	dma.local @!p0 [hbm:s0], s1  }
0x76: {  	s0 =	simm.s32 @!p0 $0x4  }
0x77: {  	_ =	swait.ge @!p0 [sflag:s0], s1  }
0x78: {  	s1 =	ssub.s32 @!p0 $0x0, s1;
	[sflag:s0] =	ssyncset.done @!p0 $0x0  }
0x79: {  	[sflag:s0] =	ssyncadd.s32 @!p0 s1  }
0x7a: {  	[bflag:$0x3] =	sbarrier.arrive $0xFFFF  }
0x7b: {  	_ =	shalt  }

// kernel: kernel.8.cloned.1.call-start
scs
__scs_entry_jumppad:
0x0: {  	(pc) =	sbr.rel $0x88, $3  }
0x1: {  	(tag) =	ssettag $0x0;
	lr =	simm.s32 $0x1  }
0x2: {  	[smem:$0x3F8B] =	sst lr;
	_ =	strace $0xD0000000  }
0x3: {  	_ = 	snop  }
0x4: {  	_ = 	snop  }
0x5: {  	_ = 	snop  }
0x6: {  	_ = 	snop  }
0x7: {  	_ = 	snop  }
__scs_overlays_trampoline_lowered:
0x8: {  	[smem:$0x3F9A] =	sst s0  }
0x9: {  	[smem:$0x3F9B] =	sst s1  }
0xa: {  	[smem:$0x3F9C] =	sst s2  }
0xb: {  	[smem:$0x3F9D] =	sst s3  }
0xc: {  	[smem:$0x3F9E] =	sst s4  }
0xd: {  	[smem:$0x3F9F] =	sst s5  }
0xe: {  	[smem:$0x3FA0] =	sst s6  }
0xf: {  	[smem:$0x3FA1] =	sst s7  }
0x10: {  	[smem:$0x3FA2] =	sst s8  }
0x11: {  	[smem:$0x3FA3] =	sst s9;
	s0 =	simm.s32 @!p0 $0x0  }
0x12: {  	s1 =	sld [smem:$0x3F89];
	s0 =	simm.s32 @p0 $0x1  }
0x13: {  	[smem:$0x3FA4] =	sst s0;
	s0 =	simm.s32 @!p1 $0x0  }
0x14: {  	s2 =	sld [smem:$0x3F88];
	s0 =	simm.s32 @p1 $0x1  }
0x15: {  	[smem:$0x3FA5] =	sst s0;
	s0 =	simm.s32 @!p2 $0x0  }
0x16: {  	s3 =	sld [smem:$0x3FDB];
	s0 =	simm.s32 @p2 $0x1  }
0x17: {  	s4 =	simm.s32 $0x1BF5;
	[smem:$0x3FA7] =	sst s0  }
0x18: {  	s0 =	sld [smem:$0x3F8A];
	_ =	swait.ge [sflag:s4], $0x0  }
0x19: {  	s7 =	sld [smem:$0x3F8B]  }
0x1a: {  	s8 =	sadd.s32 $0xFFFFE003, lr  }
0x1b: {  	s9 =	sadd.s32 $0xFFFFFEF7, lr;
	s5 =	simm.s32 $0xFFFFFFFF;
	p2 =	slt.u32 s8, $0xFFFFF086  }
0x1c: {  	p1 =	slt.u32 s9, $0xF7A;
	s5 =	simm.s32 @!p2 $0x0  }
0x1d: {  	s5 =	simm.s32 @p1 $0x1;
	p0 =	seq.s32 s7, s2  }
0x1e: {  	s7 =	smul.u32 @!p0 $0xF7A, s2;
	p2 =	seq.s32 @!p0 s5, $0x0  }
0x1f: {  	s9 =	smul.u32 $0xF7A, s1;
	s8 =	simm.s32 @!p0 $0x1BF5;
	p2 =	por !p2, p0  }
0x20: {  	[sflag:s8] =	ssyncset.s32 @!p0 $0xFFFFF086;
	s6 =	sadd.s32 @!p0 s3, s7;
	s7 =	simm.s32 @!p0 $0x108  }
0x21: {  	s3 =	sadd.s32 s3, s9;
	s6 =	sadd.s32 @!p0 $0x88, s6;
	s7 =	simm.s32 @p2 $0x1082  }
0x22: {  	[simem:s7], [sflag:s8] =	dma.local @!p0 [hbm:s6], $0xF7A  }
0x23: {  	s9 =	sor.u32 $0xD0000000, s2;
	s6 =	simm.s32 $0x108;
	_ =	swait.ge @!p0 [sflag:s8], $0x0  }
0x24: {  	s3 =	sadd.s32 $0x88, s3;
	s6 =	simm.s32 @!p1 $0x1082;
	[sflag:s4] =	ssyncset.s32 $0xFFFFF086  }
0x25: {  	[simem:s6], [sflag:s4] =	dma.local [hbm:s3], $0xF7A  }
0x26: {  	[smem:$0x3F8B] =	sst s1;
	(tag) =	ssettag s2;
	_ =	strace s9  }
0x27: {  	s1 =	sld [smem:$0x3F9B]  }
0x28: {  	s2 =	sld [smem:$0x3F9C]  }
0x29: {  	s4 =	sld [smem:$0x3F9E]  }
0x2a: {  	p0 =	seq.s32 s5, $0x0;
	s5 =	sld [smem:$0x3F9F]  }
0x2b: {  	s6 =	sld [smem:$0x3FA0]  }
0x2c: {  	s7 =	sld [smem:$0x3FA1]  }
0x2d: {  	s3 =	simm.s32 $0x108;
	s8 =	sld [smem:$0x3FA2]  }
0x2e: {  	s3 =	simm.s32 @!p0 $0x1082;
	s9 =	sld [smem:$0x3FA3]  }
0x2f: {  	lr =	sadd.s32 s0, s3;
	s0 =	sld [smem:$0x3F9A]  }
0x30: {  	s3 =	sld [smem:$0x3F9D]  }
0x31: {  	[smem:$0x3FA6] =	sst s10  }
0x32: {  	s10 =	sld [smem:$0x3FA4];
	_ =	sdelay $0x3  }
0x33: {  	p0 =	seq.s32 s10, $0x1;
	s10 =	sld [smem:$0x3FA6];
	_ =	sdelay $0x3  }
0x34: {  	[smem:$0x3FA6] =	sst s10  }
0x35: {  	s10 =	sld [smem:$0x3FA5];
	_ =	sdelay $0x3  }
0x36: {  	p1 =	seq.s32 s10, $0x1;
	s10 =	sld [smem:$0x3FA6];
	_ =	sdelay $0x3  }
0x37: {  	[smem:$0x3FA6] =	sst s10  }
0x38: {  	s10 =	sld [smem:$0x3FA7]  }
0x39: {  	_ = 	snop;
	(pc) =	sbr.ind lr, $3  }
0x3a: {  	_ = 	snop  }
0x3b: {  	_ = 	snop  }
0x3c: {  	p2 =	seq.s32 s10, $0x1;
	s10 =	sld [smem:$0x3FA6]  }
0x3d: {  	_ =	shalt  }
0x3e: {  	_ =	shalt  }
0x3f: {  	_ =	shalt  }
0x40: {  	_ =	shalt  }
0x41: {  	_ =	shalt  }
0x42: {  	_ =	shalt  }
0x43: {  	_ =	shalt  }
0x44: {  	_ =	shalt  }
0x45: {  	_ =	shalt  }
0x46: {  	_ =	shalt  }
0x47: {  	_ =	shalt  }
0x48: {  	_ =	shalt  }
0x49: {  	_ =	shalt  }
0x4a: {  	_ =	shalt  }
0x4b: {  	_ =	shalt  }
0x4c: {  	_ =	shalt  }
0x4d: {  	_ =	shalt  }
0x4e: {  	_ =	shalt  }
0x4f: {  	_ =	shalt  }
0x50: {  	_ =	shalt  }
0x51: {  	_ =	shalt  }
0x52: {  	_ =	shalt  }
0x53: {  	_ =	shalt  }
0x54: {  	_ =	shalt  }
0x55: {  	_ =	shalt  }
0x56: {  	_ =	shalt  }
0x57: {  	_ =	shalt  }
0x58: {  	_ =	shalt  }
0x59: {  	_ =	shalt  }
0x5a: {  	_ =	shalt  }
0x5b: {  	_ =	shalt  }
0x5c: {  	_ =	shalt  }
0x5d: {  	_ =	shalt  }
0x5e: {  	_ =	shalt  }
0x5f: {  	_ =	shalt  }
0x60: {  	_ =	shalt  }
0x61: {  	_ =	shalt  }
0x62: {  	_ =	shalt  }
0x63: {  	_ =	shalt  }
0x64: {  	_ =	shalt  }
0x65: {  	_ =	shalt  }
0x66: {  	_ =	shalt  }
0x67: {  	_ =	shalt  }
0x68: {  	_ =	shalt  }
0x69: {  	_ =	shalt  }
0x6a: {  	_ =	shalt  }
0x6b: {  	_ =	shalt  }
0x6c: {  	_ =	shalt  }
0x6d: {  	_ =	shalt  }
0x6e: {  	_ =	shalt  }
0x6f: {  	_ =	shalt  }
0x70: {  	_ =	shalt  }
0x71: {  	_ =	shalt  }
0x72: {  	_ =	shalt  }
0x73: {  	_ =	shalt  }
0x74: {  	_ =	shalt  }
0x75: {  	_ =	shalt  }
0x76: {  	_ =	shalt  }
0x77: {  	_ =	shalt  }
0x78: {  	_ =	shalt  }
0x79: {  	_ =	shalt  }
0x7a: {  	_ =	shalt  }
0x7b: {  	_ =	shalt  }
0x7c: {  	_ =	shalt  }
0x7d: {  	_ =	shalt  }
0x7e: {  	_ =	shalt  }
0x7f: {  	_ =	shalt  }
0x80: {  	_ =	shalt  }
0x81: {  	_ =	shalt  }
0x82: {  	_ =	shalt  }
0x83: {  	_ =	shalt  }
0x84: {  	_ =	shalt  }
0x85: {  	_ =	shalt  }
0x86: {  	_ =	shalt  }
0x87: {  	_ =	shalt  }
.Lfunc_end0:
.L_simem_size_0:
called_computation_lowered:
.L_overlay_start_0:
0x88: {  	s2 =	sld [smem:$0x3FD9]  }
0x89: {  	s3 =	sld [smem:$0x3FFE];
	_ =	sdelay $0x1  }
0x8a: {  	s1 =	srdreg.scid  }
0x8b: {  	s0 =	sand.u32 $0x1, s1  }
0x8c: {  	s14 =	sshll.u32 s0, $0xA;
	s2 =	sadd.s32 s3, s2  }
0x8d: {  	s2 =	sadd.s32 s2, s14  }
0x8e: {  	[smem:$0x3FB2] =	sst s2  }
0x8f: {  	_ = 	snop  }
0x90: {  	s2 =	sld [smem:$0x3FD0];
	_ =	sdelay $0x2  }
0x91: {  	s15 =	simm.s32 $0xA;
	s4 =	simm.s32 $0x10  }
0x92: {  	[smem:s4], [sflag:s15] =	dma.local [hbm:s2], $0x1  }
0x93: {  	_ =	swait.eq [sflag:s15], $0x1  }
0x94: {  	[sflag:s15] =	ssyncset.done $0x0  }
0x95: {  	[sflag:s15] =	ssyncadd.s32 $0xFFFFFFFF  }
0x96: {  	s16 =	sld [smem:$0x11];
	(tm) =	ssettm $0x1  }
0x97: {  	s17 =	sld [smem:$0x3FFB];
	_ =	sdelay $0x3  }
0x98: {  	_ =	strace s17  }
0x99: {  	s3 =	sld [smem:$0x3FFC];
	_ =	sdelay $0x3  }
0x9a: {  	_ =	strace s3  }
0x9b: {  	s3 =	sld [smem:$0x3FFD];
	_ =	sdelay $0x3  }
0x9c: {  	_ =	strace s3  }
0x9d: {  	_ =	strace $0x8FFFFFFF  }
0x9e: {  	s18 =	sld [smem:$0x3FDB];
	_ =	sdelay $0x1  }
0x9f: {  	s19 =	simm.s32 $_scs_section_size  }
0xa0: {  	s5 =	simm.s32 $_size__tile_overlayer_lowered;
	s6 =	simm.s32 $_tile_overlayer_lowered  }
0xa1: {  	s22 =	simm.s32 $0x1BFF;
	s21 =	sshll.u32 s6, $0x1;
	s3 =	sadd.s32 s19, s18  }
0xa2: {  	s7 =	simm.s32 $0x0;
	s20 =	sshll.u32 s5, $0x1;
	s5 =	sadd.s32 s21, s3  }
0xa3: {  	[timem:s7], [sflag:s22] =	dma.local [hbm:s5], s20  }
0xa4: {  	_ =	swait.ge [sflag:s22], s20  }
0xa5: {  	s4 =	ssub.s32 $0x0, s20;
	[sflag:s22] =	ssyncset.done $0x0  }
0xa6: {  	[sflag:s22] =	ssyncadd.s32 s4;
	_ =	sdelay $0x1  }
0xa7: {  	s23 =	simm.s32 $0x1B8B  }
0xa8: {  	_ =	swait.ge [sflag:s23], $0x1  }
0xa9: {  	[sflag:s23] =	ssyncset.done $0x0  }
0xaa: {  	s25 =	simm.s32 $0x1B8E;
	s24 =	sld [smem:$0x3FFE];
	[sflag:s23] =	ssyncadd.s32 $0xFFFFFFFF  }
0xab: {  	s26 =	simm.s32 $execute0_lowered;
	[smem:$0x3FD2] =	sst s25  }
0xac: {  	s5 =	sshll.u32 s26, $0x1;
	_ =	strace $0x80000046;
	[dreg:$0x1] =	wrdreg $0xFFFFFFFF  }
0xad: {  	s28 =	simm.s32 $_size_execute0_lowered;
	s3 =	sadd.s32 s3, s5;
	[dreg:$0x0] =	wrdreg $0x0  }
0xae: {  	s5 =	sshll.u32 s28, $0x1;
	[dreg:$0x2] =	wrdreg s3  }
0xaf: {  	[dreg:$0x3] =	wrdreg s5  }
0xb0: {  	[dreg:$0x4] =	wrdreg $0xC0  }
0xb1: {  	_ =	task [dreg:s7], $0x5FFFF  }
0xb2: {  	[dreg:$0x1] =	wrdreg $0xFFFFFFFF  }
0xb3: {  	[dreg:$0x0] =	wrdreg $0x60  }
0xb4: {  	[dreg:$0x2] =	wrdreg s24  }
0xb5: {  	[dreg:$0x3] =	wrdreg s16  }
0xb6: {  	[dreg:$0x4] =	wrdreg $0x9  }
0xb7: {  	_ =	task.clear_ibuf [dreg:s7], $0x5FFFF;
	_ =	strace $0x90000046  }
0xb8: {  	s29 =	simm.s32 $0x9;
	_ =	strace $0x80000048  }
0xb9: {  	_ =	swait.ge [sflag:s29], $0x1  }
0xba: {  	[sflag:s29] =	ssyncadd.s32 $0xFFFFFFFF  }
0xbb: {  	_ =	strace $0x90000048  }
0xbc: {  	_ =	sfence  }
0xbd: {  	s30 =	sld [smem:$0x0];
	_ =	sdelay $0x2  }
0xbe: {  	s31 =	sshll.u32 s1, $0xD;
	s1 =	sshrl.u32 s1, $0x2  }
0xbf: {  	s3 =	sand.u32 $0x4000, s31;
	s1 =	sadd.s32 s1, s30  }
0xc0: {  	s0 =	sor.u32 s3, s0;
	s1 =	sshll.u32 s1, $0x11  }
0xc1: {  	s0 =	sor.u32 s1, s0  }
0xc2: {  	s0 =	sadd.s32 $0x8F2B, s0  }
0xc3: {  	[sflag:s0] =	ssyncadd.remote.s32 $0x1  }
0xc4: {  	_ =	sfence.sel $0xFFFF  }
0xc5: {  	[dreg:$0x0] =	wrdreg $0xFFFFFFFF;
	(pc) =	sbr.abs _section_cstart, $3  }
0xc6: {  	[dreg:$0x1] =	wrdreg $0xFFFFFFFF  }
0xc7: {  	_ =	task.clear_ibuf [dreg:s7], $0x2FFFF;
	_ =	strace $0x9FFFFFFF  }
0xc8: {  	(tm) =	ssettm $0x7FFFFFFF  }
0xc9: {  	_ =	shalt  }
tec
execute0_lowered:
.L_overlay_start_1:
0x0: {  	(tag) =	ssettag $0x1  }
0x1: {  	s0 =	rddreg [dreg:$0x0]  }
0x2: {  	s2 =	rddreg [dreg:$0x1];
	s3 =	simm.s32 $0x0;
	s1 =	srdreg.scid  }
0x3: {  	s4 =	stileid.u32;
	s14 =	simm.s32 $0x9;
	s16 =	simm.s32 $0x50  }
0x4: {  	s17 =	simm.s32 $0x8000;
	s18 =	simm.s32 $0xA800;
	s20 =	simm.s32 $0xD000  }
0x5: {  	s28 =	simm.s32 $0x3;
	s29 =	simm.s32 $0x5;
	s30 =	simm.s32 $0x12000  }
0x6: {  	s31 =	simm.s32 $0x4;
	s19 =	simm.s32 $0x7;
	s21 =	simm.s32 $0x8  }
0x7: {  	s22 =	simm.s32 $0x0;
	s1 =	sand.u32 $0x1, s1;
	s5 =	sshll.u32 s4, $0x1  }
0x8: {  	[smem:$0x7FF] =	sst s3;
	s4 =	sadd.s32 $0x24000, s0;
	s6 =	sor.u32 s1, s5  }
0x9: {  	_ =	strace $0x80000047;
	s1 =	ssub.s32 $0x2, s1;
	s5 =	smul.u32 $0x2710, s6  }
0xa: {  	s7 =	sshll.u32 s6, $0xB;
	s8 =	sshrl.u32 s1, $0x1;
	s10 =	smul.u32 $0x138800, s6  }
0xb: {  	s6 =	sadd.s32 $0x1AAA00, s0;
	s7 =	sadd.s32 s7, s0;
	s23 =	ssub.s32 s1, s8  }
0xc: {  	s24 =	sadd.s32 $0x4000, s7;
	s25 =	sadd.s32 $0x14000, s7;
	s9 =	sadd.s32 $0x50, s5  }
0xd: {  	s26 =	sshrl.u32 s10, $0x3;
	s10 =	sadd.s32 $0xA0, s5;
	[dreg:$0x3] =	wrdreg s24  }
0xe: {  	s11 =	sadd.s32 $0xF0, s5;
	s0 =	smax.u32 s23, $0x1;
	[dreg:$0x4] =	wrdreg s25  }
0xf: {  	s23 =	simm.s32 $0x1;
	s1 =	sadd.s32 s6, s26;
	[dreg:$0x6] =	wrdreg s0  }
0x10: {  	s24 =	simm.s32 $0x14800;
	s25 =	simm.s32 $0x2;
	s1 =	sadd.s32 $0x26C00, s1  }
0x11: {  	s26 =	simm.s32 $0x19800;
	s0 =	simm.s32 $0x17000;
	[dreg:$0x5] =	wrdreg s1  }
.LBB2_1:
0x12: {  	s1 =	rddreg [dreg:$0x3]  }
0x13: {  	[tilespmem:s3], [sflag:$0x9] =	stream.linear.gather [hbm4b:s1+s3], $0x3E80, $0x38;
	[tilespmem:$0x1C000] =	vst v63  }
0x14: {  	_ =	swait.ge [sflag:s14], $0x3E80  }
0x15: {  	[sflag:s14] =	ssyncset.done $0x0  }
0x16: {  	s7 =	simm.s32 $0x4000;
	s8 =	rddreg [dreg:$0x4];
	[sflag:s14] =	ssyncadd.s32 $0xFFFFC180  }
0x17: {  	[tilespmem:s7], [sflag:$0x9] =	stream.linear.gather [hbm4b:s8+s3], $0x3E80, $0x38;
	[tilespmem:$0x1C000] =	vst v63  }
0x18: {  	_ =	swait.ge [sflag:s14], $0x3E80  }
0x19: {  	[sflag:s14] =	ssyncset.done $0x0  }
0x1a: {  	[sflag:s14] =	ssyncadd.s32 $0xFFFFC180  }
0x1b: {  	[tilespmem:s17], [sflag:$0x1] =	stream.indirect.gather [hbm4b:s4+s16], $0x80, s3, s16, $0xb8;
	[tilespmem:$0x1C000] =	vst v63  }
0x1c: {  	_ = 	snop  }
0x1d: {  	[tilespmem:s18], [sflag:$0x1] =	stream.indirect.gather [hbm4b:s2+s16], $0x80, s7, s16, $0xb8;
	[tilespmem:$0x1C000] =	vst v63  }
0x1e: {  	s12 =	simm.s32 $0x80  }
0x1f: {  	[tilespmem:s20], [sflag:$0x2] =	stream.indirect.gather [hbm4b:s4+s16], $0x80, s12, s16, $0xb8;
	[tilespmem:$0x1C000] =	vst v63  }
0x20: {  	s13 =	simm.s32 $0x4080;
	s15 =	simm.s32 $0xF800;
	s7 =	simm.s32 $0x0  }
0x21: {  	[tilespmem:s15], [sflag:$0x2] =	stream.indirect.gather [hbm4b:s2+s16], $0x80, s13, s16, $0xb8;
	[tilespmem:$0x1C000] =	vst v63  }
.LBB2_2:
0x22: {  	_ =	swait.ge [sflag:s23], $0x2800  }
0x23: {  	[sflag:s23] =	ssyncset.done $0x0  }
0x24: {  	[sflag:s23] =	ssyncadd.s32 $0xFFFFD800  }
0x25: {  	p0 =	seq.s32 s7, $0x0;
	_ =	swait.ge [sflag:s23], $0x2800  }
0x26: {  	s8 =	simm.s32 @p0 $0x50;
	[sflag:s23] =	ssyncset.done $0x0  }
0x27: {  	s12 =	simm.s32 @p0 $0x100;
	s13 =	simm.s32 @p0 $0x12000;
	[sflag:s23] =	ssyncadd.s32 $0xFFFFD800  }
0x28: {  	[tilespmem:s13], [sflag:$0x3] =	stream.indirect.gather @p0 [hbm4b:s4+s8], $0x80, s12, s8, $0xb8;
	[tilespmem:$0x1C000] =	vst v63  }
0x29: {  	s8 =	simm.s32 @!p0 $0x7  }
0x2a: {  	_ =	swait.ge @!p0 [sflag:s8], $0x2800  }
0x2b: {  	[sflag:s8] =	ssyncset.done @!p0 $0x0  }
0x2c: {  	[sflag:s8] =	ssyncadd.s32 @!p0 $0xFFFFD800;
	s8 =	sshll.u32 @!p0 s7, $0x9  }
0x2d: {  	s15 =	simm.s32 @!p0 $0x12000;
	s13 =	simm.s32 @!p0 $0x50;
	s12 =	sor.u32 @!p0 $0x100, s8  }
0x2e: {  	[tilespmem:s15], [sflag:$0x3] =	stream.indirect.gather @!p0 [hbm4b:s4+s13], $0x80, s12, s13, $0xb8;
	[tilespmem:$0x1C000] =	vst v63  }
0x2f: {  	s12 =	sadd.s32 @!p0 $0x4100, s8  }
0x30: {  	s12 =	simm.s32 @p0 $0x4100  }
0x31: {  	[tilespmem:s24], [sflag:$0x3] =	stream.indirect.gather [hbm4b:s2+s16], $0x80, s12, s16, $0xb8;
	[tilespmem:$0x1C000] =	vst v63  }
0x32: {  	s12 =	simm.s32 $0x0  }
0x33: {  	v6 =	vld [tilespmem:s12+$0xA800]  }
0x34: {  	v11 =	vld [tilespmem:s12+$0xA810]  }
0x35: {  	v5 =	vld [tilespmem:s12+$0xA820]  }
0x36: {  	v4 =	vld [tilespmem:s12+$0xA830]  }
0x37: {  	v3 =	vld [tilespmem:s12+$0xA840]  }
0x38: {  	v2 =	vld [tilespmem:s12+$0xA850]  }
0x39: {  	v1 =	vld [tilespmem:s12+$0xA860]  }
0x3a: {  	v0 =	vld [tilespmem:s12+$0xA870]  }
0x3b: {  	v12 =	vld [tilespmem:s12+$0x8000]  }
0x3c: {  	v13 =	vld [tilespmem:s12+$0x8010]  }
0x3d: {  	v10 =	vld [tilespmem:s12+$0x8020]  }
0x3e: {  	v9 =	vld [tilespmem:s12+$0x8030]  }
0x3f: {  	v8 =	vld [tilespmem:s12+$0x8040]  }
0x40: {  	v7 =	vld [tilespmem:s12+$0x8050];
	v12 =	vadd.f32 v6, v12  }
0x41: {  	s15 =	simm.s32 $0x200;
	v11 =	vadd.f32 v11, v13;
	v6 =	vld [tilespmem:s12+$0x8060]  }
.LBB2_3:
0x42: {  	s13 =	sshra.s32 s15, $0x2;
	p1 =	sne.s32 s15, $0x9E00;
	[tilespmem:s12+$0x8000] =	vst v12;
	v5 =	vadd.f32 v5, v10;
	v10 =	vld [tilespmem:s12+$0x8070]  }
0x43: {  	v12 =	vld [tilespmem:s13+$0xA800];
	[tilespmem:s12+$0x8010] =	vst v11;
	v4 =	vadd.f32 v4, v9  }
0x44: {  	v11 =	vld [tilespmem:s13+$0xA810];
	[tilespmem:s12+$0x8020] =	vst v5;
	v3 =	vadd.f32 v3, v8  }
0x45: {  	v5 =	vld [tilespmem:s13+$0xA820];
	[tilespmem:s12+$0x8030] =	vst v4;
	v2 =	vadd.f32 v2, v7  }
0x46: {  	v4 =	vld [tilespmem:s13+$0xA830];
	[tilespmem:s12+$0x8040] =	vst v3;
	v1 =	vadd.f32 v1, v6  }
0x47: {  	v3 =	vld [tilespmem:s13+$0xA840];
	[tilespmem:s12+$0x8050] =	vst v2;
	v0 =	vadd.f32 v0, v10  }
0x48: {  	v2 =	vld [tilespmem:s13+$0xA850];
	[tilespmem:s12+$0x8060] =	vst v1  }
0x49: {  	v1 =	vld [tilespmem:s13+$0xA860];
	[tilespmem:s12+$0x8070] =	vst v0;
	s12 =	smov.u32 s13  }
0x4a: {  	v0 =	vld [tilespmem:s12+$0xA870]  }
0x4b: {  	v6 =	vld [tilespmem:s12+$0x8000]  }
0x4c: {  	v13 =	vld [tilespmem:s12+$0x8010]  }
.Ltmp0:
0x4d: {  	v10 =	vld [tilespmem:s12+$0x8020];
	(pc) =	sbr.rel @p1 .LBB2_3-.Ltmp0, $4  }
0x4e: {  	v9 =	vld [tilespmem:s12+$0x8030]  }
0x4f: {  	v8 =	vld [tilespmem:s12+$0x8040]  }
0x50: {  	v12 =	vadd.f32 v12, v6;
	v7 =	vld [tilespmem:s12+$0x8050]  }
0x51: {  	s15 =	sadd.s32 $0x200, s15;
	v11 =	vadd.f32 v11, v13;
	v6 =	vld [tilespmem:s12+$0x8060]  }
0x52: {  	[tilespmem:s12+$0x8000] =	vst v12;
	v5 =	vadd.f32 v5, v10;
	v10 =	vld [tilespmem:s12+$0x8070]  }
0x53: {  	[tilespmem:s12+$0x8010] =	vst v11;
	v4 =	vadd.f32 v4, v9  }
0x54: {  	[tilespmem:s12+$0x8020] =	vst v5;
	v3 =	vadd.f32 v3, v8  }
0x55: {  	s15 =	smul.u32 $0x140, s7;
	[tilespmem:s12+$0x8030] =	vst v4;
	v2 =	vadd.f32 v2, v7  }
0x56: {  	[tilespmem:s12+$0x8040] =	vst v3;
	v1 =	vadd.f32 v1, v6  }
0x57: {  	s13 =	sadd.s32 s5, s15;
	[tilespmem:s12+$0x8050] =	vst v2;
	v0 =	vadd.f32 v0, v10  }
0x58: {  	s13 =	sshll.u32 s13, $0x4;
	[tilespmem:s12+$0x8060] =	vst v1  }
0x59: {  	s13 =	sadd.s32 s6, s13;
	[tilespmem:s12+$0x8070] =	vst v0  }
0x5a: {  	[hbm4b:s13+s3] =	stream.linear.scatter [tilespmem:s17], [sflag:$0x5], $0x2800, $0x38;
	[tilespmem:$0x1C000] =	vst v63  }
0x5b: {  	_ =	swait.ge [sflag:s25], $0x2800  }
0x5c: {  	[sflag:s25] =	ssyncset.done $0x0  }
0x5d: {  	[sflag:s25] =	ssyncadd.s32 $0xFFFFD800  }
0x5e: {  	_ =	swait.ge [sflag:s25], $0x2800  }
0x5f: {  	s1 =	simm.s32 @p0 $0x17000;
	[sflag:s25] =	ssyncset.done $0x0  }
0x60: {  	s12 =	simm.s32 @p0 $0x50;
	s13 =	simm.s32 @p0 $0x180;
	[sflag:s25] =	ssyncadd.s32 $0xFFFFD800  }
0x61: {  	[tilespmem:s1], [sflag:$0x4] =	stream.indirect.gather @p0 [hbm4b:s4+s12], $0x80, s13, s12, $0xb8;
	[tilespmem:$0x1C000] =	vst v63  }
0x62: {  	s1 =	simm.s32 @!p0 $0x8  }
0x63: {  	_ =	swait.ge @!p0 [sflag:s1], $0x2800  }
0x64: {  	s12 =	simm.s32 @!p0 $0x50;
	[sflag:s1] =	ssyncset.done @!p0 $0x0  }
0x65: {  	s13 =	simm.s32 @!p0 $0x17000;
	[sflag:s1] =	ssyncadd.s32 @!p0 $0xFFFFD800;
	s1 =	sor.u32 @!p0 $0x180, s8  }
0x66: {  	[tilespmem:s13], [sflag:$0x4] =	stream.indirect.gather @!p0 [hbm4b:s4+s12], $0x80, s1, s12, $0xb8;
	[tilespmem:$0x1C000] =	vst v63  }
0x67: {  	s1 =	sadd.s32 @!p0 $0x4180, s8  }
0x68: {  	s8 =	simm.s32 $0x0;
	s1 =	simm.s32 @p0 $0x4180  }
0x69: {  	[tilespmem:s26], [sflag:$0x4] =	stream.indirect.gather [hbm4b:s2+s16], $0x80, s1, s16, $0xb8;
	[tilespmem:$0x1C000] =	vst v63  }
0x6a: {  	v7 =	vld [tilespmem:s8+$0xF800]  }
0x6b: {  	v11 =	vld [tilespmem:s8+$0xF810]  }
0x6c: {  	v5 =	vld [tilespmem:s8+$0xF820]  }
0x6d: {  	v4 =	vld [tilespmem:s8+$0xF830]  }
0x6e: {  	v3 =	vld [tilespmem:s8+$0xF840]  }
0x6f: {  	v2 =	vld [tilespmem:s8+$0xF850]  }
0x70: {  	v1 =	vld [tilespmem:s8+$0xF860]  }
0x71: {  	v0 =	vld [tilespmem:s8+$0xF870]  }
0x72: {  	v12 =	vld [tilespmem:s8+$0xD000]  }
0x73: {  	v13 =	vld [tilespmem:s8+$0xD010]  }
0x74: {  	v10 =	vld [tilespmem:s8+$0xD020]  }
0x75: {  	v9 =	vld [tilespmem:s8+$0xD030]  }
0x76: {  	v8 =	vld [tilespmem:s8+$0xD040]  }
0x77: {  	v6 =	vld [tilespmem:s8+$0xD050];
	v12 =	vadd.f32 v7, v12  }
0x78: {  	s12 =	simm.s32 $0x200;
	v11 =	vadd.f32 v11, v13;
	v7 =	vld [tilespmem:s8+$0xD060]  }
.LBB2_5:
0x79: {  	s1 =	sshra.s32 s12, $0x2;
	p0 =	sne.s32 s12, $0x9E00;
	[tilespmem:s8+$0xD000] =	vst v12;
	v5 =	vadd.f32 v5, v10;
	v10 =	vld [tilespmem:s8+$0xD070]  }
0x7a: {  	v12 =	vld [tilespmem:s1+$0xF800];
	[tilespmem:s8+$0xD010] =	vst v11;
	v4 =	vadd.f32 v4, v9  }
0x7b: {  	v11 =	vld [tilespmem:s1+$0xF810];
	[tilespmem:s8+$0xD020] =	vst v5;
	v3 =	vadd.f32 v3, v8  }
0x7c: {  	v5 =	vld [tilespmem:s1+$0xF820];
	[tilespmem:s8+$0xD030] =	vst v4;
	v2 =	vadd.f32 v2, v6  }
0x7d: {  	v4 =	vld [tilespmem:s1+$0xF830];
	[tilespmem:s8+$0xD040] =	vst v3;
	v1 =	vadd.f32 v1, v7  }
0x7e: {  	v3 =	vld [tilespmem:s1+$0xF840];
	[tilespmem:s8+$0xD050] =	vst v2;
	v0 =	vadd.f32 v0, v10  }
0x7f: {  	v2 =	vld [tilespmem:s1+$0xF850];
	[tilespmem:s8+$0xD060] =	vst v1  }
0x80: {  	v1 =	vld [tilespmem:s1+$0xF860];
	[tilespmem:s8+$0xD070] =	vst v0;
	s8 =	smov.u32 s1  }
0x81: {  	v0 =	vld [tilespmem:s8+$0xF870]  }
0x82: {  	v6 =	vld [tilespmem:s8+$0xD000]  }
0x83: {  	v7 =	vld [tilespmem:s8+$0xD010]  }
.Ltmp1:
0x84: {  	v10 =	vld [tilespmem:s8+$0xD020];
	(pc) =	sbr.rel @p0 .LBB2_5-.Ltmp1, $4  }
0x85: {  	v9 =	vld [tilespmem:s8+$0xD030]  }
0x86: {  	v8 =	vld [tilespmem:s8+$0xD040]  }
0x87: {  	v12 =	vadd.f32 v12, v6;
	v6 =	vld [tilespmem:s8+$0xD050]  }
0x88: {  	s12 =	sadd.s32 $0x200, s12;
	v11 =	vadd.f32 v11, v7;
	v7 =	vld [tilespmem:s8+$0xD060]  }
0x89: {  	[tilespmem:s8+$0xD000] =	vst v12;
	v5 =	vadd.f32 v5, v10;
	v10 =	vld [tilespmem:s8+$0xD070]  }
0x8a: {  	[tilespmem:s8+$0xD010] =	vst v11;
	v4 =	vadd.f32 v4, v9  }
0x8b: {  	[tilespmem:s8+$0xD020] =	vst v5;
	v3 =	vadd.f32 v3, v8  }
0x8c: {  	[tilespmem:s8+$0xD030] =	vst v4;
	v2 =	vadd.f32 v2, v6  }
0x8d: {  	[tilespmem:s8+$0xD040] =	vst v3;
	v1 =	vadd.f32 v1, v7  }
0x8e: {  	s1 =	sadd.s32 s15, s9;
	[tilespmem:s8+$0xD050] =	vst v2;
	v0 =	vadd.f32 v0, v10  }
0x8f: {  	s1 =	sshll.u32 s1, $0x4;
	[tilespmem:s8+$0xD060] =	vst v1  }
0x90: {  	s13 =	simm.s32 $0x0;
	s1 =	sadd.s32 s6, s1;
	[tilespmem:s8+$0xD070] =	vst v0  }
0x91: {  	[hbm4b:s1+s13] =	stream.linear.scatter [tilespmem:s20], [sflag:$0x6], $0x2800, $0x38;
	[tilespmem:$0x1C000] =	vst v63  }
0x92: {  	_ =	swait.ge [sflag:s28], $0x2800  }
0x93: {  	[sflag:s28] =	ssyncset.done $0x0  }
0x94: {  	[sflag:s28] =	ssyncadd.s32 $0xFFFFD800  }
0x95: {  	_ =	swait.ge [sflag:s28], $0x2800  }
0x96: {  	[sflag:s28] =	ssyncset.done $0x0  }
0x97: {  	[sflag:s28] =	ssyncadd.s32 $0xFFFFD800  }
0x98: {  	_ =	swait.ge [sflag:s29], $0x2800  }
0x99: {  	s8 =	sshll.u32 s7, $0x9;
	[sflag:s29] =	ssyncset.done $0x0  }
0x9a: {  	s12 =	sadd.s32 $0x200, s8;
	[sflag:s29] =	ssyncadd.s32 $0xFFFFD800  }
0x9b: {  	[tilespmem:s17], [sflag:$0x1] =	stream.indirect.gather [hbm4b:s4+s16], $0x80, s12, s16, $0xb8;
	[tilespmem:$0x1C000] =	vst v63  }
0x9c: {  	s13 =	sadd.s32 $0x4200, s8;
	s12 =	simm.s32 $0x0  }
0x9d: {  	[tilespmem:s18], [sflag:$0x1] =	stream.indirect.gather [hbm4b:s2+s16], $0x80, s13, s16, $0xb8;
	[tilespmem:$0x1C000] =	vst v63  }
0x9e: {  	v7 =	vld [tilespmem:s12+$0x14800]  }
0x9f: {  	v11 =	vld [tilespmem:s12+$0x14810]  }
0xa0: {  	v5 =	vld [tilespmem:s12+$0x14820]  }
0xa1: {  	v4 =	vld [tilespmem:s12+$0x14830]  }
0xa2: {  	v3 =	vld [tilespmem:s12+$0x14840]  }
0xa3: {  	v2 =	vld [tilespmem:s12+$0x14850]  }
0xa4: {  	v1 =	vld [tilespmem:s12+$0x14860]  }
0xa5: {  	v0 =	vld [tilespmem:s12+$0x14870]  }
0xa6: {  	v12 =	vld [tilespmem:s12+$0x12000]  }
0xa7: {  	v13 =	vld [tilespmem:s12+$0x12010]  }
0xa8: {  	v10 =	vld [tilespmem:s12+$0x12020]  }
0xa9: {  	v9 =	vld [tilespmem:s12+$0x12030]  }
0xaa: {  	v8 =	vld [tilespmem:s12+$0x12040]  }
0xab: {  	v6 =	vld [tilespmem:s12+$0x12050];
	v12 =	vadd.f32 v7, v12  }
0xac: {  	s13 =	simm.s32 $0x200;
	v11 =	vadd.f32 v11, v13;
	v7 =	vld [tilespmem:s12+$0x12060]  }
.LBB2_7:
0xad: {  	s1 =	sshra.s32 s13, $0x2;
	p0 =	sne.s32 s13, $0x9E00;
	[tilespmem:s12+$0x12000] =	vst v12;
	v5 =	vadd.f32 v5, v10;
	v10 =	vld [tilespmem:s12+$0x12070]  }
0xae: {  	v12 =	vld [tilespmem:s1+$0x14800];
	[tilespmem:s12+$0x12010] =	vst v11;
	v4 =	vadd.f32 v4, v9  }
0xaf: {  	v11 =	vld [tilespmem:s1+$0x14810];
	[tilespmem:s12+$0x12020] =	vst v5;
	v3 =	vadd.f32 v3, v8  }
0xb0: {  	v5 =	vld [tilespmem:s1+$0x14820];
	[tilespmem:s12+$0x12030] =	vst v4;
	v2 =	vadd.f32 v2, v6  }
0xb1: {  	v4 =	vld [tilespmem:s1+$0x14830];
	[tilespmem:s12+$0x12040] =	vst v3;
	v1 =	vadd.f32 v1, v7  }
0xb2: {  	v3 =	vld [tilespmem:s1+$0x14840];
	[tilespmem:s12+$0x12050] =	vst v2;
	v0 =	vadd.f32 v0, v10  }
0xb3: {  	v2 =	vld [tilespmem:s1+$0x14850];
	[tilespmem:s12+$0x12060] =	vst v1  }
0xb4: {  	v1 =	vld [tilespmem:s1+$0x14860];
	[tilespmem:s12+$0x12070] =	vst v0;
	s12 =	smov.u32 s1  }
0xb5: {  	v0 =	vld [tilespmem:s12+$0x14870]  }
0xb6: {  	v6 =	vld [tilespmem:s12+$0x12000]  }
0xb7: {  	v7 =	vld [tilespmem:s12+$0x12010]  }
.Ltmp2:
0xb8: {  	v10 =	vld [tilespmem:s12+$0x12020];
	(pc) =	sbr.rel @p0 .LBB2_7-.Ltmp2, $4  }
0xb9: {  	v9 =	vld [tilespmem:s12+$0x12030]  }
0xba: {  	v8 =	vld [tilespmem:s12+$0x12040]  }
0xbb: {  	v12 =	vadd.f32 v12, v6;
	v6 =	vld [tilespmem:s12+$0x12050]  }
0xbc: {  	s13 =	sadd.s32 $0x200, s13;
	v11 =	vadd.f32 v11, v7;
	v7 =	vld [tilespmem:s12+$0x12060]  }
0xbd: {  	[tilespmem:s12+$0x12000] =	vst v12;
	v5 =	vadd.f32 v5, v10;
	v10 =	vld [tilespmem:s12+$0x12070]  }
0xbe: {  	[tilespmem:s12+$0x12010] =	vst v11;
	v4 =	vadd.f32 v4, v9  }
0xbf: {  	[tilespmem:s12+$0x12020] =	vst v5;
	v3 =	vadd.f32 v3, v8  }
0xc0: {  	[tilespmem:s12+$0x12030] =	vst v4;
	v2 =	vadd.f32 v2, v6  }
0xc1: {  	[tilespmem:s12+$0x12040] =	vst v3;
	v1 =	vadd.f32 v1, v7  }
0xc2: {  	s1 =	sadd.s32 s15, s10;
	[tilespmem:s12+$0x12050] =	vst v2;
	v0 =	vadd.f32 v0, v10  }
0xc3: {  	s1 =	sshll.u32 s1, $0x4;
	[tilespmem:s12+$0x12060] =	vst v1  }
0xc4: {  	s1 =	sadd.s32 s6, s1;
	[tilespmem:s12+$0x12070] =	vst v0  }
0xc5: {  	[hbm4b:s1+s3] =	stream.linear.scatter [tilespmem:s30], [sflag:$0x7], $0x2800, $0x38;
	[tilespmem:$0x1C000] =	vst v63  }
0xc6: {  	_ =	swait.ge [sflag:s31], $0x2800  }
0xc7: {  	[sflag:s31] =	ssyncset.done $0x0  }
0xc8: {  	[sflag:s31] =	ssyncadd.s32 $0xFFFFD800  }
0xc9: {  	_ =	swait.ge [sflag:s31], $0x2800  }
0xca: {  	p0 =	seq.s32 s7, $0x1E;
	[sflag:s31] =	ssyncset.done $0x0  }
0xcb: {  	s1 =	simm.s32 @!p0 $0x6;
	[sflag:s31] =	ssyncadd.s32 $0xFFFFD800  }
0xcc: {  	_ =	swait.ge @!p0 [sflag:s1], $0x2800  }
0xcd: {  	s13 =	simm.s32 @!p0 $0xD000;
	[sflag:s1] =	ssyncset.done @!p0 $0x0  }
0xce: {  	s12 =	simm.s32 @!p0 $0x50;
	[sflag:s1] =	ssyncadd.s32 @!p0 $0xFFFFD800;
	s1 =	sadd.s32 @!p0 $0x280, s8  }
0xcf: {  	[tilespmem:s13], [sflag:$0x2] =	stream.indirect.gather @!p0 [hbm4b:s4+s12], $0x80, s1, s12, $0xb8;
	[tilespmem:$0x1C000] =	vst v63  }
0xd0: {  	s1 =	sadd.s32 @!p0 $0x4280, s8;
	s8 =	simm.s32 @!p0 $0xF800  }
0xd1: {  	[tilespmem:s8], [sflag:$0x2] =	stream.indirect.gather @!p0 [hbm4b:s2+s12], $0x80, s1, s12, $0xb8;
	[tilespmem:$0x1C000] =	vst v63  }
0xd2: {  	s8 =	simm.s32 $0x0  }
0xd3: {  	v7 =	vld [tilespmem:s8+$0x19800]  }
0xd4: {  	v11 =	vld [tilespmem:s8+$0x19810]  }
0xd5: {  	v5 =	vld [tilespmem:s8+$0x19820]  }
0xd6: {  	v4 =	vld [tilespmem:s8+$0x19830]  }
0xd7: {  	v3 =	vld [tilespmem:s8+$0x19840]  }
0xd8: {  	v2 =	vld [tilespmem:s8+$0x19850]  }
0xd9: {  	v1 =	vld [tilespmem:s8+$0x19860]  }
0xda: {  	v0 =	vld [tilespmem:s8+$0x19870]  }
0xdb: {  	v12 =	vld [tilespmem:s8+$0x17000]  }
0xdc: {  	v13 =	vld [tilespmem:s8+$0x17010]  }
0xdd: {  	v10 =	vld [tilespmem:s8+$0x17020]  }
0xde: {  	v9 =	vld [tilespmem:s8+$0x17030]  }
0xdf: {  	v8 =	vld [tilespmem:s8+$0x17040]  }
0xe0: {  	v6 =	vld [tilespmem:s8+$0x17050];
	v12 =	vadd.f32 v7, v12  }
0xe1: {  	s12 =	simm.s32 $0x200;
	v11 =	vadd.f32 v11, v13;
	v7 =	vld [tilespmem:s8+$0x17060]  }
.LBB2_9:
0xe2: {  	s1 =	sshra.s32 s12, $0x2;
	p0 =	sne.s32 s12, $0x9E00;
	[tilespmem:s8+$0x17000] =	vst v12;
	v5 =	vadd.f32 v5, v10;
	v10 =	vld [tilespmem:s8+$0x17070]  }
0xe3: {  	v12 =	vld [tilespmem:s1+$0x19800];
	[tilespmem:s8+$0x17010] =	vst v11;
	v4 =	vadd.f32 v4, v9  }
0xe4: {  	v11 =	vld [tilespmem:s1+$0x19810];
	[tilespmem:s8+$0x17020] =	vst v5;
	v3 =	vadd.f32 v3, v8  }
0xe5: {  	v5 =	vld [tilespmem:s1+$0x19820];
	[tilespmem:s8+$0x17030] =	vst v4;
	v2 =	vadd.f32 v2, v6  }
0xe6: {  	v4 =	vld [tilespmem:s1+$0x19830];
	[tilespmem:s8+$0x17040] =	vst v3;
	v1 =	vadd.f32 v1, v7  }
0xe7: {  	v3 =	vld [tilespmem:s1+$0x19840];
	[tilespmem:s8+$0x17050] =	vst v2;
	v0 =	vadd.f32 v0, v10  }
0xe8: {  	v2 =	vld [tilespmem:s1+$0x19850];
	[tilespmem:s8+$0x17060] =	vst v1  }
0xe9: {  	v1 =	vld [tilespmem:s1+$0x19860];
	[tilespmem:s8+$0x17070] =	vst v0;
	s8 =	smov.u32 s1  }
0xea: {  	v0 =	vld [tilespmem:s8+$0x19870]  }
0xeb: {  	v6 =	vld [tilespmem:s8+$0x17000]  }
0xec: {  	v7 =	vld [tilespmem:s8+$0x17010]  }
.Ltmp3:
0xed: {  	v10 =	vld [tilespmem:s8+$0x17020];
	(pc) =	sbr.rel @p0 .LBB2_9-.Ltmp3, $4  }
0xee: {  	v9 =	vld [tilespmem:s8+$0x17030]  }
0xef: {  	v8 =	vld [tilespmem:s8+$0x17040]  }
0xf0: {  	v12 =	vadd.f32 v12, v6;
	v6 =	vld [tilespmem:s8+$0x17050]  }
0xf1: {  	s12 =	sadd.s32 $0x200, s12;
	v11 =	vadd.f32 v11, v7;
	v7 =	vld [tilespmem:s8+$0x17060]  }
0xf2: {  	[tilespmem:s8+$0x17000] =	vst v12;
	v5 =	vadd.f32 v5, v10;
	v63 =	vld [tilespmem:s8+$0x17070]  }
0xf3: {  	[tilespmem:s8+$0x17010] =	vst v11;
	v4 =	vadd.f32 v4, v9  }
0xf4: {  	s7 =	sadd.s32 $0x1, s7;
	[tilespmem:s8+$0x17020] =	vst v5;
	v3 =	vadd.f32 v3, v8  }
0xf5: {  	p0 =	sne.s32 s7, $0x1F;
	[tilespmem:s8+$0x17030] =	vst v4;
	v2 =	vadd.f32 v2, v6  }
.Ltmp4:
0xf6: {  	[tilespmem:s8+$0x17040] =	vst v3;
	v1 =	vadd.f32 v1, v7;
	(pc) =	sbr.rel @p0 .LBB2_2-.Ltmp4, $4  }
0xf7: {  	s1 =	sadd.s32 s15, s11;
	[tilespmem:s8+$0x17050] =	vst v2;
	v0 =	vadd.f32 v0, v63  }
0xf8: {  	s1 =	sshll.u32 s1, $0x4;
	[tilespmem:s8+$0x17060] =	vst v1  }
0xf9: {  	s1 =	sadd.s32 s6, s1;
	[tilespmem:s8+$0x17070] =	vst v0  }
0xfa: {  	[hbm4b:s1+s3] =	stream.linear.scatter [tilespmem:s0], [sflag:$0x8], $0x2800, $0x38;
	[tilespmem:$0x1C000] =	vst v63  }
0xfb: {  	_ =	swait.ge [sflag:s23], $0x2800  }
0xfc: {  	[sflag:s23] =	ssyncset.done $0x0  }
0xfd: {  	[sflag:s23] =	ssyncadd.s32 $0xFFFFD800  }
0xfe: {  	_ =	swait.ge [sflag:s23], $0x2800  }
0xff: {  	[sflag:s23] =	ssyncset.done $0x0  }
0x100: {  	s7 =	simm.s32 $0x0;
	[sflag:s23] =	ssyncadd.s32 $0xFFFFD800  }
0x101: {  	v7 =	vld [tilespmem:s7+$0xA800]  }
0x102: {  	v11 =	vld [tilespmem:s7+$0xA810]  }
0x103: {  	v5 =	vld [tilespmem:s7+$0xA820]  }
0x104: {  	v4 =	vld [tilespmem:s7+$0xA830]  }
0x105: {  	v3 =	vld [tilespmem:s7+$0xA840]  }
0x106: {  	v2 =	vld [tilespmem:s7+$0xA850]  }
0x107: {  	v1 =	vld [tilespmem:s7+$0xA860]  }
0x108: {  	v0 =	vld [tilespmem:s7+$0xA870]  }
0x109: {  	v12 =	vld [tilespmem:s7+$0x8000]  }
0x10a: {  	v13 =	vld [tilespmem:s7+$0x8010]  }
0x10b: {  	v10 =	vld [tilespmem:s7+$0x8020]  }
0x10c: {  	v9 =	vld [tilespmem:s7+$0x8030]  }
0x10d: {  	v8 =	vld [tilespmem:s7+$0x8040]  }
0x10e: {  	v6 =	vld [tilespmem:s7+$0x8050];
	v12 =	vadd.f32 v7, v12  }
0x10f: {  	s8 =	simm.s32 $0x200;
	v11 =	vadd.f32 v11, v13;
	v7 =	vld [tilespmem:s7+$0x8060]  }
.LBB2_12:
0x110: {  	s1 =	sshra.s32 s8, $0x2;
	p0 =	sne.s32 s8, $0x9E00;
	[tilespmem:s7+$0x8000] =	vst v12;
	v5 =	vadd.f32 v5, v10;
	v10 =	vld [tilespmem:s7+$0x8070]  }
0x111: {  	v12 =	vld [tilespmem:s1+$0xA800];
	[tilespmem:s7+$0x8010] =	vst v11;
	v4 =	vadd.f32 v4, v9  }
0x112: {  	v11 =	vld [tilespmem:s1+$0xA810];
	[tilespmem:s7+$0x8020] =	vst v5;
	v3 =	vadd.f32 v3, v8  }
0x113: {  	v5 =	vld [tilespmem:s1+$0xA820];
	[tilespmem:s7+$0x8030] =	vst v4;
	v2 =	vadd.f32 v2, v6  }
0x114: {  	v4 =	vld [tilespmem:s1+$0xA830];
	[tilespmem:s7+$0x8040] =	vst v3;
	v1 =	vadd.f32 v1, v7  }
0x115: {  	v3 =	vld [tilespmem:s1+$0xA840];
	[tilespmem:s7+$0x8050] =	vst v2;
	v0 =	vadd.f32 v0, v10  }
0x116: {  	v2 =	vld [tilespmem:s1+$0xA850];
	[tilespmem:s7+$0x8060] =	vst v1  }
0x117: {  	v1 =	vld [tilespmem:s1+$0xA860];
	[tilespmem:s7+$0x8070] =	vst v0;
	s7 =	smov.u32 s1  }
0x118: {  	v0 =	vld [tilespmem:s7+$0xA870]  }
0x119: {  	v6 =	vld [tilespmem:s7+$0x8000]  }
0x11a: {  	v7 =	vld [tilespmem:s7+$0x8010]  }
.Ltmp5:
0x11b: {  	v10 =	vld [tilespmem:s7+$0x8020];
	(pc) =	sbr.rel @p0 .LBB2_12-.Ltmp5, $4  }
0x11c: {  	v9 =	vld [tilespmem:s7+$0x8030]  }
0x11d: {  	v8 =	vld [tilespmem:s7+$0x8040]  }
0x11e: {  	v12 =	vadd.f32 v12, v6;
	v6 =	vld [tilespmem:s7+$0x8050]  }
0x11f: {  	s8 =	sadd.s32 $0x200, s8;
	v11 =	vadd.f32 v11, v7;
	v7 =	vld [tilespmem:s7+$0x8060]  }
0x120: {  	[tilespmem:s7+$0x8000] =	vst v12;
	v5 =	vadd.f32 v5, v10;
	v63 =	vld [tilespmem:s7+$0x8070]  }
0x121: {  	[tilespmem:s7+$0x8010] =	vst v11;
	v4 =	vadd.f32 v4, v9  }
0x122: {  	[tilespmem:s7+$0x8020] =	vst v5;
	v3 =	vadd.f32 v3, v8  }
0x123: {  	[tilespmem:s7+$0x8030] =	vst v4;
	v2 =	vadd.f32 v2, v6  }
0x124: {  	[tilespmem:s7+$0x8040] =	vst v3;
	v1 =	vadd.f32 v1, v7  }
0x125: {  	[tilespmem:s7+$0x8050] =	vst v2;
	v0 =	vadd.f32 v0, v63  }
0x126: {  	[tilespmem:s7+$0x8060] =	vst v1  }
0x127: {  	s1 =	rddreg [dreg:$0x5];
	s13 =	simm.s32 $0x6;
	[tilespmem:s7+$0x8070] =	vst v0  }
0x128: {  	[hbm4b:s1+s3] =	stream.linear.scatter [tilespmem:s17], [sflag:$0x5], $0x2800, $0x38;
	[tilespmem:$0x1C000] =	vst v63  }
0x129: {  	_ =	swait.ge [sflag:s13], $0x2800  }
0x12a: {  	[sflag:s13] =	ssyncset.done $0x0  }
0x12b: {  	[sflag:s13] =	ssyncadd.s32 $0xFFFFD800  }
0x12c: {  	_ =	swait.ge [sflag:s19], $0x2800  }
0x12d: {  	[sflag:s19] =	ssyncset.done $0x0  }
0x12e: {  	[sflag:s19] =	ssyncadd.s32 $0xFFFFD800  }
0x12f: {  	_ =	swait.ge [sflag:s21], $0x2800  }
0x130: {  	[sflag:s21] =	ssyncset.done $0x0  }
0x131: {  	[sflag:s21] =	ssyncadd.s32 $0xFFFFD800  }
0x132: {  	_ =	swait.ge [sflag:s29], $0x2800  }
0x133: {  	s22 =	sadd.s32 $0x1, s22;
	s15 =	rddreg [dreg:$0x6]  }
0x134: {  	p0 =	sne.s32 s22, s15  }
.Ltmp6:
0x135: {  	_ = 	snop;
	(pc) =	sbr.rel @p0 .LBB2_1-.Ltmp6, $3  }
0x136: {  	_ =	sdelay $0x1  }
0x137: {  	[sflag:s29] =	ssyncset.done $0x0  }
0x138: {  	[sflag:s29] =	ssyncadd.s32 $0xFFFFD800  }
0x139: {  	_ =	sfence.sel $0x180000  }
0x13a: {  	[bflag:$0x0] =	sbarrier.arrive $0xFFFF  }
0x13b: {  	_ =	strace $0x90000047  }
0x13c: {  	s0 =	stileid.u32;
	[bflag:$0x2] =	sbarrier.arrive $0xFFFF  }
0x13d: {  	p0 =	sne.s32 s0, $0x0;
	s0 =	rddreg [dreg:$0x2]  }
0x13e: {  	s0 =	sadd.s32 @!p0 $0x100000, s0  }
0x13f: {  	[sflag:s0] =	ssyncadd.tile.s32 @!p0 $0x1;
	_ =	shalt  }
.Lfunc_end2:
_tile_overlayer_lowered:
.L_overlay_start_2:
0x140: {  	(tag) =	ssettag $0x2  }
0x141: {  	s0 =	rddreg [dreg:$0x0];
	s2 =	stileid.u32  }
0x142: {  	s1 =	rddreg [dreg:$0x1];
	p0 =	sne.s32 s2, $0x0  }
0x143: {  	s3 =	rddreg [dreg:$0x2];
	[bflag:$0x3] =	sbarrier.arrive $0xFFFF;
	s2 =	simm.s32 @!p0 $0x1C09  }
0x144: {  	[timem:s3], [sflag:s2] =	dma.local @!p0 [hbm:s0], s1  }
0x145: {  	s0 =	simm.s32 @!p0 $0x9  }
0x146: {  	_ =	swait.ge @!p0 [sflag:s0], s1  }
0x147: {  	s1 =	ssub.s32 @!p0 $0x0, s1;
	[sflag:s0] =	ssyncset.done @!p0 $0x0  }
0x148: {  	[sflag:s0] =	ssyncadd.s32 @!p0 s1  }
0x149: {  	[bflag:$0x3] =	sbarrier.arrive $0xFFFF  }
0x14a: {  	_ =	shalt  }

</sc_bundles>
